<compile_context>
chip_gen: v7x
topology: tpu7x:2x2x1
jax: 0.10.2.dev20260603
libtpu: 0.0.44.dev20260713+nightly
codegen_flags: <defaults>
</compile_context>

<pallas_src>
import functools

import jax
import jax.numpy as jnp
from jax import lax
from jax.experimental import pallas as pl
from jax.experimental.pallas import tpu as pltpu
from jax.experimental.pallas import tpu_sc as plsc

E = 6400000
N = 100000
NPAD = 100352
NW = 32
E_PER_W = E // NW
BLK = 2000
NBLK = E_PER_W // BLK
VEC = 16
SUB = BLK // VEC
UNROLL = 25
NBUF = 5
NGRP = NBLK // NBUF
WCH = 12544


def _sc_partial_sums(x, index):
  mesh = plsc.VectorSubcoreMesh(core_axis_name="c", subcore_axis_name="s")

  @functools.partial(
      pl.kernel,
      mesh=mesh,
      out_type=(
          jax.ShapeDtypeStruct((NW, NPAD), jnp.float32),
          jax.ShapeDtypeStruct((NW, VEC), jnp.int32),
      ),
      compiler_params=pltpu.CompilerParams(needs_layout_passes=False),
      scratch_types=[
          pltpu.VMEM((NPAD,), jnp.float32),
          [pltpu.VMEM((BLK,), jnp.float32)] * NBUF,
          [pltpu.VMEM((BLK,), jnp.int32)] * NBUF,
          pltpu.VMEM((VEC,), jnp.int32),
          pltpu.VMEM((VEC,), jnp.int32),
          [pltpu.SemaphoreType.DMA] * NBUF,
          [pltpu.SemaphoreType.DMA] * NBUF,
          pltpu.SemaphoreType.DMA,
          pltpu.SemaphoreType.DMA,
      ],
  )
  def k(x_hbm, idx_hbm, out_hbm, bounds_hbm, acc, xb, ib, fb, lb,
        sx, si, sf, sl):
    cid = lax.axis_index("c")
    sid = lax.axis_index("s")
    wid = sid * 2 + cid
    base = wid * E_PER_W

    zeros = jnp.zeros((VEC,), jnp.float32)
    iota16 = lax.iota(jnp.int32, VEC)

    def make_copies(blk, slot):
      off = base + blk * BLK
      cpx = pltpu.make_async_copy(
          x_hbm.at[pl.ds(off, BLK)], xb[slot], sx[slot])
      cpi = pltpu.make_async_copy(
          idx_hbm.at[pl.ds(off, BLK)], ib[slot], si[slot])
      return cpx, cpi

    def start(blk, slot):
      cpx, cpi = make_copies(blk, slot)
      cpx.start()
      cpi.start()

    def wait(blk, slot):
      cpx, cpi = make_copies(blk, slot)
      cpx.wait()
      cpi.wait()

    cpf = pltpu.make_async_copy(idx_hbm.at[pl.ds(base, VEC)], fb, sf)
    cpl = pltpu.make_async_copy(
        idx_hbm.at[pl.ds(base + E_PER_W - VEC, VEC)], lb, sl)
    cpf.start()
    cpl.start()
    for slot in range(NBUF):
      start(slot, slot)
    cpf.wait()
    cpl.wait()
    lo = jnp.min(fb[pl.ds(0, VEC)])
    hi = jnp.max(lb[pl.ds(0, VEC)])

    v0 = lo >> 4
    v1 = hi >> 4

    @plsc.parallel_loop(v0, v1 + 1, unroll=1)
    def _zero(i):
      acc[pl.ds(i * VEC, VEC)] = zeros

    lanebase = jnp.arange(VEC, dtype=jnp.int32) * SUB

    def process(slot):
      @plsc.parallel_loop(0, SUB, unroll=UNROLL)
      def _scatter(i):
        pos = lanebase + i
        idxv = plsc.load_gather(ib[slot], [pos])
        xv = plsc.load_gather(xb[slot], [pos])
        plsc.addupdate_scatter(acc, [idxv], xv)

    def group(g, c):
      blk = g * NBUF
      for slot in range(NBUF):
        wait(blk + slot, slot)
        process(slot)
        start(blk + slot + NBUF, slot)
      return c

    lax.fori_loop(0, NGRP - 1, group, 0)
    for slot in range(NBUF):
      wait((NGRP - 1) * NBUF + slot, slot)
      process(slot)

    fb[pl.ds(0, VEC)] = jnp.where(iota16 == 0, lo, hi)
    pltpu.sync_copy(fb, bounds_hbm.at[wid])
    for c in range(NPAD // WCH):
      @pl.when((lo < (c + 1) * WCH) & (hi >= c * WCH))
      def _writeout():
        pltpu.sync_copy(acc.at[pl.ds(c * WCH, WCH)],
                        out_hbm.at[wid, pl.ds(c * WCH, WCH)])

  return k(x, index)


def _tc_reduce(partials, bounds):
  CHUNK = 14336

  def body(p_ref, b_ref, o_ref):
    i = pl.program_id(0)
    b = b_ref[...]
    lo = b[:, 0:1]
    hi = b[:, 1:2]
    cols = jax.lax.broadcasted_iota(jnp.int32, (NW, CHUNK), 1) + i * CHUNK
    mask = (cols >= lo) & (cols <= hi)
    vals = jnp.where(mask, p_ref[...], 0.0)
    o_ref[...] = jnp.sum(vals, axis=0)

  return pl.pallas_call(
      body,
      grid=(NPAD // CHUNK,),
      in_specs=[
          pl.BlockSpec((NW, CHUNK), lambda i: (0, i)),
          pl.BlockSpec((NW, VEC), lambda i: (0, 0)),
      ],
      out_specs=pl.BlockSpec((CHUNK,), lambda i: (i,)),
      out_shape=jax.ShapeDtypeStruct((NPAD,), jnp.float32),
  )(partials, bounds)


@jax.jit
def kernel(x, index):
  partials, bounds = _sc_partial_sums(x, index)
  out = _tc_reduce(partials, bounds)
  return out[:N]

# --- scband reference (transcript-rebuilt; emitter-appended) ---
"""Pipeline reference for scband-sum-pooling-33371895890589 (READ-ONLY COPY).

The authoritative reference and input builder live on the scoring server;
editing this copy changes nothing except your own understanding.
"""

import jax, jax.numpy as jnp
import numpy as np

N_EDGES = 6400000
N_NODES = 100000

def setup_inputs(seed: int = 0) -> dict:
    key = jax.random.key(seed)
    k1, k2 = jax.random.split(key)
    x = jax.random.normal(k1, (N_EDGES,), dtype=jnp.float32)
    index = jnp.sort(jax.random.randint(k2, (N_EDGES,), 0, N_NODES, dtype=jnp.int32))
    return {"x": x, "index": index}

def reference(x, index):
    # Faithful to torch: out_size = index.max() + 1, then scatter_add into zeros
    num_segments = N_NODES
    out = jax.ops.segment_sum(x, index, num_segments=num_segments)
    return out

if __name__ == "__main__":
    import jax
    _d = setup_inputs()
    print(jax.jit(kernel)(*tuple(_d.values())))

</pallas_src>

<mosaic_0001>
#map = affine_map<(d0, d1) -> (0)>
#map1 = affine_map<(d0, d1) -> (0, 0)>
module attributes {stable_mosaic.version = 14 : i64} {
  func.func @k(%arg0: i32, %arg1: i32, %arg2: memref<6400000xf32, #tpu.memory_space<hbm>>, %arg3: memref<6400000xi32, #tpu.memory_space<hbm>>, %arg4: memref<32x100352xf32, #tpu.memory_space<hbm>>, %arg5: memref<32x16xi32, #tpu.memory_space<hbm>>, %arg6: memref<100352xf32, #tpu.memory_space<vmem>>, %arg7: memref<2000xf32, #tpu.memory_space<vmem>>, %arg8: memref<2000xf32, #tpu.memory_space<vmem>>, %arg9: memref<2000xf32, #tpu.memory_space<vmem>>, %arg10: memref<2000xf32, #tpu.memory_space<vmem>>, %arg11: memref<2000xf32, #tpu.memory_space<vmem>>, %arg12: memref<2000xi32, #tpu.memory_space<vmem>>, %arg13: memref<2000xi32, #tpu.memory_space<vmem>>, %arg14: memref<2000xi32, #tpu.memory_space<vmem>>, %arg15: memref<2000xi32, #tpu.memory_space<vmem>>, %arg16: memref<2000xi32, #tpu.memory_space<vmem>>, %arg17: memref<16xi32, #tpu.memory_space<vmem>>, %arg18: memref<16xi32, #tpu.memory_space<vmem>>, %arg19: memref<!tpu.dma_semaphore, #tpu.memory_space<semaphore_mem>>, %arg20: memref<!tpu.dma_semaphore, #tpu.memory_space<semaphore_mem>>, %arg21: memref<!tpu.dma_semaphore, #tpu.memory_space<semaphore_mem>>, %arg22: memref<!tpu.dma_semaphore, #tpu.memory_space<semaphore_mem>>, %arg23: memref<!tpu.dma_semaphore, #tpu.memory_space<semaphore_mem>>, %arg24: memref<!tpu.dma_semaphore, #tpu.memory_space<semaphore_mem>>, %arg25: memref<!tpu.dma_semaphore, #tpu.memory_space<semaphore_mem>>, %arg26: memref<!tpu.dma_semaphore, #tpu.memory_space<semaphore_mem>>, %arg27: memref<!tpu.dma_semaphore, #tpu.memory_space<semaphore_mem>>, %arg28: memref<!tpu.dma_semaphore, #tpu.memory_space<semaphore_mem>>, %arg29: memref<!tpu.dma_semaphore, #tpu.memory_space<semaphore_mem>>, %arg30: memref<!tpu.dma_semaphore, #tpu.memory_space<semaphore_mem>>) attributes {dimension_semantics = [#tpu.dimension_semantics<core_parallel>, #tpu.dimension_semantics<subcore_parallel>], iteration_bounds = array<i64: 2, 16>, scalar_prefetch = 0 : i64, scratch_operands = 25 : i64, tpu.core_type = #tpu.core_type<sc_vector_subcore>, window_params = [{transform_indices = #map}, {transform_indices = #map}, {transform_indices = #map1}, {transform_indices = #map1}]} {
    %mul3A = arith.constant 2 : i32
    %mul3A_0 = arith.muli %arg1, %mul3A : i32
    %add3A = arith.addi %mul3A_0, %arg0 : i32
    %mul3A_1 = arith.constant 200000 : i32
    %mul3A_2 = arith.muli %add3A, %mul3A_1 : i32
    %broadcast_in_dim3A = arith.constant 0.000000e+00 : f32
    %broadcast_in_dim3A_3 = vector.broadcast %broadcast_in_dim3A : f32 to vector<16xf32>
    %iota3A = tpu.iota {dimensions = array<i32: 0>} : vector<16xi32>
    %add3A_4 = arith.constant 200000 : i32
    %add3A_5 = arith.addi %mul3A_2, %add3A_4 : i32
    %sub3A = arith.constant 16 : i32
    %sub3A_6 = arith.subi %add3A_5, %sub3A : i32
    %dma_start3A = tpu.memref_slice %arg3[%mul3A_2] : memref<6400000xi32, #tpu.memory_space<hbm>> -> memref<16xi32, #tpu.memory_space<hbm>>
    %dma_start3A_7 = tpu.memref_slice %arg3[%mul3A_2] : memref<6400000xi32, #tpu.memory_space<hbm>> -> memref<16xi32, #tpu.memory_space<hbm>>
    tpu.enqueue_dma source(%dma_start3A_7 : memref<16xi32, #tpu.memory_space<hbm>>) target(%arg17 : memref<16xi32, #tpu.memory_space<vmem>>) target_semaphore(%arg29 : memref<!tpu.dma_semaphore, #tpu.memory_space<semaphore_mem>>)
    %dma_start3A_8 = tpu.memref_slice %arg3[%sub3A_6] : memref<6400000xi32, #tpu.memory_space<hbm>> -> memref<16xi32, #tpu.memory_space<hbm>>
    %dma_start3A_9 = tpu.memref_slice %arg3[%sub3A_6] : memref<6400000xi32, #tpu.memory_space<hbm>> -> memref<16xi32, #tpu.memory_space<hbm>>
    tpu.enqueue_dma source(%dma_start3A_9 : memref<16xi32, #tpu.memory_space<hbm>>) target(%arg18 : memref<16xi32, #tpu.memory_space<vmem>>) target_semaphore(%arg30 : memref<!tpu.dma_semaphore, #tpu.memory_space<semaphore_mem>>)
    %add3A_10 = arith.constant 0 : i32
    %add3A_11 = arith.addi %mul3A_2, %add3A_10 : i32
    %dma_start3A_12 = tpu.memref_slice %arg2[%add3A_11] : memref<6400000xf32, #tpu.memory_space<hbm>> -> memref<2000xf32, #tpu.memory_space<hbm>>
    %dma_start3A_13 = tpu.memref_slice %arg2[%add3A_11] : memref<6400000xf32, #tpu.memory_space<hbm>> -> memref<2000xf32, #tpu.memory_space<hbm>>
    tpu.enqueue_dma source(%dma_start3A_13 : memref<2000xf32, #tpu.memory_space<hbm>>) target(%arg7 : memref<2000xf32, #tpu.memory_space<vmem>>) target_semaphore(%arg19 : memref<!tpu.dma_semaphore, #tpu.memory_space<semaphore_mem>>)
    %dma_start3A_14 = tpu.memref_slice %arg3[%add3A_11] : memref<6400000xi32, #tpu.memory_space<hbm>> -> memref<2000xi32, #tpu.memory_space<hbm>>
    %dma_start3A_15 = tpu.memref_slice %arg3[%add3A_11] : memref<6400000xi32, #tpu.memory_space<hbm>> -> memref<2000xi32, #tpu.memory_space<hbm>>
    tpu.enqueue_dma source(%dma_start3A_15 : memref<2000xi32, #tpu.memory_space<hbm>>) target(%arg12 : memref<2000xi32, #tpu.memory_space<vmem>>) target_semaphore(%arg24 : memref<!tpu.dma_semaphore, #tpu.memory_space<semaphore_mem>>)
    %add3A_16 = arith.constant 2000 : i32
    %add3A_17 = arith.addi %mul3A_2, %add3A_16 : i32
    %dma_start3A_18 = tpu.memref_slice %arg2[%add3A_17] : memref<6400000xf32, #tpu.memory_space<hbm>> -> memref<2000xf32, #tpu.memory_space<hbm>>
    %dma_start3A_19 = tpu.memref_slice %arg2[%add3A_17] : memref<6400000xf32, #tpu.memory_space<hbm>> -> memref<2000xf32, #tpu.memory_space<hbm>>
    tpu.enqueue_dma source(%dma_start3A_19 : memref<2000xf32, #tpu.memory_space<hbm>>) target(%arg8 : memref<2000xf32, #tpu.memory_space<vmem>>) target_semaphore(%arg20 : memref<!tpu.dma_semaphore, #tpu.memory_space<semaphore_mem>>)
    %dma_start3A_20 = tpu.memref_slice %arg3[%add3A_17] : memref<6400000xi32, #tpu.memory_space<hbm>> -> memref<2000xi32, #tpu.memory_space<hbm>>
    %dma_start3A_21 = tpu.memref_slice %arg3[%add3A_17] : memref<6400000xi32, #tpu.memory_space<hbm>> -> memref<2000xi32, #tpu.memory_space<hbm>>
    tpu.enqueue_dma source(%dma_start3A_21 : memref<2000xi32, #tpu.memory_space<hbm>>) target(%arg13 : memref<2000xi32, #tpu.memory_space<vmem>>) target_semaphore(%arg25 : memref<!tpu.dma_semaphore, #tpu.memory_space<semaphore_mem>>)
    %add3A_22 = arith.constant 4000 : i32
    %add3A_23 = arith.addi %mul3A_2, %add3A_22 : i32
    %dma_start3A_24 = tpu.memref_slice %arg2[%add3A_23] : memref<6400000xf32, #tpu.memory_space<hbm>> -> memref<2000xf32, #tpu.memory_space<hbm>>
    %dma_start3A_25 = tpu.memref_slice %arg2[%add3A_23] : memref<6400000xf32, #tpu.memory_space<hbm>> -> memref<2000xf32, #tpu.memory_space<hbm>>
    tpu.enqueue_dma source(%dma_start3A_25 : memref<2000xf32, #tpu.memory_space<hbm>>) target(%arg9 : memref<2000xf32, #tpu.memory_space<vmem>>) target_semaphore(%arg21 : memref<!tpu.dma_semaphore, #tpu.memory_space<semaphore_mem>>)
    %dma_start3A_26 = tpu.memref_slice %arg3[%add3A_23] : memref<6400000xi32, #tpu.memory_space<hbm>> -> memref<2000xi32, #tpu.memory_space<hbm>>
    %dma_start3A_27 = tpu.memref_slice %arg3[%add3A_23] : memref<6400000xi32, #tpu.memory_space<hbm>> -> memref<2000xi32, #tpu.memory_space<hbm>>
    tpu.enqueue_dma source(%dma_start3A_27 : memref<2000xi32, #tpu.memory_space<hbm>>) target(%arg14 : memref<2000xi32, #tpu.memory_space<vmem>>) target_semaphore(%arg26 : memref<!tpu.dma_semaphore, #tpu.memory_space<semaphore_mem>>)
    %add3A_28 = arith.constant 6000 : i32
    %add3A_29 = arith.addi %mul3A_2, %add3A_28 : i32
    %dma_start3A_30 = tpu.memref_slice %arg2[%add3A_29] : memref<6400000xf32, #tpu.memory_space<hbm>> -> memref<2000xf32, #tpu.memory_space<hbm>>
    %dma_start3A_31 = tpu.memref_slice %arg2[%add3A_29] : memref<6400000xf32, #tpu.memory_space<hbm>> -> memref<2000xf32, #tpu.memory_space<hbm>>
    tpu.enqueue_dma source(%dma_start3A_31 : memref<2000xf32, #tpu.memory_space<hbm>>) target(%arg10 : memref<2000xf32, #tpu.memory_space<vmem>>) target_semaphore(%arg22 : memref<!tpu.dma_semaphore, #tpu.memory_space<semaphore_mem>>)
    %dma_start3A_32 = tpu.memref_slice %arg3[%add3A_29] : memref<6400000xi32, #tpu.memory_space<hbm>> -> memref<2000xi32, #tpu.memory_space<hbm>>
    %dma_start3A_33 = tpu.memref_slice %arg3[%add3A_29] : memref<6400000xi32, #tpu.memory_space<hbm>> -> memref<2000xi32, #tpu.memory_space<hbm>>
    tpu.enqueue_dma source(%dma_start3A_33 : memref<2000xi32, #tpu.memory_space<hbm>>) target(%arg15 : memref<2000xi32, #tpu.memory_space<vmem>>) target_semaphore(%arg27 : memref<!tpu.dma_semaphore, #tpu.memory_space<semaphore_mem>>)
    %add3A_34 = arith.constant 8000 : i32
    %add3A_35 = arith.addi %mul3A_2, %add3A_34 : i32
    %dma_start3A_36 = tpu.memref_slice %arg2[%add3A_35] : memref<6400000xf32, #tpu.memory_space<hbm>> -> memref<2000xf32, #tpu.memory_space<hbm>>
    %dma_start3A_37 = tpu.memref_slice %arg2[%add3A_35] : memref<6400000xf32, #tpu.memory_space<hbm>> -> memref<2000xf32, #tpu.memory_space<hbm>>
    tpu.enqueue_dma source(%dma_start3A_37 : memref<2000xf32, #tpu.memory_space<hbm>>) target(%arg11 : memref<2000xf32, #tpu.memory_space<vmem>>) target_semaphore(%arg23 : memref<!tpu.dma_semaphore, #tpu.memory_space<semaphore_mem>>)
    %dma_start3A_38 = tpu.memref_slice %arg3[%add3A_35] : memref<6400000xi32, #tpu.memory_space<hbm>> -> memref<2000xi32, #tpu.memory_space<hbm>>
    %dma_start3A_39 = tpu.memref_slice %arg3[%add3A_35] : memref<6400000xi32, #tpu.memory_space<hbm>> -> memref<2000xi32, #tpu.memory_space<hbm>>
    tpu.enqueue_dma source(%dma_start3A_39 : memref<2000xi32, #tpu.memory_space<hbm>>) target(%arg16 : memref<2000xi32, #tpu.memory_space<vmem>>) target_semaphore(%arg28 : memref<!tpu.dma_semaphore, #tpu.memory_space<semaphore_mem>>)
    %dma_wait3A = tpu.memref_slice %arg3[%mul3A_2] : memref<6400000xi32, #tpu.memory_space<hbm>> -> memref<16xi32, #tpu.memory_space<hbm>>
    %dma_wait3A_40 = tpu.memref_slice %arg3[%mul3A_2] : memref<6400000xi32, #tpu.memory_space<hbm>> -> memref<16xi32, #tpu.memory_space<hbm>>
    tpu.wait_dma2 semaphore(%arg29 : memref<!tpu.dma_semaphore, #tpu.memory_space<semaphore_mem>>) src(%dma_wait3A_40 : memref<16xi32, #tpu.memory_space<hbm>>) dst(%arg17 : memref<16xi32, #tpu.memory_space<vmem>>)
    %dma_wait3A_41 = tpu.memref_slice %arg3[%sub3A_6] : memref<6400000xi32, #tpu.memory_space<hbm>> -> memref<16xi32, #tpu.memory_space<hbm>>
    %dma_wait3A_42 = tpu.memref_slice %arg3[%sub3A_6] : memref<6400000xi32, #tpu.memory_space<hbm>> -> memref<16xi32, #tpu.memory_space<hbm>>
    tpu.wait_dma2 semaphore(%arg30 : memref<!tpu.dma_semaphore, #tpu.memory_space<semaphore_mem>>) src(%dma_wait3A_42 : memref<16xi32, #tpu.memory_space<hbm>>) dst(%arg18 : memref<16xi32, #tpu.memory_space<vmem>>)
    %get3A = arith.constant 0 : index
    %get3A_43 = tpu.vector_load %arg17[%get3A] {strides = array<i32>} : memref<16xi32, #tpu.memory_space<vmem>>, vector<16xi32>,
    %reduce_min3A = arith.constant true
    %reduce_min3A_44 = vector.broadcast %reduce_min3A : i1 to vector<16xi1>
    %reduce_min3A_45 = arith.constant -2147483648 : i32
    %reduce_min3A_46 = vector.broadcast %reduce_min3A_45 : i32 to vector<16xi32>
    %reduce_min3A_47 = arith.xori %get3A_43, %reduce_min3A_46 : vector<16xi32>
    %reduce_min3A_48 = tpu.scan <min>, %reduce_min3A_47 masked %reduce_min3A_44 : vector<16xi32>, vector<16xi1> -> vector<16xi32>
    %reduce_min3A_49 = arith.xori %reduce_min3A_48, %reduce_min3A_46 : vector<16xi32>
    %reduce_min3A_50 = vector.extract %reduce_min3A_49[15] : i32 from vector<16xi32>
    %get3A_51 = arith.constant 0 : index
    %get3A_52 = tpu.vector_load %arg18[%get3A_51] {strides = array<i32>} : memref<16xi32, #tpu.memory_space<vmem>>, vector<16xi32>,
    %reduce_max3A = arith.constant true
    %reduce_max3A_53 = vector.broadcast %reduce_max3A : i1 to vector<16xi1>
    %reduce_max3A_54 = arith.constant -2147483648 : i32
    %reduce_max3A_55 = vector.broadcast %reduce_max3A_54 : i32 to vector<16xi32>
    %reduce_max3A_56 = arith.xori %get3A_52, %reduce_max3A_55 : vector<16xi32>
    %reduce_max3A_57 = tpu.scan <max>, %reduce_max3A_56 masked %reduce_max3A_53 : vector<16xi32>, vector<16xi1> -> vector<16xi32>
    %reduce_max3A_58 = arith.xori %reduce_max3A_57, %reduce_max3A_55 : vector<16xi32>
    %reduce_max3A_59 = vector.extract %reduce_max3A_58[15] : i32 from vector<16xi32>
    %shift_right_arithmetic3A = arith.constant 4 : i32
    %shift_right_arithmetic3A_60 = arith.shrsi %reduce_min3A_50, %shift_right_arithmetic3A : i32
    %shift_right_arithmetic3A_61 = arith.constant 4 : i32
    %shift_right_arithmetic3A_62 = arith.shrsi %reduce_max3A_59, %shift_right_arithmetic3A_61 : i32
    %add3A_63 = arith.constant 1 : i32
    %add3A_64 = arith.addi %shift_right_arithmetic3A_62, %add3A_63 : i32
    %parallel_loop3A = arith.constant 1 : i32
    scf.for %parallel_loop3A_183 = %shift_right_arithmetic3A_60 to %add3A_64 step %parallel_loop3A  : i32 {
      %parallel_loop3A_184 = arith.constant 16 : i32
      %parallel_loop3A_185 = arith.muli %parallel_loop3A_183, %parallel_loop3A_184 : i32
      %parallel_loop3A_186 = arith.index_cast %parallel_loop3A_185 : i32 to index
      %parallel_loop3A_187 = tpu.vector_load %arg6[%parallel_loop3A_186] {strides = array<i32>} : memref<100352xf32, #tpu.memory_space<vmem>>, vector<16xf32>,
      tpu.vector_store %arg6[%parallel_loop3A_186], %broadcast_in_dim3A_3 {strides = array<i32>} : memref<100352xf32, #tpu.memory_space<vmem>>, vector<16xf32>,
    } {sc.loop_unroll_factor = 1 : i64, sc.parallel_access}
    %iota3A_65 = tpu.iota {dimensions = array<i32: 0>} : vector<16xi32>
    %mul3A_66 = arith.constant 125 : i32
    %mul3A_67 = vector.broadcast %mul3A_66 : i32 to vector<16xi32>
    %mul3A_68 = arith.muli %iota3A_65, %mul3A_67 : vector<16xi32>
    %scan3A = arith.constant 0 : i32
    %scan3A_69 = arith.constant 0 : i32
    %scan3A_70 = arith.constant 19 : i32
    %scan3A_71 = arith.addi %scan3A_69, %scan3A_70 : i32
    %scan3A_72 = arith.constant 1 : i32
    scf.for %scan3A_183 = %scan3A_69 to %scan3A_71 step %scan3A_72  : i32 {
      %mul3A_184 = arith.constant 5 : i32
      %mul3A_185 = arith.muli %scan3A_183, %mul3A_184 : i32
      %add3A_186 = arith.constant 0 : i32
      %add3A_187 = arith.addi %mul3A_185, %add3A_186 : i32
      %mul3A_188 = arith.constant 2000 : i32
      %mul3A_189 = arith.muli %add3A_187, %mul3A_188 : i32
      %add3A_190 = arith.addi %mul3A_2, %mul3A_189 : i32
      %dma_wait3A_191 = tpu.memref_slice %arg2[%add3A_190] : memref<6400000xf32, #tpu.memory_space<hbm>> -> memref<2000xf32, #tpu.memory_space<hbm>>
      %dma_wait3A_192 = tpu.memref_slice %arg2[%add3A_190] : memref<6400000xf32, #tpu.memory_space<hbm>> -> memref<2000xf32, #tpu.memory_space<hbm>>
      tpu.wait_dma2 semaphore(%arg19 : memref<!tpu.dma_semaphore, #tpu.memory_space<semaphore_mem>>) src(%dma_wait3A_192 : memref<2000xf32, #tpu.memory_space<hbm>>) dst(%arg7 : memref<2000xf32, #tpu.memory_space<vmem>>)
      %dma_wait3A_193 = tpu.memref_slice %arg3[%add3A_190] : memref<6400000xi32, #tpu.memory_space<hbm>> -> memref<2000xi32, #tpu.memory_space<hbm>>
      %dma_wait3A_194 = tpu.memref_slice %arg3[%add3A_190] : memref<6400000xi32, #tpu.memory_space<hbm>> -> memref<2000xi32, #tpu.memory_space<hbm>>
      tpu.wait_dma2 semaphore(%arg24 : memref<!tpu.dma_semaphore, #tpu.memory_space<semaphore_mem>>) src(%dma_wait3A_194 : memref<2000xi32, #tpu.memory_space<hbm>>) dst(%arg12 : memref<2000xi32, #tpu.memory_space<vmem>>)
      %parallel_loop3A_195 = arith.constant 0 : i32
      %parallel_loop3A_196 = arith.constant 125 : i32
      %parallel_loop3A_197 = arith.constant 1 : i32
      scf.for %parallel_loop3A_301 = %parallel_loop3A_195 to %parallel_loop3A_196 step %parallel_loop3A_197  : i32 {
        %parallel_loop3A_302 = vector.broadcast %parallel_loop3A_301 : i32 to vector<16xi32>
        %parallel_loop3A_303 = arith.addi %mul3A_68, %parallel_loop3A_302 : vector<16xi32>
        %parallel_loop3A_304 = tpu.vector_load_idx %arg12[%parallel_loop3A_303] : memref<2000xi32, #tpu.memory_space<vmem>>[vector<16xi32>], vector<16xi32>,
        %parallel_loop3A_305 = tpu.vector_load_idx %arg7[%parallel_loop3A_303] : memref<2000xf32, #tpu.memory_space<vmem>>[vector<16xi32>], vector<16xf32>,
        tpu.vector_store_idx %arg6[%parallel_loop3A_304], %parallel_loop3A_305 {add = true} : memref<100352xf32, #tpu.memory_space<vmem>>[vector<16xi32>], vector<16xf32>,
      } {sc.loop_unroll_factor = 25 : i64, sc.parallel_access}
      %add3A_198 = arith.constant 0 : i32
      %add3A_199 = arith.addi %mul3A_185, %add3A_198 : i32
      %add3A_200 = arith.constant 5 : i32
      %add3A_201 = arith.addi %add3A_199, %add3A_200 : i32
      %mul3A_202 = arith.constant 2000 : i32
      %mul3A_203 = arith.muli %add3A_201, %mul3A_202 : i32
      %add3A_204 = arith.addi %mul3A_2, %mul3A_203 : i32
      %dma_start3A_205 = tpu.memref_slice %arg2[%add3A_204] : memref<6400000xf32, #tpu.memory_space<hbm>> -> memref<2000xf32, #tpu.memory_space<hbm>>
      %dma_start3A_206 = tpu.memref_slice %arg2[%add3A_204] : memref<6400000xf32, #tpu.memory_space<hbm>> -> memref<2000xf32, #tpu.memory_space<hbm>>
      tpu.enqueue_dma source(%dma_start3A_206 : memref<2000xf32, #tpu.memory_space<hbm>>) target(%arg7 : memref<2000xf32, #tpu.memory_space<vmem>>) target_semaphore(%arg19 : memref<!tpu.dma_semaphore, #tpu.memory_space<semaphore_mem>>)
      %dma_start3A_207 = tpu.memref_slice %arg3[%add3A_204] : memref<6400000xi32, #tpu.memory_space<hbm>> -> memref<2000xi32, #tpu.memory_space<hbm>>
      %dma_start3A_208 = tpu.memref_slice %arg3[%add3A_204] : memref<6400000xi32, #tpu.memory_space<hbm>> -> memref<2000xi32, #tpu.memory_space<hbm>>
      tpu.enqueue_dma source(%dma_start3A_208 : memref<2000xi32, #tpu.memory_space<hbm>>) target(%arg12 : memref<2000xi32, #tpu.memory_space<vmem>>) target_semaphore(%arg24 : memref<!tpu.dma_semaphore, #tpu.memory_space<semaphore_mem>>)
      %add3A_209 = arith.constant 1 : i32
      %add3A_210 = arith.addi %mul3A_185, %add3A_209 : i32
      %mul3A_211 = arith.constant 2000 : i32
      %mul3A_212 = arith.muli %add3A_210, %mul3A_211 : i32
      %add3A_213 = arith.addi %mul3A_2, %mul3A_212 : i32
      %dma_wait3A_214 = tpu.memref_slice %arg2[%add3A_213] : memref<6400000xf32, #tpu.memory_space<hbm>> -> memref<2000xf32, #tpu.memory_space<hbm>>
      %dma_wait3A_215 = tpu.memref_slice %arg2[%add3A_213] : memref<6400000xf32, #tpu.memory_space<hbm>> -> memref<2000xf32, #tpu.memory_space<hbm>>
      tpu.wait_dma2 semaphore(%arg20 : memref<!tpu.dma_semaphore, #tpu.memory_space<semaphore_mem>>) src(%dma_wait3A_215 : memref<2000xf32, #tpu.memory_space<hbm>>) dst(%arg8 : memref<2000xf32, #tpu.memory_space<vmem>>)
      %dma_wait3A_216 = tpu.memref_slice %arg3[%add3A_213] : memref<6400000xi32, #tpu.memory_space<hbm>> -> memref<2000xi32, #tpu.memory_space<hbm>>
      %dma_wait3A_217 = tpu.memref_slice %arg3[%add3A_213] : memref<6400000xi32, #tpu.memory_space<hbm>> -> memref<2000xi32, #tpu.memory_space<hbm>>
      tpu.wait_dma2 semaphore(%arg25 : memref<!tpu.dma_semaphore, #tpu.memory_space<semaphore_mem>>) src(%dma_wait3A_217 : memref<2000xi32, #tpu.memory_space<hbm>>) dst(%arg13 : memref<2000xi32, #tpu.memory_space<vmem>>)
      %parallel_loop3A_218 = arith.constant 0 : i32
      %parallel_loop3A_219 = arith.constant 125 : i32
      %parallel_loop3A_220 = arith.constant 1 : i32
      scf.for %parallel_loop3A_301 = %parallel_loop3A_218 to %parallel_loop3A_219 step %parallel_loop3A_220  : i32 {
        %parallel_loop3A_302 = vector.broadcast %parallel_loop3A_301 : i32 to vector<16xi32>
        %parallel_loop3A_303 = arith.addi %mul3A_68, %parallel_loop3A_302 : vector<16xi32>
        %parallel_loop3A_304 = tpu.vector_load_idx %arg13[%parallel_loop3A_303] : memref<2000xi32, #tpu.memory_space<vmem>>[vector<16xi32>], vector<16xi32>,
        %parallel_loop3A_305 = tpu.vector_load_idx %arg8[%parallel_loop3A_303] : memref<2000xf32, #tpu.memory_space<vmem>>[vector<16xi32>], vector<16xf32>,
        tpu.vector_store_idx %arg6[%parallel_loop3A_304], %parallel_loop3A_305 {add = true} : memref<100352xf32, #tpu.memory_space<vmem>>[vector<16xi32>], vector<16xf32>,
      } {sc.loop_unroll_factor = 25 : i64, sc.parallel_access}
      %add3A_221 = arith.constant 1 : i32
      %add3A_222 = arith.addi %mul3A_185, %add3A_221 : i32
      %add3A_223 = arith.constant 5 : i32
      %add3A_224 = arith.addi %add3A_222, %add3A_223 : i32
      %mul3A_225 = arith.constant 2000 : i32
      %mul3A_226 = arith.muli %add3A_224, %mul3A_225 : i32
      %add3A_227 = arith.addi %mul3A_2, %mul3A_226 : i32
      %dma_start3A_228 = tpu.memref_slice %arg2[%add3A_227] : memref<6400000xf32, #tpu.memory_space<hbm>> -> memref<2000xf32, #tpu.memory_space<hbm>>
      %dma_start3A_229 = tpu.memref_slice %arg2[%add3A_227] : memref<6400000xf32, #tpu.memory_space<hbm>> -> memref<2000xf32, #tpu.memory_space<hbm>>
      tpu.enqueue_dma source(%dma_start3A_229 : memref<2000xf32, #tpu.memory_space<hbm>>) target(%arg8 : memref<2000xf32, #tpu.memory_space<vmem>>) target_semaphore(%arg20 : memref<!tpu.dma_semaphore, #tpu.memory_space<semaphore_mem>>)
      %dma_start3A_230 = tpu.memref_slice %arg3[%add3A_227] : memref<6400000xi32, #tpu.memory_space<hbm>> -> memref<2000xi32, #tpu.memory_space<hbm>>
      %dma_start3A_231 = tpu.memref_slice %arg3[%add3A_227] : memref<6400000xi32, #tpu.memory_space<hbm>> -> memref<2000xi32, #tpu.memory_space<hbm>>
      tpu.enqueue_dma source(%dma_start3A_231 : memref<2000xi32, #tpu.memory_space<hbm>>) target(%arg13 : memref<2000xi32, #tpu.memory_space<vmem>>) target_semaphore(%arg25 : memref<!tpu.dma_semaphore, #tpu.memory_space<semaphore_mem>>)
      %add3A_232 = arith.constant 2 : i32
      %add3A_233 = arith.addi %mul3A_185, %add3A_232 : i32
      %mul3A_234 = arith.constant 2000 : i32
      %mul3A_235 = arith.muli %add3A_233, %mul3A_234 : i32
      %add3A_236 = arith.addi %mul3A_2, %mul3A_235 : i32
      %dma_wait3A_237 = tpu.memref_slice %arg2[%add3A_236] : memref<6400000xf32, #tpu.memory_space<hbm>> -> memref<2000xf32, #tpu.memory_space<hbm>>
      %dma_wait3A_238 = tpu.memref_slice %arg2[%add3A_236] : memref<6400000xf32, #tpu.memory_space<hbm>> -> memref<2000xf32, #tpu.memory_space<hbm>>
      tpu.wait_dma2 semaphore(%arg21 : memref<!tpu.dma_semaphore, #tpu.memory_space<semaphore_mem>>) src(%dma_wait3A_238 : memref<2000xf32, #tpu.memory_space<hbm>>) dst(%arg9 : memref<2000xf32, #tpu.memory_space<vmem>>)
      %dma_wait3A_239 = tpu.memref_slice %arg3[%add3A_236] : memref<6400000xi32, #tpu.memory_space<hbm>> -> memref<2000xi32, #tpu.memory_space<hbm>>
      %dma_wait3A_240 = tpu.memref_slice %arg3[%add3A_236] : memref<6400000xi32, #tpu.memory_space<hbm>> -> memref<2000xi32, #tpu.memory_space<hbm>>
      tpu.wait_dma2 semaphore(%arg26 : memref<!tpu.dma_semaphore, #tpu.memory_space<semaphore_mem>>) src(%dma_wait3A_240 : memref<2000xi32, #tpu.memory_space<hbm>>) dst(%arg14 : memref<2000xi32, #tpu.memory_space<vmem>>)
      %parallel_loop3A_241 = arith.constant 0 : i32
      %parallel_loop3A_242 = arith.constant 125 : i32
      %parallel_loop3A_243 = arith.constant 1 : i32
      scf.for %parallel_loop3A_301 = %parallel_loop3A_241 to %parallel_loop3A_242 step %parallel_loop3A_243  : i32 {
        %parallel_loop3A_302 = vector.broadcast %parallel_loop3A_301 : i32 to vector<16xi32>
        %parallel_loop3A_303 = arith.addi %mul3A_68, %parallel_loop3A_302 : vector<16xi32>
        %parallel_loop3A_304 = tpu.vector_load_idx %arg14[%parallel_loop3A_303] : memref<2000xi32, #tpu.memory_space<vmem>>[vector<16xi32>], vector<16xi32>,
        %parallel_loop3A_305 = tpu.vector_load_idx %arg9[%parallel_loop3A_303] : memref<2000xf32, #tpu.memory_space<vmem>>[vector<16xi32>], vector<16xf32>,
        tpu.vector_store_idx %arg6[%parallel_loop3A_304], %parallel_loop3A_305 {add = true} : memref<100352xf32, #tpu.memory_space<vmem>>[vector<16xi32>], vector<16xf32>,
      } {sc.loop_unroll_factor = 25 : i64, sc.parallel_access}
      %add3A_244 = arith.constant 2 : i32
      %add3A_245 = arith.addi %mul3A_185, %add3A_244 : i32
      %add3A_246 = arith.constant 5 : i32
      %add3A_247 = arith.addi %add3A_245, %add3A_246 : i32
      %mul3A_248 = arith.constant 2000 : i32
      %mul3A_249 = arith.muli %add3A_247, %mul3A_248 : i32
      %add3A_250 = arith.addi %mul3A_2, %mul3A_249 : i32
      %dma_start3A_251 = tpu.memref_slice %arg2[%add3A_250] : memref<6400000xf32, #tpu.memory_space<hbm>> -> memref<2000xf32, #tpu.memory_space<hbm>>
      %dma_start3A_252 = tpu.memref_slice %arg2[%add3A_250] : memref<6400000xf32, #tpu.memory_space<hbm>> -> memref<2000xf32, #tpu.memory_space<hbm>>
      tpu.enqueue_dma source(%dma_start3A_252 : memref<2000xf32, #tpu.memory_space<hbm>>) target(%arg9 : memref<2000xf32, #tpu.memory_space<vmem>>) target_semaphore(%arg21 : memref<!tpu.dma_semaphore, #tpu.memory_space<semaphore_mem>>)
      %dma_start3A_253 = tpu.memref_slice %arg3[%add3A_250] : memref<6400000xi32, #tpu.memory_space<hbm>> -> memref<2000xi32, #tpu.memory_space<hbm>>
      %dma_start3A_254 = tpu.memref_slice %arg3[%add3A_250] : memref<6400000xi32, #tpu.memory_space<hbm>> -> memref<2000xi32, #tpu.memory_space<hbm>>
      tpu.enqueue_dma source(%dma_start3A_254 : memref<2000xi32, #tpu.memory_space<hbm>>) target(%arg14 : memref<2000xi32, #tpu.memory_space<vmem>>) target_semaphore(%arg26 : memref<!tpu.dma_semaphore, #tpu.memory_space<semaphore_mem>>)
      %add3A_255 = arith.constant 3 : i32
      %add3A_256 = arith.addi %mul3A_185, %add3A_255 : i32
      %mul3A_257 = arith.constant 2000 : i32
      %mul3A_258 = arith.muli %add3A_256, %mul3A_257 : i32
      %add3A_259 = arith.addi %mul3A_2, %mul3A_258 : i32
      %dma_wait3A_260 = tpu.memref_slice %arg2[%add3A_259] : memref<6400000xf32, #tpu.memory_space<hbm>> -> memref<2000xf32, #tpu.memory_space<hbm>>
      %dma_wait3A_261 = tpu.memref_slice %arg2[%add3A_259] : memref<6400000xf32, #tpu.memory_space<hbm>> -> memref<2000xf32, #tpu.memory_space<hbm>>
      tpu.wait_dma2 semaphore(%arg22 : memref<!tpu.dma_semaphore, #tpu.memory_space<semaphore_mem>>) src(%dma_wait3A_261 : memref<2000xf32, #tpu.memory_space<hbm>>) dst(%arg10 : memref<2000xf32, #tpu.memory_space<vmem>>)
      %dma_wait3A_262 = tpu.memref_slice %arg3[%add3A_259] : memref<6400000xi32, #tpu.memory_space<hbm>> -> memref<2000xi32, #tpu.memory_space<hbm>>
      %dma_wait3A_263 = tpu.memref_slice %arg3[%add3A_259] : memref<6400000xi32, #tpu.memory_space<hbm>> -> memref<2000xi32, #tpu.memory_space<hbm>>
      tpu.wait_dma2 semaphore(%arg27 : memref<!tpu.dma_semaphore, #tpu.memory_space<semaphore_mem>>) src(%dma_wait3A_263 : memref<2000xi32, #tpu.memory_space<hbm>>) dst(%arg15 : memref<2000xi32, #tpu.memory_space<vmem>>)
      %parallel_loop3A_264 = arith.constant 0 : i32
      %parallel_loop3A_265 = arith.constant 125 : i32
      %parallel_loop3A_266 = arith.constant 1 : i32
      scf.for %parallel_loop3A_301 = %parallel_loop3A_264 to %parallel_loop3A_265 step %parallel_loop3A_266  : i32 {
        %parallel_loop3A_302 = vector.broadcast %parallel_loop3A_301 : i32 to vector<16xi32>
        %parallel_loop3A_303 = arith.addi %mul3A_68, %parallel_loop3A_302 : vector<16xi32>
        %parallel_loop3A_304 = tpu.vector_load_idx %arg15[%parallel_loop3A_303] : memref<2000xi32, #tpu.memory_space<vmem>>[vector<16xi32>], vector<16xi32>,
        %parallel_loop3A_305 = tpu.vector_load_idx %arg10[%parallel_loop3A_303] : memref<2000xf32, #tpu.memory_space<vmem>>[vector<16xi32>], vector<16xf32>,
        tpu.vector_store_idx %arg6[%parallel_loop3A_304], %parallel_loop3A_305 {add = true} : memref<100352xf32, #tpu.memory_space<vmem>>[vector<16xi32>], vector<16xf32>,
      } {sc.loop_unroll_factor = 25 : i64, sc.parallel_access}
      %add3A_267 = arith.constant 3 : i32
      %add3A_268 = arith.addi %mul3A_185, %add3A_267 : i32
      %add3A_269 = arith.constant 5 : i32
      %add3A_270 = arith.addi %add3A_268, %add3A_269 : i32
      %mul3A_271 = arith.constant 2000 : i32
      %mul3A_272 = arith.muli %add3A_270, %mul3A_271 : i32
      %add3A_273 = arith.addi %mul3A_2, %mul3A_272 : i32
      %dma_start3A_274 = tpu.memref_slice %arg2[%add3A_273] : memref<6400000xf32, #tpu.memory_space<hbm>> -> memref<2000xf32, #tpu.memory_space<hbm>>
      %dma_start3A_275 = tpu.memref_slice %arg2[%add3A_273] : memref<6400000xf32, #tpu.memory_space<hbm>> -> memref<2000xf32, #tpu.memory_space<hbm>>
      tpu.enqueue_dma source(%dma_start3A_275 : memref<2000xf32, #tpu.memory_space<hbm>>) target(%arg10 : memref<2000xf32, #tpu.memory_space<vmem>>) target_semaphore(%arg22 : memref<!tpu.dma_semaphore, #tpu.memory_space<semaphore_mem>>)
      %dma_start3A_276 = tpu.memref_slice %arg3[%add3A_273] : memref<6400000xi32, #tpu.memory_space<hbm>> -> memref<2000xi32, #tpu.memory_space<hbm>>
      %dma_start3A_277 = tpu.memref_slice %arg3[%add3A_273] : memref<6400000xi32, #tpu.memory_space<hbm>> -> memref<2000xi32, #tpu.memory_space<hbm>>
      tpu.enqueue_dma source(%dma_start3A_277 : memref<2000xi32, #tpu.memory_space<hbm>>) target(%arg15 : memref<2000xi32, #tpu.memory_space<vmem>>) target_semaphore(%arg27 : memref<!tpu.dma_semaphore, #tpu.memory_space<semaphore_mem>>)
      %add3A_278 = arith.constant 4 : i32
      %add3A_279 = arith.addi %mul3A_185, %add3A_278 : i32
      %mul3A_280 = arith.constant 2000 : i32
      %mul3A_281 = arith.muli %add3A_279, %mul3A_280 : i32
      %add3A_282 = arith.addi %mul3A_2, %mul3A_281 : i32
      %dma_wait3A_283 = tpu.memref_slice %arg2[%add3A_282] : memref<6400000xf32, #tpu.memory_space<hbm>> -> memref<2000xf32, #tpu.memory_space<hbm>>
      %dma_wait3A_284 = tpu.memref_slice %arg2[%add3A_282] : memref<6400000xf32, #tpu.memory_space<hbm>> -> memref<2000xf32, #tpu.memory_space<hbm>>
      tpu.wait_dma2 semaphore(%arg23 : memref<!tpu.dma_semaphore, #tpu.memory_space<semaphore_mem>>) src(%dma_wait3A_284 : memref<2000xf32, #tpu.memory_space<hbm>>) dst(%arg11 : memref<2000xf32, #tpu.memory_space<vmem>>)
      %dma_wait3A_285 = tpu.memref_slice %arg3[%add3A_282] : memref<6400000xi32, #tpu.memory_space<hbm>> -> memref<2000xi32, #tpu.memory_space<hbm>>
      %dma_wait3A_286 = tpu.memref_slice %arg3[%add3A_282] : memref<6400000xi32, #tpu.memory_space<hbm>> -> memref<2000xi32, #tpu.memory_space<hbm>>
      tpu.wait_dma2 semaphore(%arg28 : memref<!tpu.dma_semaphore, #tpu.memory_space<semaphore_mem>>) src(%dma_wait3A_286 : memref<2000xi32, #tpu.memory_space<hbm>>) dst(%arg16 : memref<2000xi32, #tpu.memory_space<vmem>>)
      %parallel_loop3A_287 = arith.constant 0 : i32
      %parallel_loop3A_288 = arith.constant 125 : i32
      %parallel_loop3A_289 = arith.constant 1 : i32
      scf.for %parallel_loop3A_301 = %parallel_loop3A_287 to %parallel_loop3A_288 step %parallel_loop3A_289  : i32 {
        %parallel_loop3A_302 = vector.broadcast %parallel_loop3A_301 : i32 to vector<16xi32>
        %parallel_loop3A_303 = arith.addi %mul3A_68, %parallel_loop3A_302 : vector<16xi32>
        %parallel_loop3A_304 = tpu.vector_load_idx %arg16[%parallel_loop3A_303] : memref<2000xi32, #tpu.memory_space<vmem>>[vector<16xi32>], vector<16xi32>,
        %parallel_loop3A_305 = tpu.vector_load_idx %arg11[%parallel_loop3A_303] : memref<2000xf32, #tpu.memory_space<vmem>>[vector<16xi32>], vector<16xf32>,
        tpu.vector_store_idx %arg6[%parallel_loop3A_304], %parallel_loop3A_305 {add = true} : memref<100352xf32, #tpu.memory_space<vmem>>[vector<16xi32>], vector<16xf32>,
      } {sc.loop_unroll_factor = 25 : i64, sc.parallel_access}
      %add3A_290 = arith.constant 4 : i32
      %add3A_291 = arith.addi %mul3A_185, %add3A_290 : i32
      %add3A_292 = arith.constant 5 : i32
      %add3A_293 = arith.addi %add3A_291, %add3A_292 : i32
      %mul3A_294 = arith.constant 2000 : i32
      %mul3A_295 = arith.muli %add3A_293, %mul3A_294 : i32
      %add3A_296 = arith.addi %mul3A_2, %mul3A_295 : i32
      %dma_start3A_297 = tpu.memref_slice %arg2[%add3A_296] : memref<6400000xf32, #tpu.memory_space<hbm>> -> memref<2000xf32, #tpu.memory_space<hbm>>
      %dma_start3A_298 = tpu.memref_slice %arg2[%add3A_296] : memref<6400000xf32, #tpu.memory_space<hbm>> -> memref<2000xf32, #tpu.memory_space<hbm>>
      tpu.enqueue_dma source(%dma_start3A_298 : memref<2000xf32, #tpu.memory_space<hbm>>) target(%arg11 : memref<2000xf32, #tpu.memory_space<vmem>>) target_semaphore(%arg23 : memref<!tpu.dma_semaphore, #tpu.memory_space<semaphore_mem>>)
      %dma_start3A_299 = tpu.memref_slice %arg3[%add3A_296] : memref<6400000xi32, #tpu.memory_space<hbm>> -> memref<2000xi32, #tpu.memory_space<hbm>>
      %dma_start3A_300 = tpu.memref_slice %arg3[%add3A_296] : memref<6400000xi32, #tpu.memory_space<hbm>> -> memref<2000xi32, #tpu.memory_space<hbm>>
      tpu.enqueue_dma source(%dma_start3A_300 : memref<2000xi32, #tpu.memory_space<hbm>>) target(%arg16 : memref<2000xi32, #tpu.memory_space<vmem>>) target_semaphore(%arg28 : memref<!tpu.dma_semaphore, #tpu.memory_space<semaphore_mem>>)
    }
    %scan3A_73 = arith.constant 19 : i32
    %add3A_74 = arith.constant 190000 : i32
    %add3A_75 = arith.addi %mul3A_2, %add3A_74 : i32
    %dma_wait3A_76 = tpu.memref_slice %arg2[%add3A_75] : memref<6400000xf32, #tpu.memory_space<hbm>> -> memref<2000xf32, #tpu.memory_space<hbm>>
    %dma_wait3A_77 = tpu.memref_slice %arg2[%add3A_75] : memref<6400000xf32, #tpu.memory_space<hbm>> -> memref<2000xf32, #tpu.memory_space<hbm>>
    tpu.wait_dma2 semaphore(%arg19 : memref<!tpu.dma_semaphore, #tpu.memory_space<semaphore_mem>>) src(%dma_wait3A_77 : memref<2000xf32, #tpu.memory_space<hbm>>) dst(%arg7 : memref<2000xf32, #tpu.memory_space<vmem>>)
    %dma_wait3A_78 = tpu.memref_slice %arg3[%add3A_75] : memref<6400000xi32, #tpu.memory_space<hbm>> -> memref<2000xi32, #tpu.memory_space<hbm>>
    %dma_wait3A_79 = tpu.memref_slice %arg3[%add3A_75] : memref<6400000xi32, #tpu.memory_space<hbm>> -> memref<2000xi32, #tpu.memory_space<hbm>>
    tpu.wait_dma2 semaphore(%arg24 : memref<!tpu.dma_semaphore, #tpu.memory_space<semaphore_mem>>) src(%dma_wait3A_79 : memref<2000xi32, #tpu.memory_space<hbm>>) dst(%arg12 : memref<2000xi32, #tpu.memory_space<vmem>>)
    %parallel_loop3A_80 = arith.constant 0 : i32
    %parallel_loop3A_81 = arith.constant 125 : i32
    %parallel_loop3A_82 = arith.constant 1 : i32
    scf.for %parallel_loop3A_183 = %parallel_loop3A_80 to %parallel_loop3A_81 step %parallel_loop3A_82  : i32 {
      %parallel_loop3A_184 = vector.broadcast %parallel_loop3A_183 : i32 to vector<16xi32>
      %parallel_loop3A_185 = arith.addi %mul3A_68, %parallel_loop3A_184 : vector<16xi32>
      %parallel_loop3A_186 = tpu.vector_load_idx %arg12[%parallel_loop3A_185] : memref<2000xi32, #tpu.memory_space<vmem>>[vector<16xi32>], vector<16xi32>,
      %parallel_loop3A_187 = tpu.vector_load_idx %arg7[%parallel_loop3A_185] : memref<2000xf32, #tpu.memory_space<vmem>>[vector<16xi32>], vector<16xf32>,
      tpu.vector_store_idx %arg6[%parallel_loop3A_186], %parallel_loop3A_187 {add = true} : memref<100352xf32, #tpu.memory_space<vmem>>[vector<16xi32>], vector<16xf32>,
    } {sc.loop_unroll_factor = 25 : i64, sc.parallel_access}
    %add3A_83 = arith.constant 192000 : i32
    %add3A_84 = arith.addi %mul3A_2, %add3A_83 : i32
    %dma_wait3A_85 = tpu.memref_slice %arg2[%add3A_84] : memref<6400000xf32, #tpu.memory_space<hbm>> -> memref<2000xf32, #tpu.memory_space<hbm>>
    %dma_wait3A_86 = tpu.memref_slice %arg2[%add3A_84] : memref<6400000xf32, #tpu.memory_space<hbm>> -> memref<2000xf32, #tpu.memory_space<hbm>>
    tpu.wait_dma2 semaphore(%arg20 : memref<!tpu.dma_semaphore, #tpu.memory_space<semaphore_mem>>) src(%dma_wait3A_86 : memref<2000xf32, #tpu.memory_space<hbm>>) dst(%arg8 : memref<2000xf32, #tpu.memory_space<vmem>>)
    %dma_wait3A_87 = tpu.memref_slice %arg3[%add3A_84] : memref<6400000xi32, #tpu.memory_space<hbm>> -> memref<2000xi32, #tpu.memory_space<hbm>>
    %dma_wait3A_88 = tpu.memref_slice %arg3[%add3A_84] : memref<6400000xi32, #tpu.memory_space<hbm>> -> memref<2000xi32, #tpu.memory_space<hbm>>
    tpu.wait_dma2 semaphore(%arg25 : memref<!tpu.dma_semaphore, #tpu.memory_space<semaphore_mem>>) src(%dma_wait3A_88 : memref<2000xi32, #tpu.memory_space<hbm>>) dst(%arg13 : memref<2000xi32, #tpu.memory_space<vmem>>)
    %parallel_loop3A_89 = arith.constant 0 : i32
    %parallel_loop3A_90 = arith.constant 125 : i32
    %parallel_loop3A_91 = arith.constant 1 : i32
    scf.for %parallel_loop3A_183 = %parallel_loop3A_89 to %parallel_loop3A_90 step %parallel_loop3A_91  : i32 {
      %parallel_loop3A_184 = vector.broadcast %parallel_loop3A_183 : i32 to vector<16xi32>
      %parallel_loop3A_185 = arith.addi %mul3A_68, %parallel_loop3A_184 : vector<16xi32>
      %parallel_loop3A_186 = tpu.vector_load_idx %arg13[%parallel_loop3A_185] : memref<2000xi32, #tpu.memory_space<vmem>>[vector<16xi32>], vector<16xi32>,
      %parallel_loop3A_187 = tpu.vector_load_idx %arg8[%parallel_loop3A_185] : memref<2000xf32, #tpu.memory_space<vmem>>[vector<16xi32>], vector<16xf32>,
      tpu.vector_store_idx %arg6[%parallel_loop3A_186], %parallel_loop3A_187 {add = true} : memref<100352xf32, #tpu.memory_space<vmem>>[vector<16xi32>], vector<16xf32>,
    } {sc.loop_unroll_factor = 25 : i64, sc.parallel_access}
    %add3A_92 = arith.constant 194000 : i32
    %add3A_93 = arith.addi %mul3A_2, %add3A_92 : i32
    %dma_wait3A_94 = tpu.memref_slice %arg2[%add3A_93] : memref<6400000xf32, #tpu.memory_space<hbm>> -> memref<2000xf32, #tpu.memory_space<hbm>>
    %dma_wait3A_95 = tpu.memref_slice %arg2[%add3A_93] : memref<6400000xf32, #tpu.memory_space<hbm>> -> memref<2000xf32, #tpu.memory_space<hbm>>
    tpu.wait_dma2 semaphore(%arg21 : memref<!tpu.dma_semaphore, #tpu.memory_space<semaphore_mem>>) src(%dma_wait3A_95 : memref<2000xf32, #tpu.memory_space<hbm>>) dst(%arg9 : memref<2000xf32, #tpu.memory_space<vmem>>)
    %dma_wait3A_96 = tpu.memref_slice %arg3[%add3A_93] : memref<6400000xi32, #tpu.memory_space<hbm>> -> memref<2000xi32, #tpu.memory_space<hbm>>
    %dma_wait3A_97 = tpu.memref_slice %arg3[%add3A_93] : memref<6400000xi32, #tpu.memory_space<hbm>> -> memref<2000xi32, #tpu.memory_space<hbm>>
    tpu.wait_dma2 semaphore(%arg26 : memref<!tpu.dma_semaphore, #tpu.memory_space<semaphore_mem>>) src(%dma_wait3A_97 : memref<2000xi32, #tpu.memory_space<hbm>>) dst(%arg14 : memref<2000xi32, #tpu.memory_space<vmem>>)
    %parallel_loop3A_98 = arith.constant 0 : i32
    %parallel_loop3A_99 = arith.constant 125 : i32
    %parallel_loop3A_100 = arith.constant 1 : i32
    scf.for %parallel_loop3A_183 = %parallel_loop3A_98 to %parallel_loop3A_99 step %parallel_loop3A_100  : i32 {
      %parallel_loop3A_184 = vector.broadcast %parallel_loop3A_183 : i32 to vector<16xi32>
      %parallel_loop3A_185 = arith.addi %mul3A_68, %parallel_loop3A_184 : vector<16xi32>
      %parallel_loop3A_186 = tpu.vector_load_idx %arg14[%parallel_loop3A_185] : memref<2000xi32, #tpu.memory_space<vmem>>[vector<16xi32>], vector<16xi32>,
      %parallel_loop3A_187 = tpu.vector_load_idx %arg9[%parallel_loop3A_185] : memref<2000xf32, #tpu.memory_space<vmem>>[vector<16xi32>], vector<16xf32>,
      tpu.vector_store_idx %arg6[%parallel_loop3A_186], %parallel_loop3A_187 {add = true} : memref<100352xf32, #tpu.memory_space<vmem>>[vector<16xi32>], vector<16xf32>,
    } {sc.loop_unroll_factor = 25 : i64, sc.parallel_access}
    %add3A_101 = arith.constant 196000 : i32
    %add3A_102 = arith.addi %mul3A_2, %add3A_101 : i32
    %dma_wait3A_103 = tpu.memref_slice %arg2[%add3A_102] : memref<6400000xf32, #tpu.memory_space<hbm>> -> memref<2000xf32, #tpu.memory_space<hbm>>
    %dma_wait3A_104 = tpu.memref_slice %arg2[%add3A_102] : memref<6400000xf32, #tpu.memory_space<hbm>> -> memref<2000xf32, #tpu.memory_space<hbm>>
    tpu.wait_dma2 semaphore(%arg22 : memref<!tpu.dma_semaphore, #tpu.memory_space<semaphore_mem>>) src(%dma_wait3A_104 : memref<2000xf32, #tpu.memory_space<hbm>>) dst(%arg10 : memref<2000xf32, #tpu.memory_space<vmem>>)
    %dma_wait3A_105 = tpu.memref_slice %arg3[%add3A_102] : memref<6400000xi32, #tpu.memory_space<hbm>> -> memref<2000xi32, #tpu.memory_space<hbm>>
    %dma_wait3A_106 = tpu.memref_slice %arg3[%add3A_102] : memref<6400000xi32, #tpu.memory_space<hbm>> -> memref<2000xi32, #tpu.memory_space<hbm>>
    tpu.wait_dma2 semaphore(%arg27 : memref<!tpu.dma_semaphore, #tpu.memory_space<semaphore_mem>>) src(%dma_wait3A_106 : memref<2000xi32, #tpu.memory_space<hbm>>) dst(%arg15 : memref<2000xi32, #tpu.memory_space<vmem>>)
    %parallel_loop3A_107 = arith.constant 0 : i32
    %parallel_loop3A_108 = arith.constant 125 : i32
    %parallel_loop3A_109 = arith.constant 1 : i32
    scf.for %parallel_loop3A_183 = %parallel_loop3A_107 to %parallel_loop3A_108 step %parallel_loop3A_109  : i32 {
      %parallel_loop3A_184 = vector.broadcast %parallel_loop3A_183 : i32 to vector<16xi32>
      %parallel_loop3A_185 = arith.addi %mul3A_68, %parallel_loop3A_184 : vector<16xi32>
      %parallel_loop3A_186 = tpu.vector_load_idx %arg15[%parallel_loop3A_185] : memref<2000xi32, #tpu.memory_space<vmem>>[vector<16xi32>], vector<16xi32>,
      %parallel_loop3A_187 = tpu.vector_load_idx %arg10[%parallel_loop3A_185] : memref<2000xf32, #tpu.memory_space<vmem>>[vector<16xi32>], vector<16xf32>,
      tpu.vector_store_idx %arg6[%parallel_loop3A_186], %parallel_loop3A_187 {add = true} : memref<100352xf32, #tpu.memory_space<vmem>>[vector<16xi32>], vector<16xf32>,
    } {sc.loop_unroll_factor = 25 : i64, sc.parallel_access}
    %add3A_110 = arith.constant 198000 : i32
    %add3A_111 = arith.addi %mul3A_2, %add3A_110 : i32
    %dma_wait3A_112 = tpu.memref_slice %arg2[%add3A_111] : memref<6400000xf32, #tpu.memory_space<hbm>> -> memref<2000xf32, #tpu.memory_space<hbm>>
    %dma_wait3A_113 = tpu.memref_slice %arg2[%add3A_111] : memref<6400000xf32, #tpu.memory_space<hbm>> -> memref<2000xf32, #tpu.memory_space<hbm>>
    tpu.wait_dma2 semaphore(%arg23 : memref<!tpu.dma_semaphore, #tpu.memory_space<semaphore_mem>>) src(%dma_wait3A_113 : memref<2000xf32, #tpu.memory_space<hbm>>) dst(%arg11 : memref<2000xf32, #tpu.memory_space<vmem>>)
    %dma_wait3A_114 = tpu.memref_slice %arg3[%add3A_111] : memref<6400000xi32, #tpu.memory_space<hbm>> -> memref<2000xi32, #tpu.memory_space<hbm>>
    %dma_wait3A_115 = tpu.memref_slice %arg3[%add3A_111] : memref<6400000xi32, #tpu.memory_space<hbm>> -> memref<2000xi32, #tpu.memory_space<hbm>>
    tpu.wait_dma2 semaphore(%arg28 : memref<!tpu.dma_semaphore, #tpu.memory_space<semaphore_mem>>) src(%dma_wait3A_115 : memref<2000xi32, #tpu.memory_space<hbm>>) dst(%arg16 : memref<2000xi32, #tpu.memory_space<vmem>>)
    %parallel_loop3A_116 = arith.constant 0 : i32
    %parallel_loop3A_117 = arith.constant 125 : i32
    %parallel_loop3A_118 = arith.constant 1 : i32
    scf.for %parallel_loop3A_183 = %parallel_loop3A_116 to %parallel_loop3A_117 step %parallel_loop3A_118  : i32 {
      %parallel_loop3A_184 = vector.broadcast %parallel_loop3A_183 : i32 to vector<16xi32>
      %parallel_loop3A_185 = arith.addi %mul3A_68, %parallel_loop3A_184 : vector<16xi32>
      %parallel_loop3A_186 = tpu.vector_load_idx %arg16[%parallel_loop3A_185] : memref<2000xi32, #tpu.memory_space<vmem>>[vector<16xi32>], vector<16xi32>,
      %parallel_loop3A_187 = tpu.vector_load_idx %arg11[%parallel_loop3A_185] : memref<2000xf32, #tpu.memory_space<vmem>>[vector<16xi32>], vector<16xf32>,
      tpu.vector_store_idx %arg6[%parallel_loop3A_186], %parallel_loop3A_187 {add = true} : memref<100352xf32, #tpu.memory_space<vmem>>[vector<16xi32>], vector<16xf32>,
    } {sc.loop_unroll_factor = 25 : i64, sc.parallel_access}
    %eq3A = arith.constant 0 : i32
    %eq3A_119 = vector.broadcast %eq3A : i32 to vector<16xi32>
    %eq3A_120 = arith.cmpi eq, %iota3A, %eq3A_119 : vector<16xi32>
    %broadcast_in_dim3A_121 = vector.broadcast %reduce_min3A_50 : i32 to vector<16xi32>
    %broadcast_in_dim3A_122 = vector.broadcast %reduce_max3A_59 : i32 to vector<16xi32>
    %select_n3A = arith.select %eq3A_120, %broadcast_in_dim3A_121, %broadcast_in_dim3A_122 : vector<16xi1>, vector<16xi32>
    %swap3A = arith.constant 0 : index
    %swap3A_123 = tpu.vector_load %arg17[%swap3A] {strides = array<i32>} : memref<16xi32, #tpu.memory_space<vmem>>, vector<16xi32>,
    tpu.vector_store %arg17[%swap3A], %select_n3A {strides = array<i32>} : memref<16xi32, #tpu.memory_space<vmem>>, vector<16xi32>,
    "tpu.region"() ({
      %run_scoped3A = tpu.sem_alloc : memref<!tpu.dma_semaphore, #tpu.memory_space<semaphore_mem>>
      %dma_start3A_183 = arith.constant 0 : i32
      %dma_start3A_184 = tpu.memref_slice %arg5[%add3A, %dma_start3A_183] : memref<32x16xi32, #tpu.memory_space<hbm>> -> memref<1x16xi32, #tpu.memory_space<hbm>>
      %dma_start3A_185 = tpu.memref_squeeze %dma_start3A_184 : memref<1x16xi32, #tpu.memory_space<hbm>> -> memref<16xi32, #tpu.memory_space<hbm>>
      %dma_start3A_186 = arith.constant 0 : i32
      %dma_start3A_187 = tpu.memref_slice %arg5[%add3A, %dma_start3A_186] : memref<32x16xi32, #tpu.memory_space<hbm>> -> memref<1x16xi32, #tpu.memory_space<hbm>>
      %dma_start3A_188 = tpu.memref_squeeze %dma_start3A_187 : memref<1x16xi32, #tpu.memory_space<hbm>> -> memref<16xi32, #tpu.memory_space<hbm>>
      tpu.enqueue_dma source(%arg17 : memref<16xi32, #tpu.memory_space<vmem>>) target(%dma_start3A_188 : memref<16xi32, #tpu.memory_space<hbm>>) target_semaphore(%run_scoped3A : memref<!tpu.dma_semaphore, #tpu.memory_space<semaphore_mem>>)
      %dma_wait3A_189 = arith.constant 0 : i32
      %dma_wait3A_190 = tpu.memref_slice %arg5[%add3A, %dma_wait3A_189] : memref<32x16xi32, #tpu.memory_space<hbm>> -> memref<1x16xi32, #tpu.memory_space<hbm>>
      %dma_wait3A_191 = tpu.memref_squeeze %dma_wait3A_190 : memref<1x16xi32, #tpu.memory_space<hbm>> -> memref<16xi32, #tpu.memory_space<hbm>>
      %dma_wait3A_192 = arith.constant 0 : i32
      %dma_wait3A_193 = tpu.memref_slice %arg5[%add3A, %dma_wait3A_192] : memref<32x16xi32, #tpu.memory_space<hbm>> -> memref<1x16xi32, #tpu.memory_space<hbm>>
      %dma_wait3A_194 = tpu.memref_squeeze %dma_wait3A_193 : memref<1x16xi32, #tpu.memory_space<hbm>> -> memref<16xi32, #tpu.memory_space<hbm>>
      tpu.wait_dma2 semaphore(%run_scoped3A : memref<!tpu.dma_semaphore, #tpu.memory_space<semaphore_mem>>) src(%arg17 : memref<16xi32, #tpu.memory_space<vmem>>) dst(%dma_wait3A_194 : memref<16xi32, #tpu.memory_space<hbm>>)
      tpu.yield
    }) : () -> ()
    %lt3A = arith.constant 12544 : i32
    %lt3A_124 = arith.cmpi slt, %reduce_min3A_50, %lt3A : i32
    %ge3A = arith.constant 0 : i32
    %ge3A_125 = arith.cmpi sge, %reduce_max3A_59, %ge3A : i32
    %and3A = arith.andi %lt3A_124, %ge3A_125 : i1
    %convert_element_type3A = arith.extui %and3A : i1 to i32
    %cond3A = arith.constant 0 : i32
    %cond3A_126 = arith.cmpi ne, %convert_element_type3A, %cond3A : i32
    scf.if %cond3A_126 {
      "tpu.region"() ({
        %run_scoped3A = tpu.sem_alloc : memref<!tpu.dma_semaphore, #tpu.memory_space<semaphore_mem>>
        %dma_start3A_183 = arith.constant 0 : i32
        %dma_start3A_184 = tpu.memref_slice %arg6[%dma_start3A_183] : memref<100352xf32, #tpu.memory_space<vmem>> -> memref<12544xf32, #tpu.memory_space<vmem>>
        %dma_start3A_185 = arith.constant 0 : i32
        %dma_start3A_186 = tpu.memref_slice %arg4[%add3A, %dma_start3A_185] : memref<32x100352xf32, #tpu.memory_space<hbm>> -> memref<1x12544xf32, #tpu.memory_space<hbm>>
        %dma_start3A_187 = tpu.memref_squeeze %dma_start3A_186 : memref<1x12544xf32, #tpu.memory_space<hbm>> -> memref<12544xf32, #tpu.memory_space<hbm>>
        %dma_start3A_188 = arith.constant 0 : i32
        %dma_start3A_189 = tpu.memref_slice %arg4[%add3A, %dma_start3A_188] : memref<32x100352xf32, #tpu.memory_space<hbm>> -> memref<1x12544xf32, #tpu.memory_space<hbm>>
        %dma_start3A_190 = tpu.memref_squeeze %dma_start3A_189 : memref<1x12544xf32, #tpu.memory_space<hbm>> -> memref<12544xf32, #tpu.memory_space<hbm>>
        %dma_start3A_191 = arith.constant 0 : i32
        %dma_start3A_192 = tpu.memref_slice %arg6[%dma_start3A_191] : memref<100352xf32, #tpu.memory_space<vmem>> -> memref<12544xf32, #tpu.memory_space<vmem>>
        tpu.enqueue_dma source(%dma_start3A_192 : memref<12544xf32, #tpu.memory_space<vmem>>) target(%dma_start3A_190 : memref<12544xf32, #tpu.memory_space<hbm>>) target_semaphore(%run_scoped3A : memref<!tpu.dma_semaphore, #tpu.memory_space<semaphore_mem>>)
        %dma_wait3A_193 = arith.constant 0 : i32
        %dma_wait3A_194 = tpu.memref_slice %arg6[%dma_wait3A_193] : memref<100352xf32, #tpu.memory_space<vmem>> -> memref<12544xf32, #tpu.memory_space<vmem>>
        %dma_wait3A_195 = arith.constant 0 : i32
        %dma_wait3A_196 = tpu.memref_slice %arg4[%add3A, %dma_wait3A_195] : memref<32x100352xf32, #tpu.memory_space<hbm>> -> memref<1x12544xf32, #tpu.memory_space<hbm>>
        %dma_wait3A_197 = tpu.memref_squeeze %dma_wait3A_196 : memref<1x12544xf32, #tpu.memory_space<hbm>> -> memref<12544xf32, #tpu.memory_space<hbm>>
        %dma_wait3A_198 = arith.constant 0 : i32
        %dma_wait3A_199 = tpu.memref_slice %arg4[%add3A, %dma_wait3A_198] : memref<32x100352xf32, #tpu.memory_space<hbm>> -> memref<1x12544xf32, #tpu.memory_space<hbm>>
        %dma_wait3A_200 = tpu.memref_squeeze %dma_wait3A_199 : memref<1x12544xf32, #tpu.memory_space<hbm>> -> memref<12544xf32, #tpu.memory_space<hbm>>
        %dma_wait3A_201 = arith.constant 0 : i32
        %dma_wait3A_202 = tpu.memref_slice %arg6[%dma_wait3A_201] : memref<100352xf32, #tpu.memory_space<vmem>> -> memref<12544xf32, #tpu.memory_space<vmem>>
        tpu.wait_dma2 semaphore(%run_scoped3A : memref<!tpu.dma_semaphore, #tpu.memory_space<semaphore_mem>>) src(%dma_wait3A_202 : memref<12544xf32, #tpu.memory_space<vmem>>) dst(%dma_wait3A_200 : memref<12544xf32, #tpu.memory_space<hbm>>)
        tpu.yield
      }) : () -> ()
    } else {
    }
    %lt3A_127 = arith.constant 25088 : i32
    %lt3A_128 = arith.cmpi slt, %reduce_min3A_50, %lt3A_127 : i32
    %ge3A_129 = arith.constant 12544 : i32
    %ge3A_130 = arith.cmpi sge, %reduce_max3A_59, %ge3A_129 : i32
    %and3A_131 = arith.andi %lt3A_128, %ge3A_130 : i1
    %convert_element_type3A_132 = arith.extui %and3A_131 : i1 to i32
    %cond3A_133 = arith.constant 0 : i32
    %cond3A_134 = arith.cmpi ne, %convert_element_type3A_132, %cond3A_133 : i32
    scf.if %cond3A_134 {
      "tpu.region"() ({
        %run_scoped3A = tpu.sem_alloc : memref<!tpu.dma_semaphore, #tpu.memory_space<semaphore_mem>>
        %dma_start3A_183 = arith.constant 12544 : i32
        %dma_start3A_184 = tpu.memref_slice %arg6[%dma_start3A_183] : memref<100352xf32, #tpu.memory_space<vmem>> -> memref<12544xf32, #tpu.memory_space<vmem>>
        %dma_start3A_185 = arith.constant 12544 : i32
        %dma_start3A_186 = tpu.memref_slice %arg4[%add3A, %dma_start3A_185] : memref<32x100352xf32, #tpu.memory_space<hbm>> -> memref<1x12544xf32, #tpu.memory_space<hbm>>
        %dma_start3A_187 = tpu.memref_squeeze %dma_start3A_186 : memref<1x12544xf32, #tpu.memory_space<hbm>> -> memref<12544xf32, #tpu.memory_space<hbm>>
        %dma_start3A_188 = arith.constant 12544 : i32
        %dma_start3A_189 = tpu.memref_slice %arg4[%add3A, %dma_start3A_188] : memref<32x100352xf32, #tpu.memory_space<hbm>> -> memref<1x12544xf32, #tpu.memory_space<hbm>>
        %dma_start3A_190 = tpu.memref_squeeze %dma_start3A_189 : memref<1x12544xf32, #tpu.memory_space<hbm>> -> memref<12544xf32, #tpu.memory_space<hbm>>
        %dma_start3A_191 = arith.constant 12544 : i32
        %dma_start3A_192 = tpu.memref_slice %arg6[%dma_start3A_191] : memref<100352xf32, #tpu.memory_space<vmem>> -> memref<12544xf32, #tpu.memory_space<vmem>>
        tpu.enqueue_dma source(%dma_start3A_192 : memref<12544xf32, #tpu.memory_space<vmem>>) target(%dma_start3A_190 : memref<12544xf32, #tpu.memory_space<hbm>>) target_semaphore(%run_scoped3A : memref<!tpu.dma_semaphore, #tpu.memory_space<semaphore_mem>>)
        %dma_wait3A_193 = arith.constant 12544 : i32
        %dma_wait3A_194 = tpu.memref_slice %arg6[%dma_wait3A_193] : memref<100352xf32, #tpu.memory_space<vmem>> -> memref<12544xf32, #tpu.memory_space<vmem>>
        %dma_wait3A_195 = arith.constant 12544 : i32
        %dma_wait3A_196 = tpu.memref_slice %arg4[%add3A, %dma_wait3A_195] : memref<32x100352xf32, #tpu.memory_space<hbm>> -> memref<1x12544xf32, #tpu.memory_space<hbm>>
        %dma_wait3A_197 = tpu.memref_squeeze %dma_wait3A_196 : memref<1x12544xf32, #tpu.memory_space<hbm>> -> memref<12544xf32, #tpu.memory_space<hbm>>
        %dma_wait3A_198 = arith.constant 12544 : i32
        %dma_wait3A_199 = tpu.memref_slice %arg4[%add3A, %dma_wait3A_198] : memref<32x100352xf32, #tpu.memory_space<hbm>> -> memref<1x12544xf32, #tpu.memory_space<hbm>>
        %dma_wait3A_200 = tpu.memref_squeeze %dma_wait3A_199 : memref<1x12544xf32, #tpu.memory_space<hbm>> -> memref<12544xf32, #tpu.memory_space<hbm>>
        %dma_wait3A_201 = arith.constant 12544 : i32
        %dma_wait3A_202 = tpu.memref_slice %arg6[%dma_wait3A_201] : memref<100352xf32, #tpu.memory_space<vmem>> -> memref<12544xf32, #tpu.memory_space<vmem>>
        tpu.wait_dma2 semaphore(%run_scoped3A : memref<!tpu.dma_semaphore, #tpu.memory_space<semaphore_mem>>) src(%dma_wait3A_202 : memref<12544xf32, #tpu.memory_space<vmem>>) dst(%dma_wait3A_200 : memref<12544xf32, #tpu.memory_space<hbm>>)
        tpu.yield
      }) : () -> ()
    } else {
    }
    %lt3A_135 = arith.constant 37632 : i32
    %lt3A_136 = arith.cmpi slt, %reduce_min3A_50, %lt3A_135 : i32
    %ge3A_137 = arith.constant 25088 : i32
    %ge3A_138 = arith.cmpi sge, %reduce_max3A_59, %ge3A_137 : i32
    %and3A_139 = arith.andi %lt3A_136, %ge3A_138 : i1
    %convert_element_type3A_140 = arith.extui %and3A_139 : i1 to i32
    %cond3A_141 = arith.constant 0 : i32
    %cond3A_142 = arith.cmpi ne, %convert_element_type3A_140, %cond3A_141 : i32
    scf.if %cond3A_142 {
      "tpu.region"() ({
        %run_scoped3A = tpu.sem_alloc : memref<!tpu.dma_semaphore, #tpu.memory_space<semaphore_mem>>
        %dma_start3A_183 = arith.constant 25088 : i32
        %dma_start3A_184 = tpu.memref_slice %arg6[%dma_start3A_183] : memref<100352xf32, #tpu.memory_space<vmem>> -> memref<12544xf32, #tpu.memory_space<vmem>>
        %dma_start3A_185 = arith.constant 25088 : i32
        %dma_start3A_186 = tpu.memref_slice %arg4[%add3A, %dma_start3A_185] : memref<32x100352xf32, #tpu.memory_space<hbm>> -> memref<1x12544xf32, #tpu.memory_space<hbm>>
        %dma_start3A_187 = tpu.memref_squeeze %dma_start3A_186 : memref<1x12544xf32, #tpu.memory_space<hbm>> -> memref<12544xf32, #tpu.memory_space<hbm>>
        %dma_start3A_188 = arith.constant 25088 : i32
        %dma_start3A_189 = tpu.memref_slice %arg4[%add3A, %dma_start3A_188] : memref<32x100352xf32, #tpu.memory_space<hbm>> -> memref<1x12544xf32, #tpu.memory_space<hbm>>
        %dma_start3A_190 = tpu.memref_squeeze %dma_start3A_189 : memref<1x12544xf32, #tpu.memory_space<hbm>> -> memref<12544xf32, #tpu.memory_space<hbm>>
        %dma_start3A_191 = arith.constant 25088 : i32
        %dma_start3A_192 = tpu.memref_slice %arg6[%dma_start3A_191] : memref<100352xf32, #tpu.memory_space<vmem>> -> memref<12544xf32, #tpu.memory_space<vmem>>
        tpu.enqueue_dma source(%dma_start3A_192 : memref<12544xf32, #tpu.memory_space<vmem>>) target(%dma_start3A_190 : memref<12544xf32, #tpu.memory_space<hbm>>) target_semaphore(%run_scoped3A : memref<!tpu.dma_semaphore, #tpu.memory_space<semaphore_mem>>)
        %dma_wait3A_193 = arith.constant 25088 : i32
        %dma_wait3A_194 = tpu.memref_slice %arg6[%dma_wait3A_193] : memref<100352xf32, #tpu.memory_space<vmem>> -> memref<12544xf32, #tpu.memory_space<vmem>>
        %dma_wait3A_195 = arith.constant 25088 : i32
        %dma_wait3A_196 = tpu.memref_slice %arg4[%add3A, %dma_wait3A_195] : memref<32x100352xf32, #tpu.memory_space<hbm>> -> memref<1x12544xf32, #tpu.memory_space<hbm>>
        %dma_wait3A_197 = tpu.memref_squeeze %dma_wait3A_196 : memref<1x12544xf32, #tpu.memory_space<hbm>> -> memref<12544xf32, #tpu.memory_space<hbm>>
        %dma_wait3A_198 = arith.constant 25088 : i32
        %dma_wait3A_199 = tpu.memref_slice %arg4[%add3A, %dma_wait3A_198] : memref<32x100352xf32, #tpu.memory_space<hbm>> -> memref<1x12544xf32, #tpu.memory_space<hbm>>
        %dma_wait3A_200 = tpu.memref_squeeze %dma_wait3A_199 : memref<1x12544xf32, #tpu.memory_space<hbm>> -> memref<12544xf32, #tpu.memory_space<hbm>>
        %dma_wait3A_201 = arith.constant 25088 : i32
        %dma_wait3A_202 = tpu.memref_slice %arg6[%dma_wait3A_201] : memref<100352xf32, #tpu.memory_space<vmem>> -> memref<12544xf32, #tpu.memory_space<vmem>>
        tpu.wait_dma2 semaphore(%run_scoped3A : memref<!tpu.dma_semaphore, #tpu.memory_space<semaphore_mem>>) src(%dma_wait3A_202 : memref<12544xf32, #tpu.memory_space<vmem>>) dst(%dma_wait3A_200 : memref<12544xf32, #tpu.memory_space<hbm>>)
        tpu.yield
      }) : () -> ()
    } else {
    }
    %lt3A_143 = arith.constant 50176 : i32
    %lt3A_144 = arith.cmpi slt, %reduce_min3A_50, %lt3A_143 : i32
    %ge3A_145 = arith.constant 37632 : i32
    %ge3A_146 = arith.cmpi sge, %reduce_max3A_59, %ge3A_145 : i32
    %and3A_147 = arith.andi %lt3A_144, %ge3A_146 : i1
    %convert_element_type3A_148 = arith.extui %and3A_147 : i1 to i32
    %cond3A_149 = arith.constant 0 : i32
    %cond3A_150 = arith.cmpi ne, %convert_element_type3A_148, %cond3A_149 : i32
    scf.if %cond3A_150 {
      "tpu.region"() ({
        %run_scoped3A = tpu.sem_alloc : memref<!tpu.dma_semaphore, #tpu.memory_space<semaphore_mem>>
        %dma_start3A_183 = arith.constant 37632 : i32
        %dma_start3A_184 = tpu.memref_slice %arg6[%dma_start3A_183] : memref<100352xf32, #tpu.memory_space<vmem>> -> memref<12544xf32, #tpu.memory_space<vmem>>
        %dma_start3A_185 = arith.constant 37632 : i32
        %dma_start3A_186 = tpu.memref_slice %arg4[%add3A, %dma_start3A_185] : memref<32x100352xf32, #tpu.memory_space<hbm>> -> memref<1x12544xf32, #tpu.memory_space<hbm>>
        %dma_start3A_187 = tpu.memref_squeeze %dma_start3A_186 : memref<1x12544xf32, #tpu.memory_space<hbm>> -> memref<12544xf32, #tpu.memory_space<hbm>>
        %dma_start3A_188 = arith.constant 37632 : i32
        %dma_start3A_189 = tpu.memref_slice %arg4[%add3A, %dma_start3A_188] : memref<32x100352xf32, #tpu.memory_space<hbm>> -> memref<1x12544xf32, #tpu.memory_space<hbm>>
        %dma_start3A_190 = tpu.memref_squeeze %dma_start3A_189 : memref<1x12544xf32, #tpu.memory_space<hbm>> -> memref<12544xf32, #tpu.memory_space<hbm>>
        %dma_start3A_191 = arith.constant 37632 : i32
        %dma_start3A_192 = tpu.memref_slice %arg6[%dma_start3A_191] : memref<100352xf32, #tpu.memory_space<vmem>> -> memref<12544xf32, #tpu.memory_space<vmem>>
        tpu.enqueue_dma source(%dma_start3A_192 : memref<12544xf32, #tpu.memory_space<vmem>>) target(%dma_start3A_190 : memref<12544xf32, #tpu.memory_space<hbm>>) target_semaphore(%run_scoped3A : memref<!tpu.dma_semaphore, #tpu.memory_space<semaphore_mem>>)
        %dma_wait3A_193 = arith.constant 37632 : i32
        %dma_wait3A_194 = tpu.memref_slice %arg6[%dma_wait3A_193] : memref<100352xf32, #tpu.memory_space<vmem>> -> memref<12544xf32, #tpu.memory_space<vmem>>
        %dma_wait3A_195 = arith.constant 37632 : i32
        %dma_wait3A_196 = tpu.memref_slice %arg4[%add3A, %dma_wait3A_195] : memref<32x100352xf32, #tpu.memory_space<hbm>> -> memref<1x12544xf32, #tpu.memory_space<hbm>>
        %dma_wait3A_197 = tpu.memref_squeeze %dma_wait3A_196 : memref<1x12544xf32, #tpu.memory_space<hbm>> -> memref<12544xf32, #tpu.memory_space<hbm>>
        %dma_wait3A_198 = arith.constant 37632 : i32
        %dma_wait3A_199 = tpu.memref_slice %arg4[%add3A, %dma_wait3A_198] : memref<32x100352xf32, #tpu.memory_space<hbm>> -> memref<1x12544xf32, #tpu.memory_space<hbm>>
        %dma_wait3A_200 = tpu.memref_squeeze %dma_wait3A_199 : memref<1x12544xf32, #tpu.memory_space<hbm>> -> memref<12544xf32, #tpu.memory_space<hbm>>
        %dma_wait3A_201 = arith.constant 37632 : i32
        %dma_wait3A_202 = tpu.memref_slice %arg6[%dma_wait3A_201] : memref<100352xf32, #tpu.memory_space<vmem>> -> memref<12544xf32, #tpu.memory_space<vmem>>
        tpu.wait_dma2 semaphore(%run_scoped3A : memref<!tpu.dma_semaphore, #tpu.memory_space<semaphore_mem>>) src(%dma_wait3A_202 : memref<12544xf32, #tpu.memory_space<vmem>>) dst(%dma_wait3A_200 : memref<12544xf32, #tpu.memory_space<hbm>>)
        tpu.yield
      }) : () -> ()
    } else {
    }
    %lt3A_151 = arith.constant 62720 : i32
    %lt3A_152 = arith.cmpi slt, %reduce_min3A_50, %lt3A_151 : i32
    %ge3A_153 = arith.constant 50176 : i32
    %ge3A_154 = arith.cmpi sge, %reduce_max3A_59, %ge3A_153 : i32
    %and3A_155 = arith.andi %lt3A_152, %ge3A_154 : i1
    %convert_element_type3A_156 = arith.extui %and3A_155 : i1 to i32
    %cond3A_157 = arith.constant 0 : i32
    %cond3A_158 = arith.cmpi ne, %convert_element_type3A_156, %cond3A_157 : i32
    scf.if %cond3A_158 {
      "tpu.region"() ({
        %run_scoped3A = tpu.sem_alloc : memref<!tpu.dma_semaphore, #tpu.memory_space<semaphore_mem>>
        %dma_start3A_183 = arith.constant 50176 : i32
        %dma_start3A_184 = tpu.memref_slice %arg6[%dma_start3A_183] : memref<100352xf32, #tpu.memory_space<vmem>> -> memref<12544xf32, #tpu.memory_space<vmem>>
        %dma_start3A_185 = arith.constant 50176 : i32
        %dma_start3A_186 = tpu.memref_slice %arg4[%add3A, %dma_start3A_185] : memref<32x100352xf32, #tpu.memory_space<hbm>> -> memref<1x12544xf32, #tpu.memory_space<hbm>>
        %dma_start3A_187 = tpu.memref_squeeze %dma_start3A_186 : memref<1x12544xf32, #tpu.memory_space<hbm>> -> memref<12544xf32, #tpu.memory_space<hbm>>
        %dma_start3A_188 = arith.constant 50176 : i32
        %dma_start3A_189 = tpu.memref_slice %arg4[%add3A, %dma_start3A_188] : memref<32x100352xf32, #tpu.memory_space<hbm>> -> memref<1x12544xf32, #tpu.memory_space<hbm>>
        %dma_start3A_190 = tpu.memref_squeeze %dma_start3A_189 : memref<1x12544xf32, #tpu.memory_space<hbm>> -> memref<12544xf32, #tpu.memory_space<hbm>>
        %dma_start3A_191 = arith.constant 50176 : i32
        %dma_start3A_192 = tpu.memref_slice %arg6[%dma_start3A_191] : memref<100352xf32, #tpu.memory_space<vmem>> -> memref<12544xf32, #tpu.memory_space<vmem>>
        tpu.enqueue_dma source(%dma_start3A_192 : memref<12544xf32, #tpu.memory_space<vmem>>) target(%dma_start3A_190 : memref<12544xf32, #tpu.memory_space<hbm>>) target_semaphore(%run_scoped3A : memref<!tpu.dma_semaphore, #tpu.memory_space<semaphore_mem>>)
        %dma_wait3A_193 = arith.constant 50176 : i32
        %dma_wait3A_194 = tpu.memref_slice %arg6[%dma_wait3A_193] : memref<100352xf32, #tpu.memory_space<vmem>> -> memref<12544xf32, #tpu.memory_space<vmem>>
        %dma_wait3A_195 = arith.constant 50176 : i32
        %dma_wait3A_196 = tpu.memref_slice %arg4[%add3A, %dma_wait3A_195] : memref<32x100352xf32, #tpu.memory_space<hbm>> -> memref<1x12544xf32, #tpu.memory_space<hbm>>
        %dma_wait3A_197 = tpu.memref_squeeze %dma_wait3A_196 : memref<1x12544xf32, #tpu.memory_space<hbm>> -> memref<12544xf32, #tpu.memory_space<hbm>>
        %dma_wait3A_198 = arith.constant 50176 : i32
        %dma_wait3A_199 = tpu.memref_slice %arg4[%add3A, %dma_wait3A_198] : memref<32x100352xf32, #tpu.memory_space<hbm>> -> memref<1x12544xf32, #tpu.memory_space<hbm>>
        %dma_wait3A_200 = tpu.memref_squeeze %dma_wait3A_199 : memref<1x12544xf32, #tpu.memory_space<hbm>> -> memref<12544xf32, #tpu.memory_space<hbm>>
        %dma_wait3A_201 = arith.constant 50176 : i32
        %dma_wait3A_202 = tpu.memref_slice %arg6[%dma_wait3A_201] : memref<100352xf32, #tpu.memory_space<vmem>> -> memref<12544xf32, #tpu.memory_space<vmem>>
        tpu.wait_dma2 semaphore(%run_scoped3A : memref<!tpu.dma_semaphore, #tpu.memory_space<semaphore_mem>>) src(%dma_wait3A_202 : memref<12544xf32, #tpu.memory_space<vmem>>) dst(%dma_wait3A_200 : memref<12544xf32, #tpu.memory_space<hbm>>)
        tpu.yield
      }) : () -> ()
    } else {
    }
    %lt3A_159 = arith.constant 75264 : i32
    %lt3A_160 = arith.cmpi slt, %reduce_min3A_50, %lt3A_159 : i32
    %ge3A_161 = arith.constant 62720 : i32
    %ge3A_162 = arith.cmpi sge, %reduce_max3A_59, %ge3A_161 : i32
    %and3A_163 = arith.andi %lt3A_160, %ge3A_162 : i1
    %convert_element_type3A_164 = arith.extui %and3A_163 : i1 to i32
    %cond3A_165 = arith.constant 0 : i32
    %cond3A_166 = arith.cmpi ne, %convert_element_type3A_164, %cond3A_165 : i32
    scf.if %cond3A_166 {
      "tpu.region"() ({
        %run_scoped3A = tpu.sem_alloc : memref<!tpu.dma_semaphore, #tpu.memory_space<semaphore_mem>>
        %dma_start3A_183 = arith.constant 62720 : i32
        %dma_start3A_184 = tpu.memref_slice %arg6[%dma_start3A_183] : memref<100352xf32, #tpu.memory_space<vmem>> -> memref<12544xf32, #tpu.memory_space<vmem>>
        %dma_start3A_185 = arith.constant 62720 : i32
        %dma_start3A_186 = tpu.memref_slice %arg4[%add3A, %dma_start3A_185] : memref<32x100352xf32, #tpu.memory_space<hbm>> -> memref<1x12544xf32, #tpu.memory_space<hbm>>
        %dma_start3A_187 = tpu.memref_squeeze %dma_start3A_186 : memref<1x12544xf32, #tpu.memory_space<hbm>> -> memref<12544xf32, #tpu.memory_space<hbm>>
        %dma_start3A_188 = arith.constant 62720 : i32
        %dma_start3A_189 = tpu.memref_slice %arg4[%add3A, %dma_start3A_188] : memref<32x100352xf32, #tpu.memory_space<hbm>> -> memref<1x12544xf32, #tpu.memory_space<hbm>>
        %dma_start3A_190 = tpu.memref_squeeze %dma_start3A_189 : memref<1x12544xf32, #tpu.memory_space<hbm>> -> memref<12544xf32, #tpu.memory_space<hbm>>
        %dma_start3A_191 = arith.constant 62720 : i32
        %dma_start3A_192 = tpu.memref_slice %arg6[%dma_start3A_191] : memref<100352xf32, #tpu.memory_space<vmem>> -> memref<12544xf32, #tpu.memory_space<vmem>>
        tpu.enqueue_dma source(%dma_start3A_192 : memref<12544xf32, #tpu.memory_space<vmem>>) target(%dma_start3A_190 : memref<12544xf32, #tpu.memory_space<hbm>>) target_semaphore(%run_scoped3A : memref<!tpu.dma_semaphore, #tpu.memory_space<semaphore_mem>>)
        %dma_wait3A_193 = arith.constant 62720 : i32
        %dma_wait3A_194 = tpu.memref_slice %arg6[%dma_wait3A_193] : memref<100352xf32, #tpu.memory_space<vmem>> -> memref<12544xf32, #tpu.memory_space<vmem>>
        %dma_wait3A_195 = arith.constant 62720 : i32
        %dma_wait3A_196 = tpu.memref_slice %arg4[%add3A, %dma_wait3A_195] : memref<32x100352xf32, #tpu.memory_space<hbm>> -> memref<1x12544xf32, #tpu.memory_space<hbm>>
        %dma_wait3A_197 = tpu.memref_squeeze %dma_wait3A_196 : memref<1x12544xf32, #tpu.memory_space<hbm>> -> memref<12544xf32, #tpu.memory_space<hbm>>
        %dma_wait3A_198 = arith.constant 62720 : i32
        %dma_wait3A_199 = tpu.memref_slice %arg4[%add3A, %dma_wait3A_198] : memref<32x100352xf32, #tpu.memory_space<hbm>> -> memref<1x12544xf32, #tpu.memory_space<hbm>>
        %dma_wait3A_200 = tpu.memref_squeeze %dma_wait3A_199 : memref<1x12544xf32, #tpu.memory_space<hbm>> -> memref<12544xf32, #tpu.memory_space<hbm>>
        %dma_wait3A_201 = arith.constant 62720 : i32
        %dma_wait3A_202 = tpu.memref_slice %arg6[%dma_wait3A_201] : memref<100352xf32, #tpu.memory_space<vmem>> -> memref<12544xf32, #tpu.memory_space<vmem>>
        tpu.wait_dma2 semaphore(%run_scoped3A : memref<!tpu.dma_semaphore, #tpu.memory_space<semaphore_mem>>) src(%dma_wait3A_202 : memref<12544xf32, #tpu.memory_space<vmem>>) dst(%dma_wait3A_200 : memref<12544xf32, #tpu.memory_space<hbm>>)
        tpu.yield
      }) : () -> ()
    } else {
    }
    %lt3A_167 = arith.constant 87808 : i32
    %lt3A_168 = arith.cmpi slt, %reduce_min3A_50, %lt3A_167 : i32
    %ge3A_169 = arith.constant 75264 : i32
    %ge3A_170 = arith.cmpi sge, %reduce_max3A_59, %ge3A_169 : i32
    %and3A_171 = arith.andi %lt3A_168, %ge3A_170 : i1
    %convert_element_type3A_172 = arith.extui %and3A_171 : i1 to i32
    %cond3A_173 = arith.constant 0 : i32
    %cond3A_174 = arith.cmpi ne, %convert_element_type3A_172, %cond3A_173 : i32
    scf.if %cond3A_174 {
      "tpu.region"() ({
        %run_scoped3A = tpu.sem_alloc : memref<!tpu.dma_semaphore, #tpu.memory_space<semaphore_mem>>
        %dma_start3A_183 = arith.constant 75264 : i32
        %dma_start3A_184 = tpu.memref_slice %arg6[%dma_start3A_183] : memref<100352xf32, #tpu.memory_space<vmem>> -> memref<12544xf32, #tpu.memory_space<vmem>>
        %dma_start3A_185 = arith.constant 75264 : i32
        %dma_start3A_186 = tpu.memref_slice %arg4[%add3A, %dma_start3A_185] : memref<32x100352xf32, #tpu.memory_space<hbm>> -> memref<1x12544xf32, #tpu.memory_space<hbm>>
        %dma_start3A_187 = tpu.memref_squeeze %dma_start3A_186 : memref<1x12544xf32, #tpu.memory_space<hbm>> -> memref<12544xf32, #tpu.memory_space<hbm>>
        %dma_start3A_188 = arith.constant 75264 : i32
        %dma_start3A_189 = tpu.memref_slice %arg4[%add3A, %dma_start3A_188] : memref<32x100352xf32, #tpu.memory_space<hbm>> -> memref<1x12544xf32, #tpu.memory_space<hbm>>
        %dma_start3A_190 = tpu.memref_squeeze %dma_start3A_189 : memref<1x12544xf32, #tpu.memory_space<hbm>> -> memref<12544xf32, #tpu.memory_space<hbm>>
        %dma_start3A_191 = arith.constant 75264 : i32
        %dma_start3A_192 = tpu.memref_slice %arg6[%dma_start3A_191] : memref<100352xf32, #tpu.memory_space<vmem>> -> memref<12544xf32, #tpu.memory_space<vmem>>
        tpu.enqueue_dma source(%dma_start3A_192 : memref<12544xf32, #tpu.memory_space<vmem>>) target(%dma_start3A_190 : memref<12544xf32, #tpu.memory_space<hbm>>) target_semaphore(%run_scoped3A : memref<!tpu.dma_semaphore, #tpu.memory_space<semaphore_mem>>)
        %dma_wait3A_193 = arith.constant 75264 : i32
        %dma_wait3A_194 = tpu.memref_slice %arg6[%dma_wait3A_193] : memref<100352xf32, #tpu.memory_space<vmem>> -> memref<12544xf32, #tpu.memory_space<vmem>>
        %dma_wait3A_195 = arith.constant 75264 : i32
        %dma_wait3A_196 = tpu.memref_slice %arg4[%add3A, %dma_wait3A_195] : memref<32x100352xf32, #tpu.memory_space<hbm>> -> memref<1x12544xf32, #tpu.memory_space<hbm>>
        %dma_wait3A_197 = tpu.memref_squeeze %dma_wait3A_196 : memref<1x12544xf32, #tpu.memory_space<hbm>> -> memref<12544xf32, #tpu.memory_space<hbm>>
        %dma_wait3A_198 = arith.constant 75264 : i32
        %dma_wait3A_199 = tpu.memref_slice %arg4[%add3A, %dma_wait3A_198] : memref<32x100352xf32, #tpu.memory_space<hbm>> -> memref<1x12544xf32, #tpu.memory_space<hbm>>
        %dma_wait3A_200 = tpu.memref_squeeze %dma_wait3A_199 : memref<1x12544xf32, #tpu.memory_space<hbm>> -> memref<12544xf32, #tpu.memory_space<hbm>>
        %dma_wait3A_201 = arith.constant 75264 : i32
        %dma_wait3A_202 = tpu.memref_slice %arg6[%dma_wait3A_201] : memref<100352xf32, #tpu.memory_space<vmem>> -> memref<12544xf32, #tpu.memory_space<vmem>>
        tpu.wait_dma2 semaphore(%run_scoped3A : memref<!tpu.dma_semaphore, #tpu.memory_space<semaphore_mem>>) src(%dma_wait3A_202 : memref<12544xf32, #tpu.memory_space<vmem>>) dst(%dma_wait3A_200 : memref<12544xf32, #tpu.memory_space<hbm>>)
        tpu.yield
      }) : () -> ()
    } else {
    }
    %lt3A_175 = arith.constant 100352 : i32
    %lt3A_176 = arith.cmpi slt, %reduce_min3A_50, %lt3A_175 : i32
    %ge3A_177 = arith.constant 87808 : i32
    %ge3A_178 = arith.cmpi sge, %reduce_max3A_59, %ge3A_177 : i32
    %and3A_179 = arith.andi %lt3A_176, %ge3A_178 : i1
    %convert_element_type3A_180 = arith.extui %and3A_179 : i1 to i32
    %cond3A_181 = arith.constant 0 : i32
    %cond3A_182 = arith.cmpi ne, %convert_element_type3A_180, %cond3A_181 : i32
    scf.if %cond3A_182 {
      "tpu.region"() ({
        %run_scoped3A = tpu.sem_alloc : memref<!tpu.dma_semaphore, #tpu.memory_space<semaphore_mem>>
        %dma_start3A_183 = arith.constant 87808 : i32
        %dma_start3A_184 = tpu.memref_slice %arg6[%dma_start3A_183] : memref<100352xf32, #tpu.memory_space<vmem>> -> memref<12544xf32, #tpu.memory_space<vmem>>
        %dma_start3A_185 = arith.constant 87808 : i32
        %dma_start3A_186 = tpu.memref_slice %arg4[%add3A, %dma_start3A_185] : memref<32x100352xf32, #tpu.memory_space<hbm>> -> memref<1x12544xf32, #tpu.memory_space<hbm>>
        %dma_start3A_187 = tpu.memref_squeeze %dma_start3A_186 : memref<1x12544xf32, #tpu.memory_space<hbm>> -> memref<12544xf32, #tpu.memory_space<hbm>>
        %dma_start3A_188 = arith.constant 87808 : i32
        %dma_start3A_189 = tpu.memref_slice %arg4[%add3A, %dma_start3A_188] : memref<32x100352xf32, #tpu.memory_space<hbm>> -> memref<1x12544xf32, #tpu.memory_space<hbm>>
        %dma_start3A_190 = tpu.memref_squeeze %dma_start3A_189 : memref<1x12544xf32, #tpu.memory_space<hbm>> -> memref<12544xf32, #tpu.memory_space<hbm>>
        %dma_start3A_191 = arith.constant 87808 : i32
        %dma_start3A_192 = tpu.memref_slice %arg6[%dma_start3A_191] : memref<100352xf32, #tpu.memory_space<vmem>> -> memref<12544xf32, #tpu.memory_space<vmem>>
        tpu.enqueue_dma source(%dma_start3A_192 : memref<12544xf32, #tpu.memory_space<vmem>>) target(%dma_start3A_190 : memref<12544xf32, #tpu.memory_space<hbm>>) target_semaphore(%run_scoped3A : memref<!tpu.dma_semaphore, #tpu.memory_space<semaphore_mem>>)
        %dma_wait3A_193 = arith.constant 87808 : i32
        %dma_wait3A_194 = tpu.memref_slice %arg6[%dma_wait3A_193] : memref<100352xf32, #tpu.memory_space<vmem>> -> memref<12544xf32, #tpu.memory_space<vmem>>
        %dma_wait3A_195 = arith.constant 87808 : i32
        %dma_wait3A_196 = tpu.memref_slice %arg4[%add3A, %dma_wait3A_195] : memref<32x100352xf32, #tpu.memory_space<hbm>> -> memref<1x12544xf32, #tpu.memory_space<hbm>>
        %dma_wait3A_197 = tpu.memref_squeeze %dma_wait3A_196 : memref<1x12544xf32, #tpu.memory_space<hbm>> -> memref<12544xf32, #tpu.memory_space<hbm>>
        %dma_wait3A_198 = arith.constant 87808 : i32
        %dma_wait3A_199 = tpu.memref_slice %arg4[%add3A, %dma_wait3A_198] : memref<32x100352xf32, #tpu.memory_space<hbm>> -> memref<1x12544xf32, #tpu.memory_space<hbm>>
        %dma_wait3A_200 = tpu.memref_squeeze %dma_wait3A_199 : memref<1x12544xf32, #tpu.memory_space<hbm>> -> memref<12544xf32, #tpu.memory_space<hbm>>
        %dma_wait3A_201 = arith.constant 87808 : i32
        %dma_wait3A_202 = tpu.memref_slice %arg6[%dma_wait3A_201] : memref<100352xf32, #tpu.memory_space<vmem>> -> memref<12544xf32, #tpu.memory_space<vmem>>
        tpu.wait_dma2 semaphore(%run_scoped3A : memref<!tpu.dma_semaphore, #tpu.memory_space<semaphore_mem>>) src(%dma_wait3A_202 : memref<12544xf32, #tpu.memory_space<vmem>>) dst(%dma_wait3A_200 : memref<12544xf32, #tpu.memory_space<hbm>>)
        tpu.yield
      }) : () -> ()
    } else {
    }
    return
  }
}

module attributes {stable_mosaic.version = 14 : i64} {
  func.func @body(%arg0: i32, %arg1: memref<32x14336xf32, #tpu.memory_space<vmem>>, %arg2: memref<32x16xi32, #tpu.memory_space<vmem>>, %arg3: memref<14336xf32, #tpu.memory_space<vmem>>) attributes {dimension_semantics = [#tpu.dimension_semantics<arbitrary>], iteration_bounds = array<i64: 7>, scalar_prefetch = 0 : i64, scratch_operands = 0 : i64, tpu.core_type = #tpu.core_type<tc>, window_params = [{transform_indices = @transform_0, window_bounds = array<i64: 32, 14336>}, {pipeline_mode = #tpu.pipeline_mode<synchronous>, transform_indices = @transform_1, window_bounds = array<i64: 32, 16>}, {transform_indices = @transform_2, window_bounds = array<i64: 14336>}]} {
    %get3A = arith.constant 0 : index
    %get3A_0 = arith.constant 0 : index
    %get3A_1 = vector.load %arg2[%get3A, %get3A_0] : memref<32x16xi32, #tpu.memory_space<vmem>>, vector<32x16xi32>
    %slice3A = vector.extract_strided_slice %get3A_1 {offsets = [0, 0], sizes = [32, 1], strides = [1, 1]} : vector<32x16xi32> to vector<32x1xi32>
    %slice3A_2 = vector.extract_strided_slice %get3A_1 {offsets = [0, 1], sizes = [32, 1], strides = [1, 1]} : vector<32x16xi32> to vector<32x1xi32>
    %iota3A = tpu.iota {dimensions = array<i32: 1>} : vector<32x14336xi32>
    %mul3A = arith.constant 14336 : i32
    %mul3A_3 = arith.muli %arg0, %mul3A : i32
    %add3A = vector.broadcast %mul3A_3 : i32 to vector<32x14336xi32>
    %add3A_4 = arith.addi %iota3A, %add3A : vector<32x14336xi32>
    %ge3A = vector.broadcast %slice3A : vector<32x1xi32> to vector<32x14336xi32>
    %ge3A_5 = arith.cmpi sge, %add3A_4, %ge3A : vector<32x14336xi32>
    %le3A = vector.broadcast %slice3A_2 : vector<32x1xi32> to vector<32x14336xi32>
    %le3A_6 = arith.cmpi sle, %add3A_4, %le3A : vector<32x14336xi32>
    %and3A = arith.andi %ge3A_5, %le3A_6 : vector<32x14336xi1>
    %get3A_7 = arith.constant 0 : index
    %get3A_8 = arith.constant 0 : index
    %get3A_9 = vector.load %arg1[%get3A_7, %get3A_8] : memref<32x14336xf32, #tpu.memory_space<vmem>>, vector<32x14336xf32>
    %jit3A = arith.constant 0.000000e+00 : f32
    %broadcast_in_dim3A = vector.broadcast %jit3A : f32 to vector<32x14336xf32>
    %select_n3A = arith.select %and3A, %get3A_9, %broadcast_in_dim3A : vector<32x14336xi1>, vector<32x14336xf32>
    %reduce_sum3A = arith.constant dense<0.000000e+00> : vector<14336xf32>
    %reduce_sum3A_10 = vector.multi_reduction <add>, %select_n3A, %reduce_sum3A [0] : vector<32x14336xf32> to vector<14336xf32>
    %swap3A = arith.constant 0 : index
    %swap3A_11 = vector.load %arg3[%swap3A] : memref<14336xf32, #tpu.memory_space<vmem>>, vector<14336xf32>
    tpu.vector_store %arg3[%swap3A], %reduce_sum3A_10 {strides = array<i32>} : memref<14336xf32, #tpu.memory_space<vmem>>, vector<14336xf32>,
    return
  }
  func.func @transform_0(%arg0: i32) -> (i32, i32) {
    %c0_i32 = arith.constant 0 : i32
    %c0_i32_0 = arith.constant 0 : i32
    return %c0_i32, %arg0 : i32, i32
  }
  func.func @transform_1(%arg0: i32) -> (i32, i32) {
    %c0_i32 = arith.constant 0 : i32
    %c0_i32_0 = arith.constant 0 : i32
    %c0_i32_1 = arith.constant 0 : i32
    return %c0_i32, %c0_i32_0 : i32, i32
  }
  func.func @transform_2(%arg0: i32) -> i32 {
    %c0_i32 = arith.constant 0 : i32
    return %arg0 : i32
  }
}

</mosaic_0001>

<sc_bundles>
// kernel: kernel.4.cloned.1.call-start
scs
__scs_entry_jumppad:
0x0: {  	(pc) =	sbr.rel $0x88, $3  }
0x1: {  	(tag) =	ssettag $0x0;
	lr =	simm.s32 $0x1  }
0x2: {  	[smem:$0x3F9F] =	sst lr;
	_ =	strace $0xD0000000  }
0x3: {  	_ = 	snop  }
0x4: {  	_ = 	snop  }
0x5: {  	_ = 	snop  }
0x6: {  	_ = 	snop  }
0x7: {  	_ = 	snop  }
__scs_overlays_trampoline_lowered:
0x8: {  	[smem:$0x3FAE] =	sst s0  }
0x9: {  	[smem:$0x3FAF] =	sst s1  }
0xa: {  	[smem:$0x3FB0] =	sst s2  }
0xb: {  	[smem:$0x3FB1] =	sst s3  }
0xc: {  	[smem:$0x3FB2] =	sst s4  }
0xd: {  	[smem:$0x3FB3] =	sst s5  }
0xe: {  	[smem:$0x3FB4] =	sst s6  }
0xf: {  	[smem:$0x3FB5] =	sst s7  }
0x10: {  	[smem:$0x3FB6] =	sst s8  }
0x11: {  	[smem:$0x3FB7] =	sst s9;
	s0 =	simm.s32 @!p0 $0x0  }
0x12: {  	s1 =	sld [smem:$0x3F9D];
	s0 =	simm.s32 @p0 $0x1  }
0x13: {  	[smem:$0x3FB8] =	sst s0;
	s0 =	simm.s32 @!p1 $0x0  }
0x14: {  	s2 =	sld [smem:$0x3F9C];
	s0 =	simm.s32 @p1 $0x1  }
0x15: {  	[smem:$0x3FB9] =	sst s0;
	s0 =	simm.s32 @!p2 $0x0  }
0x16: {  	s3 =	sld [smem:$0x3FDB];
	s0 =	simm.s32 @p2 $0x1  }
0x17: {  	s4 =	simm.s32 $0x1BF5;
	[smem:$0x3FBB] =	sst s0  }
0x18: {  	s0 =	sld [smem:$0x3F9E];
	_ =	swait.ge [sflag:s4], $0x0  }
0x19: {  	s7 =	sld [smem:$0x3F9F]  }
0x1a: {  	s8 =	sadd.s32 $0xFFFFE003, lr  }
0x1b: {  	s9 =	sadd.s32 $0xFFFFFEF7, lr;
	s5 =	simm.s32 $0xFFFFFFFF;
	p2 =	slt.u32 s8, $0xFFFFF086  }
0x1c: {  	p1 =	slt.u32 s9, $0xF7A;
	s5 =	simm.s32 @!p2 $0x0  }
0x1d: {  	s5 =	simm.s32 @p1 $0x1;
	p0 =	seq.s32 s7, s2  }
0x1e: {  	s7 =	smul.u32 @!p0 $0xF7A, s2;
	p2 =	seq.s32 @!p0 s5, $0x0  }
0x1f: {  	s9 =	smul.u32 $0xF7A, s1;
	s8 =	simm.s32 @!p0 $0x1BF5;
	p2 =	por !p2, p0  }
0x20: {  	[sflag:s8] =	ssyncset.s32 @!p0 $0xFFFFF086;
	s6 =	sadd.s32 @!p0 s3, s7;
	s7 =	simm.s32 @!p0 $0x108  }
0x21: {  	s3 =	sadd.s32 s3, s9;
	s6 =	sadd.s32 @!p0 $0x88, s6;
	s7 =	simm.s32 @p2 $0x1082  }
0x22: {  	[simem:s7], [sflag:s8] =	dma.local @!p0 [hbm:s6], $0xF7A  }
0x23: {  	s9 =	sor.u32 $0xD0000000, s2;
	s6 =	simm.s32 $0x108;
	_ =	swait.ge @!p0 [sflag:s8], $0x0  }
0x24: {  	s3 =	sadd.s32 $0x88, s3;
	s6 =	simm.s32 @!p1 $0x1082;
	[sflag:s4] =	ssyncset.s32 $0xFFFFF086  }
0x25: {  	[simem:s6], [sflag:s4] =	dma.local [hbm:s3], $0xF7A  }
0x26: {  	[smem:$0x3F9F] =	sst s1;
	(tag) =	ssettag s2;
	_ =	strace s9  }
0x27: {  	s1 =	sld [smem:$0x3FAF]  }
0x28: {  	s2 =	sld [smem:$0x3FB0]  }
0x29: {  	s4 =	sld [smem:$0x3FB2]  }
0x2a: {  	p0 =	seq.s32 s5, $0x0;
	s5 =	sld [smem:$0x3FB3]  }
0x2b: {  	s6 =	sld [smem:$0x3FB4]  }
0x2c: {  	s7 =	sld [smem:$0x3FB5]  }
0x2d: {  	s3 =	simm.s32 $0x108;
	s8 =	sld [smem:$0x3FB6]  }
0x2e: {  	s3 =	simm.s32 @!p0 $0x1082;
	s9 =	sld [smem:$0x3FB7]  }
0x2f: {  	lr =	sadd.s32 s0, s3;
	s0 =	sld [smem:$0x3FAE]  }
0x30: {  	s3 =	sld [smem:$0x3FB1]  }
0x31: {  	[smem:$0x3FBA] =	sst s10  }
0x32: {  	s10 =	sld [smem:$0x3FB8];
	_ =	sdelay $0x3  }
0x33: {  	p0 =	seq.s32 s10, $0x1;
	s10 =	sld [smem:$0x3FBA];
	_ =	sdelay $0x3  }
0x34: {  	[smem:$0x3FBA] =	sst s10  }
0x35: {  	s10 =	sld [smem:$0x3FB9];
	_ =	sdelay $0x3  }
0x36: {  	p1 =	seq.s32 s10, $0x1;
	s10 =	sld [smem:$0x3FBA];
	_ =	sdelay $0x3  }
0x37: {  	[smem:$0x3FBA] =	sst s10  }
0x38: {  	s10 =	sld [smem:$0x3FBB]  }
0x39: {  	_ = 	snop;
	(pc) =	sbr.ind lr, $3  }
0x3a: {  	_ = 	snop  }
0x3b: {  	_ = 	snop  }
0x3c: {  	p2 =	seq.s32 s10, $0x1;
	s10 =	sld [smem:$0x3FBA]  }
0x3d: {  	_ =	shalt  }
0x3e: {  	_ =	shalt  }
0x3f: {  	_ =	shalt  }
0x40: {  	_ =	shalt  }
0x41: {  	_ =	shalt  }
0x42: {  	_ =	shalt  }
0x43: {  	_ =	shalt  }
0x44: {  	_ =	shalt  }
0x45: {  	_ =	shalt  }
0x46: {  	_ =	shalt  }
0x47: {  	_ =	shalt  }
0x48: {  	_ =	shalt  }
0x49: {  	_ =	shalt  }
0x4a: {  	_ =	shalt  }
0x4b: {  	_ =	shalt  }
0x4c: {  	_ =	shalt  }
0x4d: {  	_ =	shalt  }
0x4e: {  	_ =	shalt  }
0x4f: {  	_ =	shalt  }
0x50: {  	_ =	shalt  }
0x51: {  	_ =	shalt  }
0x52: {  	_ =	shalt  }
0x53: {  	_ =	shalt  }
0x54: {  	_ =	shalt  }
0x55: {  	_ =	shalt  }
0x56: {  	_ =	shalt  }
0x57: {  	_ =	shalt  }
0x58: {  	_ =	shalt  }
0x59: {  	_ =	shalt  }
0x5a: {  	_ =	shalt  }
0x5b: {  	_ =	shalt  }
0x5c: {  	_ =	shalt  }
0x5d: {  	_ =	shalt  }
0x5e: {  	_ =	shalt  }
0x5f: {  	_ =	shalt  }
0x60: {  	_ =	shalt  }
0x61: {  	_ =	shalt  }
0x62: {  	_ =	shalt  }
0x63: {  	_ =	shalt  }
0x64: {  	_ =	shalt  }
0x65: {  	_ =	shalt  }
0x66: {  	_ =	shalt  }
0x67: {  	_ =	shalt  }
0x68: {  	_ =	shalt  }
0x69: {  	_ =	shalt  }
0x6a: {  	_ =	shalt  }
0x6b: {  	_ =	shalt  }
0x6c: {  	_ =	shalt  }
0x6d: {  	_ =	shalt  }
0x6e: {  	_ =	shalt  }
0x6f: {  	_ =	shalt  }
0x70: {  	_ =	shalt  }
0x71: {  	_ =	shalt  }
0x72: {  	_ =	shalt  }
0x73: {  	_ =	shalt  }
0x74: {  	_ =	shalt  }
0x75: {  	_ =	shalt  }
0x76: {  	_ =	shalt  }
0x77: {  	_ =	shalt  }
0x78: {  	_ =	shalt  }
0x79: {  	_ =	shalt  }
0x7a: {  	_ =	shalt  }
0x7b: {  	_ =	shalt  }
0x7c: {  	_ =	shalt  }
0x7d: {  	_ =	shalt  }
0x7e: {  	_ =	shalt  }
0x7f: {  	_ =	shalt  }
0x80: {  	_ =	shalt  }
0x81: {  	_ =	shalt  }
0x82: {  	_ =	shalt  }
0x83: {  	_ =	shalt  }
0x84: {  	_ =	shalt  }
0x85: {  	_ =	shalt  }
0x86: {  	_ =	shalt  }
0x87: {  	_ =	shalt  }
.Lfunc_end0:
.L_simem_size_0:
called_computation_lowered:
.L_overlay_start_0:
0x88: {  	s2 =	sld [smem:$0x3FD9]  }
0x89: {  	s3 =	sld [smem:$0x3FFE];
	_ =	sdelay $0x1  }
0x8a: {  	s1 =	srdreg.scid  }
0x8b: {  	s0 =	sand.u32 $0x1, s1  }
0x8c: {  	s17 =	sshll.u32 s0, $0xA;
	s2 =	sadd.s32 s3, s2  }
0x8d: {  	s2 =	sadd.s32 s2, s17  }
0x8e: {  	[smem:$0x3FC6] =	sst s2  }
0x8f: {  	_ = 	snop  }
0x90: {  	s2 =	sld [smem:$0x3FC9]  }
0x91: {  	s18 =	sld [smem:$0x3FC8]  }
0x92: {  	s4 =	sld [smem:$0x3FD0];
	(tm) =	ssettm $0x1  }
0x93: {  	s5 =	sld [smem:$0x3FFB];
	_ =	sdelay $0x3  }
0x94: {  	_ =	strace s5  }
0x95: {  	s5 =	sld [smem:$0x3FFC];
	_ =	sdelay $0x3  }
0x96: {  	_ =	strace s5  }
0x97: {  	s5 =	sld [smem:$0x3FFD];
	_ =	sdelay $0x3  }
0x98: {  	_ =	strace s5  }
0x99: {  	_ =	strace $0x8FFFFFFF  }
0x9a: {  	s19 =	sld [smem:$0x3FDB];
	_ =	sdelay $0x1  }
0x9b: {  	s6 =	simm.s32 $_scs_section_size  }
0x9c: {  	s7 =	simm.s32 $_size__tile_overlayer_lowered;
	s8 =	simm.s32 $_tile_overlayer_lowered  }
0x9d: {  	s22 =	simm.s32 $0x1BFF;
	s21 =	sshll.u32 s8, $0x1;
	s5 =	sadd.s32 s6, s19  }
0x9e: {  	s9 =	simm.s32 $0x0;
	s20 =	sshll.u32 s7, $0x1;
	s7 =	sadd.s32 s21, s5  }
0x9f: {  	[timem:s9], [sflag:s22] =	dma.local [hbm:s7], s20  }
0xa0: {  	_ =	swait.ge [sflag:s22], s20  }
0xa1: {  	s6 =	ssub.s32 $0x0, s20;
	[sflag:s22] =	ssyncset.done $0x0  }
0xa2: {  	[sflag:s22] =	ssyncadd.s32 s6;
	_ =	sdelay $0x1  }
0xa3: {  	s23 =	simm.s32 $0x1B8B  }
0xa4: {  	_ =	swait.ge [sflag:s23], $0x1  }
0xa5: {  	[sflag:s23] =	ssyncset.done $0x0  }
0xa6: {  	s25 =	simm.s32 $0x1B8E;
	s24 =	sld [smem:$0x3FFE];
	[sflag:s23] =	ssyncadd.s32 $0xFFFFFFFF  }
0xa7: {  	s26 =	simm.s32 $execute0_lowered;
	[smem:$0x3FD2] =	sst s25  }
0xa8: {  	s7 =	sshll.u32 s26, $0x1;
	_ =	strace $0x80000046;
	[dreg:$0x1] =	wrdreg $0xFFFFFFFF  }
0xa9: {  	s28 =	simm.s32 $_size_execute0_lowered;
	s5 =	sadd.s32 s5, s7;
	[dreg:$0x0] =	wrdreg $0x0  }
0xaa: {  	s7 =	sshll.u32 s28, $0x1;
	[dreg:$0x2] =	wrdreg s5  }
0xab: {  	[dreg:$0x3] =	wrdreg s7  }
0xac: {  	[dreg:$0x4] =	wrdreg $0xC0  }
0xad: {  	_ =	task [dreg:s9], $0x5FFFF  }
0xae: {  	[dreg:$0x1] =	wrdreg $0xFFFFFFFF  }
0xaf: {  	[dreg:$0x0] =	wrdreg $0x60  }
0xb0: {  	[dreg:$0x2] =	wrdreg s2  }
0xb1: {  	[dreg:$0x3] =	wrdreg s18  }
0xb2: {  	[dreg:$0x4] =	wrdreg s24  }
0xb3: {  	[dreg:$0x5] =	wrdreg s4  }
0xb4: {  	[dreg:$0x6] =	wrdreg $0x9  }
0xb5: {  	_ =	task.clear_ibuf [dreg:s9], $0x7FFFF;
	_ =	strace $0x90000046  }
0xb6: {  	s29 =	simm.s32 $0x9;
	_ =	strace $0x80000048  }
0xb7: {  	_ =	swait.ge [sflag:s29], $0x1  }
0xb8: {  	[sflag:s29] =	ssyncadd.s32 $0xFFFFFFFF  }
0xb9: {  	_ =	strace $0x90000048  }
0xba: {  	_ =	sfence  }
0xbb: {  	s30 =	sld [smem:$0x0];
	_ =	sdelay $0x2  }
0xbc: {  	s31 =	sshll.u32 s1, $0xD;
	s1 =	sshrl.u32 s1, $0x2  }
0xbd: {  	s3 =	sand.u32 $0x4000, s31;
	s1 =	sadd.s32 s1, s30  }
0xbe: {  	s0 =	sor.u32 s3, s0;
	s1 =	sshll.u32 s1, $0x11  }
0xbf: {  	s0 =	sor.u32 s1, s0  }
0xc0: {  	s0 =	sadd.s32 $0x8F2B, s0  }
0xc1: {  	[sflag:s0] =	ssyncadd.remote.s32 $0x1  }
0xc2: {  	_ =	sfence.sel $0xFFFF  }
0xc3: {  	[dreg:$0x0] =	wrdreg $0xFFFFFFFF;
	(pc) =	sbr.abs _section_cstart, $3  }
0xc4: {  	[dreg:$0x1] =	wrdreg $0xFFFFFFFF  }
0xc5: {  	_ =	task.clear_ibuf [dreg:s9], $0x2FFFF;
	_ =	strace $0x9FFFFFFF  }
0xc6: {  	(tm) =	ssettm $0x7FFFFFFF  }
0xc7: {  	_ =	shalt  }
tec
execute0_lowered:
.L_overlay_start_1:
0x0: {  	(tag) =	ssettag $0x1  }
0x1: {  	s1 =	rddreg [dreg:$0x0]  }
0x2: {  	s2 =	rddreg [dreg:$0x1]  }
0x3: {  	s0 =	srdreg.scid;
	s3 =	rddreg [dreg:$0x2]  }
0x4: {  	s11 =	stileid.u32;
	s5 =	rddreg [dreg:$0x3];
	s30 =	simm.s32 $0x5  }
0x5: {  	s0 =	sand.u32 $0x1, s0;
	s4 =	sshll.u32 s11, $0x1;
	s24 =	sshrl.u32 s11, $0x2  }
0x6: {  	s31 =	simm.s32 $0xA;
	s6 =	sor.u32 s0, s4;
	s26 =	smul.u32 $0xC4000, s24  }
0x7: {  	s4 =	simm.s32 $0x0;
	s0 =	ssub.s32 $0x2, s0;
	s7 =	smul.u32 $0x30D40, s6  }
0x8: {  	s28 =	sshll.u32 s24, $0xA;
	[smem:$0x7FF] =	sst s4;
	s8 =	sshrl.u32 s0, $0x1  }
0x9: {  	_ =	strace $0x80000047;
	s0 =	ssub.s32 s0, s8;
	s24 =	sadd.s32 $0x2EE0, s7  }
0xa: {  	s9 =	sshrl.u32 s7, $0x3;
	s0 =	smax.u32 s0, $0x1;
	[dreg:$0x19] =	wrdreg s24  }
0xb: {  	s3 =	sadd.s32 $0xC00, s3;
	s19 =	sadd.s32 s1, s9;
	[dreg:$0x1d] =	wrdreg s0  }
0xc: {  	s12 =	sadd.s32 s2, s9;
	s20 =	sadd.s32 $0xFA, s9;
	[dreg:$0x6] =	wrdreg s19  }
0xd: {  	s6 =	sshll.u32 s6, $0x7;
	s13 =	sadd.s32 s1, s20;
	[dreg:$0x5] =	wrdreg s12  }
0xe: {  	s10 =	sadd.s32 $0x1F4, s9;
	s8 =	sadd.s32 s2, s20;
	[dreg:$0x7] =	wrdreg s13  }
0xf: {  	s6 =	sand.u32 $0x380, s6;
	s21 =	sadd.s32 s1, s10;
	[dreg:$0x8] =	wrdreg s8  }
0x10: {  	s23 =	sadd.s32 $0x2EE, s9;
	s22 =	sadd.s32 s2, s10;
	[dreg:$0x9] =	wrdreg s21  }
0x11: {  	s9 =	sadd.s32 $0x3E8, s9;
	s25 =	sadd.s32 s1, s23;
	[dreg:$0xa] =	wrdreg s22  }
0x12: {  	s24 =	simm.s32 $0x1D800;
	[dreg:$0xb] =	wrdreg s25;
	s8 =	sadd.s32 s2, s23  }
0x13: {  	s0 =	simm.s32 $0x18800;
	s21 =	sadd.s32 s1, s9;
	[dreg:$0xc] =	wrdreg s8  }
0x14: {  	s22 =	sadd.s32 s2, s9;
	s23 =	sadd.s32 $0x2710, s7;
	[dreg:$0x16] =	wrdreg s21  }
0x15: {  	s25 =	sadd.s32 $0x36B0, s7;
	s9 =	simm.s32 $0x1C000;
	[dreg:$0x17] =	wrdreg s22  }
0x16: {  	s8 =	sor.u32 s28, s6;
	s6 =	sor.u32 s26, s6;
	[dreg:$0x18] =	wrdreg s23  }
0x17: {  	[dreg:$0x1a] =	wrdreg s25;
	s26 =	sadd.s32 $0x3E80, s7;
	s28 =	sadd.s32 $0x4650, s7  }
0x18: {  	s7 =	simm.s32 $0x1B800;
	s21 =	simm.s32 $0x8;
	s22 =	simm.s32 $0x4  }
0x19: {  	s23 =	simm.s32 $0x9;
	s8 =	sshrl.u32 s8, $0x3;
	s29 =	sshrl.u32 s6, $0x3  }
0x1a: {  	s11 =	sadd.s32 $0x18800, s6;
	s13 =	sadd.s32 $0x49800, s6;
	s14 =	sadd.s32 $0x62000, s6  }
0x1b: {  	s17 =	sadd.s32 $0x7A800, s6;
	s18 =	sadd.s32 $0x93000, s6;
	[dreg:$0x1b] =	wrdreg s26  }
0x1c: {  	[dreg:$0x1c] =	wrdreg s28;
	s5 =	sadd.s32 s5, s8;
	s8 =	sadd.s32 s3, s29  }
0x1d: {  	s10 =	sshrl.u32 s11, $0x3;
	s11 =	sadd.s32 $0x31000, s6;
	s16 =	sshrl.u32 s14, $0x3  }
0x1e: {  	s6 =	sadd.s32 $0xAB800, s6;
	s29 =	sadd.s32 $0x61A6, s12;
	[dreg:$0xd] =	wrdreg s5  }
0x1f: {  	s12 =	simm.s32 $0x1A800;
	[dreg:$0xe] =	wrdreg s8;
	s5 =	sadd.s32 s3, s10  }
0x20: {  	s8 =	sshrl.u32 s13, $0x3;
	s20 =	sshrl.u32 s6, $0x3;
	[dreg:$0x1e] =	wrdreg s29  }
0x21: {  	s6 =	simm.s32 $0x19000;
	s10 =	simm.s32 $0x1A000;
	s13 =	simm.s32 $0x1D000  }
0x22: {  	[dreg:$0xf] =	wrdreg s5;
	s5 =	sshrl.u32 s11, $0x3;
	s15 =	sadd.s32 s3, s8  }
0x23: {  	s8 =	sshrl.u32 s18, $0x3;
	s11 =	simm.s32 $0x1C800;
	s18 =	simm.s32 $0x2  }
0x24: {  	s5 =	sadd.s32 s3, s5;
	[dreg:$0x11] =	wrdreg s15;
	s19 =	sadd.s32 s3, s8  }
0x25: {  	s8 =	simm.s32 $0x19800;
	[dreg:$0x10] =	wrdreg s5;
	s5 =	sadd.s32 s3, s16  }
0x26: {  	s15 =	simm.s32 $0x0;
	[dreg:$0x12] =	wrdreg s5;
	s5 =	sshrl.u32 s17, $0x3  }
0x27: {  	[dreg:$0x14] =	wrdreg s19;
	s19 =	simm.s32 $0x7;
	s5 =	sadd.s32 s3, s5  }
0x28: {  	v0 =	vlaneseq.u32;
	s17 =	simm.s32 $0x6;
	s3 =	sadd.s32 s3, s20;
	[dreg:$0x13] =	wrdreg s5  }
0x29: {  	v2 =	vimm.f32 $0.0e+00;
	v1 =	vmul.u32 $0x7D, v0;
	s20 =	simm.s32 $0x3;
	[dreg:$0x15] =	wrdreg s3;
	s3 =	simm.s32 $0x1B000  }
.LBB2_1:
0x2a: {  	s5 =	rddreg [dreg:$0x5]  }
0x2b: {  	[tilespmem:s24], [sflag:$0xB] =	stream.linear.gather [hbm4b:s5+s4], $0x10, $0x38;
	[tilespmem:$0x1D900] =	vst v63  }
0x2c: {  	s14 =	rddreg [dreg:$0x1e];
	s16 =	simm.s32 $0x1D880  }
0x2d: {  	[tilespmem:s16], [sflag:$0xC] =	stream.linear.gather [hbm4b:s14+s4], $0x10, $0x38;
	[tilespmem:$0x1D900] =	vst v63  }
0x2e: {  	s24 =	rddreg [dreg:$0x6]  }
0x2f: {  	[tilespmem:s0], [sflag:$0x1] =	stream.linear.gather [hbm4b:s24+s4], $0x7D0, $0x38;
	[tilespmem:$0x1D900] =	vst v63  }
0x30: {  	[dreg:$0x1f] =	wrdreg s15  }
0x31: {  	[tilespmem:s3], [sflag:$0x6] =	stream.linear.gather [hbm4b:s5+s4], $0x7D0, $0x38;
	[tilespmem:$0x1D900] =	vst v63  }
0x32: {  	s25 =	rddreg [dreg:$0x7]  }
0x33: {  	[tilespmem:s6], [sflag:$0x2] =	stream.linear.gather [hbm4b:s25+s4], $0x7D0, $0x38;
	[tilespmem:$0x1D900] =	vst v63  }
0x34: {  	s26 =	rddreg [dreg:$0x8]  }
0x35: {  	[tilespmem:s7], [sflag:$0x7] =	stream.linear.gather [hbm4b:s26+s4], $0x7D0, $0x38;
	[tilespmem:$0x1D900] =	vst v63  }
0x36: {  	s28 =	rddreg [dreg:$0x9]  }
0x37: {  	[tilespmem:s8], [sflag:$0x3] =	stream.linear.gather [hbm4b:s28+s4], $0x7D0, $0x38;
	[tilespmem:$0x1D900] =	vst v63  }
0x38: {  	s29 =	rddreg [dreg:$0xa]  }
0x39: {  	[tilespmem:s9], [sflag:$0x8] =	stream.linear.gather [hbm4b:s29+s4], $0x7D0, $0x38;
	[tilespmem:$0x1D900] =	vst v63  }
0x3a: {  	s14 =	rddreg [dreg:$0xb]  }
0x3b: {  	[tilespmem:s10], [sflag:$0x4] =	stream.linear.gather [hbm4b:s14+s4], $0x7D0, $0x38;
	[tilespmem:$0x1D900] =	vst v63  }
0x3c: {  	s15 =	rddreg [dreg:$0xc]  }
0x3d: {  	[tilespmem:s11], [sflag:$0x9] =	stream.linear.gather [hbm4b:s15+s4], $0x7D0, $0x38;
	[tilespmem:$0x1D900] =	vst v63  }
0x3e: {  	s16 =	rddreg [dreg:$0x16]  }
0x3f: {  	[tilespmem:s12], [sflag:$0x5] =	stream.linear.gather [hbm4b:s16+s4], $0x7D0, $0x38;
	[tilespmem:$0x1D900] =	vst v63  }
0x40: {  	s24 =	rddreg [dreg:$0x17];
	s25 =	simm.s32 $0xB  }
0x41: {  	[tilespmem:s13], [sflag:$0xA] =	stream.linear.gather [hbm4b:s24+s4], $0x7D0, $0x38;
	[tilespmem:$0x1D900] =	vst v63  }
0x42: {  	_ =	swait.ge [sflag:s25], $0x10  }
0x43: {  	[sflag:s25] =	ssyncset.done $0x0  }
0x44: {  	s26 =	simm.s32 $0xC;
	[sflag:s25] =	ssyncadd.s32 $0xFFFFFFF0  }
0x45: {  	_ =	swait.ge [sflag:s26], $0x10  }
0x46: {  	[sflag:s26] =	ssyncset.done $0x0  }
0x47: {  	[sflag:s26] =	ssyncadd.s32 $0xFFFFFFF0  }
0x48: {  	v3 =	vld [tilespmem:$0x1D800]  }
0x49: {  	v4 =	vld [tilespmem:$0x1D880];
	_ =	sdelay $0x3  }
0x4a: {  	v3 =	vxor.u32 $0x80000000, v3  }
0x4b: {  	(xrf0) =	vmin.scan.msk.u32 $0xffff, v3;
	v3 =	vxor.u32 $0x80000000, v4  }
0x4c: {  	(xrf0) =	vmax.scan.msk.u32 $0xffff, v3;
	_ =	sdelay $0x4  }
0x4d: {  	v3, _, _ =	vpop (xrf0)  }
0x4e: {  	(v2sf) =	vpush v3, $0xF;
	v3, _, _ =	vpop (xrf0)  }
0x4f: {  	(v2sf) =	vpush v3, $0xF;
	_ =	sdelay $0xd  }
0x50: {  	s28 =	spop (v2sf)  }
0x51: {  	s29 =	spop (v2sf);
	s5 =	sxor.u32 $0x80000000, s28  }
0x52: {  	s14 =	sxor.u32 $0x80000000, s29;
	[smem:$0x7FC] =	sst s5  }
0x53: {  	s5 =	sshra.s32 s5, $0x4;
	[smem:$0x7FD] =	sst s14;
	s14 =	sshra.s32 s14, $0x4  }
0x54: {  	p0 =	sle.s32 s5, s14  }
.Ltmp0:
0x55: {  	_ = 	snop;
	(pc) =	sbr.rel @!p0 .LBB2_2-.Ltmp0, $2  }
0x56: {  	_ =	sdelay $0x2  }
0x57: {  	[smem:$0x7FB] =	sst s29  }
0x58: {  	s14 =	ssub.s32 s14, s5  }
0x59: {  	s14 =	sadd.s32 $0x1, s14  }
0x5a: {  	p0 =	seq.s32 s14, $0x1  }
.Ltmp1:
0x5b: {  	_ = 	snop;
	(pc) =	sbr.rel @p0 .LBB2_2-.Ltmp1, $4  }
0x5c: {  	_ = 	snop  }
0x5d: {  	s29 =	sshll.u32 s5, $0x6  }
0x5e: {  	s5 =	sshra.s32 s29, $0x2  }
0x5f: {  	s14 =	sadd.s32 $0xFFFFFFFF, s14;
	[tilespmem:s5+$0x0] =	vst v2  }
.LBB2_27:
0x60: {  	p0 =	seq.s32 s14, $0x1  }
.Ltmp2:
0x61: {  	_ = 	snop;
	(pc) =	sbr.rel @!p0 .LBB2_27-.Ltmp2, $3  }
0x62: {  	_ =	sdelay $0x1  }
0x63: {  	s14 =	sadd.s32 $0xFFFFFFFF, s14;
	s5 =	sadd.s32 $0x10, s5  }
0x64: {  	[tilespmem:s5+$0x0] =	vst v2  }
.LBB2_2:
0x65: {  	s14 =	simm.s32 $0x0  }
.LBB2_3:
0x66: {  	s5 =	simm.s32 $0x1  }
0x67: {  	s15 =	simm.s32 $0x0;
	_ =	swait.ge [sflag:s5], $0x7D0  }
0x68: {  	v3 =	vadd.s32 s15, v1;
	[sflag:s5] =	ssyncset.done $0x0  }
0x69: {  	s26 =	simm.s32 $0x18;
	[sflag:s5] =	ssyncadd.s32 $0xFFFFF830  }
0x6a: {  	s24 =	simm.s32 $0x7;
	v4 =	vadd.s32 s26, v1;
	_ =	swait.ge [sflag:s17], $0x7D0  }
0x6b: {  	v5 =	vadd.s32 s24, v1;
	[sflag:s17] =	ssyncset.done $0x0  }
0x6c: {  	s28 =	simm.s32 $0x5;
	[sflag:s17] =	ssyncadd.s32 $0xFFFFF830  }
0x6d: {  	s29 =	simm.s32 $0x4;
	v7 =	vadd.s32 s28, v1;
	v6 =	vld.idx.msk [tilespmem:v3+s3+$0x0], $0xffff  }
0x6e: {  	s15 =	simm.s32 $0x16;
	v8 =	vadd.s32 s29, v1;
	v9 =	vld.idx.msk [tilespmem:v3+s0+$0x0], $0xffff  }
0x6f: {  	s16 =	simm.s32 $0xE;
	v10 =	vadd.s32 s15, v1;
	v11 =	vld.idx.msk [tilespmem:v4+s0+$0x0], $0xffff  }
0x70: {  	s25 =	simm.s32 $0x14;
	v12 =	vadd.s32 s16, v1;
	v3 =	vld.idx.msk [tilespmem:v5+s3+$0x0], $0xffff  }
0x71: {  	s26 =	simm.s32 $0x12;
	v13 =	vadd.s32 s25, v1;
	v14 =	vld.idx.msk [tilespmem:v4+s3+$0x0], $0xffff  }
0x72: {  	s28 =	simm.s32 $0x2;
	v15 =	vadd.s32 s26, v1;
	v16 =	vld.idx.msk [tilespmem:v7+s3+$0x0], $0xffff  }
0x73: {  	s29 =	simm.s32 $0x3;
	v17 =	vadd.s32 s28, v1;
	v18 =	vld.idx.msk [tilespmem:v8+s0+$0x0], $0xffff  }
0x74: {  	v19 =	vadd.s32 s29, v1;
	v20 =	vld.idx.msk [tilespmem:v10+s0+$0x0], $0xffff  }
0x75: {  	v21 =	vld.idx.msk [tilespmem:v12+s3+$0x0], $0xffff  }
0x76: {  	v22 =	vld.idx.msk [tilespmem:v13+s0+$0x0], $0xffff  }
0x77: {  	s16 =	simm.s32 $0x8;
	v23 =	vld.idx.msk [tilespmem:v15+s0+$0x0], $0xffff  }
0x78: {  	s24 =	simm.s32 $0xF;
	v27 =	vadd.s32 s16, v1;
	v25 =	vld.idx.msk [tilespmem:v17+s0+$0x0], $0xffff  }
0x79: {  	v28 =	vadd.s32 s24, v1;
	v26 =	vld.idx.msk [tilespmem:v19+s3+$0x0], $0xffff  }
0x7a: {  	s25 =	simm.s32 $0x9;
	v12 =	vld.idx.msk [tilespmem:v12+s0+$0x0], $0xffff  }
0x7b: {  	v53 =	vadd.s32 s25, v1;
	v4 =	vld.idx.msk [tilespmem:v5+s0+$0x0], $0xffff  }
0x7c: {  	v5 =	vld.idx.msk [tilespmem:v19+s0+$0x0], $0xffff  }
0x7d: {  	v31 =	vld.idx.msk [tilespmem:v27+s3+$0x0], $0xffff  }
0x7e: {  	v32 =	vld.idx.msk [tilespmem:v28+s0+$0x0], $0xffff  }
0x7f: {  	v27 =	vld.idx.msk [tilespmem:v27+s0+$0x0], $0xffff  }
0x80: {  	v35 =	vld.idx.msk [tilespmem:v53+s3+$0x0], $0xffff  }
0x81: {  	s15 =	simm.s32 $0x6;
	v19 =	vld.idx.msk [tilespmem:v53+s0+$0x0], $0xffff  }
0x82: {  	v24 =	vadd.s32 s15, v1;
	v28 =	vld.idx.msk [tilespmem:v28+s3+$0x0], $0xffff  }
0x83: {  	s26 =	simm.s32 $0xD;
	v7 =	vld.idx.msk [tilespmem:v7+s0+$0x0], $0xffff  }
0x84: {  	s28 =	simm.s32 $0xA;
	v30 =	vadd.s32 s26, v1;
	v8 =	vld.idx.msk [tilespmem:v8+s3+$0x0], $0xffff  }
0x85: {  	s29 =	simm.s32 $0xB;
	v33 =	vadd.s32 s28, v1;
	v15 =	vld.idx.msk [tilespmem:v15+s3+$0x0], $0xffff  }
0x86: {  	v34 =	vadd.s32 s29, v1;
	v10 =	vld.idx.msk [tilespmem:v10+s3+$0x0], $0xffff  }
0x87: {  	v29 =	vld.idx.msk [tilespmem:v24+s3+$0x0], $0xffff  }
0x88: {  	v24 =	vld.idx.msk [tilespmem:v24+s0+$0x0], $0xffff  }
0x89: {  	s16 =	simm.s32 $0x11;
	v37 =	vld.idx.msk [tilespmem:v30+s0+$0x0], $0xffff  }
0x8a: {  	v41 =	vadd.s32 s16, v1;
	v38 =	vld.idx.msk [tilespmem:v33+s0+$0x0], $0xffff  }
0x8b: {  	s25 =	simm.s32 $0x13;
	v39 =	vld.idx.msk [tilespmem:v34+s3+$0x0], $0xffff  }
0x8c: {  	s15 =	simm.s32 $0xC;
	v55 =	vadd.s32 s25, v1;
	v33 =	vld.idx.msk [tilespmem:v33+s3+$0x0], $0xffff  }
0x8d: {  	v36 =	vadd.s32 s15, v1;
	v30 =	vld.idx.msk [tilespmem:v30+s3+$0x0], $0xffff  }
0x8e: {  	s26 =	simm.s32 $0x15;
	v34 =	vld.idx.msk [tilespmem:v34+s0+$0x0], $0xffff  }
0x8f: {  	s28 =	simm.s32 $0x1;
	v57 =	vadd.s32 s26, v1;
	v54 =	vld.idx.msk [tilespmem:v41+s0+$0x0], $0xffff  }
0x90: {  	v61 =	vadd.s32 s28, v1;
	v58 =	vld.idx.msk [tilespmem:v41+s3+$0x0], $0xffff  }
0x91: {  	v59 =	vld.idx.msk [tilespmem:v55+s0+$0x0], $0xffff  }
0x92: {  	v40 =	vld.idx.msk [tilespmem:v36+s0+$0x0], $0xffff  }
0x93: {  	v36 =	vld.idx.msk [tilespmem:v36+s3+$0x0], $0xffff  }
0x94: {  	v60 =	vld.idx.msk [tilespmem:v57+s0+$0x0], $0xffff  }
0x95: {  	v63 =	vld.idx.msk [tilespmem:v61+s0+$0x0], $0xffff  }
0x96: {  	s24 =	simm.s32 $0x10;
	[tilespmem:v26+s4+$0x0] =	vst.idx.add.f32.msk $0xffff, v5  }
0x97: {  	v5 =	vadd.s32 s24, v1;
	[tilespmem:v28+s4+$0x0] =	vst.idx.add.f32.msk $0xffff, v32  }
0x98: {  	s29 =	simm.s32 $0x17;
	[tilespmem:v16+s4+$0x0] =	vst.idx.add.f32.msk $0xffff, v7  }
0x99: {  	v62 =	vadd.s32 s29, v1;
	v7 =	vld.idx.msk [tilespmem:v17+s3+$0x0], $0xffff  }
0x9a: {  	[tilespmem:v8+s4+$0x0] =	vst.idx.add.f32.msk $0xffff, v18  }
0x9b: {  	v16 =	vld.idx.msk [tilespmem:v55+s3+$0x0], $0xffff  }
0x9c: {  	v56 =	vld.idx.msk [tilespmem:v5+s3+$0x0], $0xffff  }
0x9d: {  	[tilespmem:v21+s4+$0x0] =	vst.idx.add.f32.msk $0xffff, v12  }
0x9e: {  	v8 =	vld.idx.msk [tilespmem:v62+s3+$0x0], $0xffff  }
0x9f: {  	v5 =	vld.idx.msk [tilespmem:v5+s0+$0x0], $0xffff  }
0xa0: {  	[tilespmem:v15+s4+$0x0] =	vst.idx.add.f32.msk $0xffff, v23  }
0xa1: {  	[tilespmem:v35+s4+$0x0] =	vst.idx.add.f32.msk $0xffff, v19  }
0xa2: {  	[tilespmem:v14+s4+$0x0] =	vst.idx.add.f32.msk $0xffff, v11  }
0xa3: {  	[tilespmem:v10+s4+$0x0] =	vst.idx.add.f32.msk $0xffff, v20  }
0xa4: {  	[tilespmem:v56+s4+$0x0] =	vst.idx.add.f32.msk $0xffff, v5  }
0xa5: {  	v5 =	vld.idx.msk [tilespmem:v61+s3+$0x0], $0xffff  }
0xa6: {  	[tilespmem:v7+s4+$0x0] =	vst.idx.add.f32.msk $0xffff, v25  }
0xa7: {  	v7 =	vld.idx.msk [tilespmem:v57+s3+$0x0], $0xffff  }
0xa8: {  	[tilespmem:v31+s4+$0x0] =	vst.idx.add.f32.msk $0xffff, v27  }
0xa9: {  	[tilespmem:v6+s4+$0x0] =	vst.idx.add.f32.msk $0xffff, v9  }
0xaa: {  	[tilespmem:v29+s4+$0x0] =	vst.idx.add.f32.msk $0xffff, v24  }
0xab: {  	[tilespmem:v39+s4+$0x0] =	vst.idx.add.f32.msk $0xffff, v34  }
0xac: {  	[tilespmem:v58+s4+$0x0] =	vst.idx.add.f32.msk $0xffff, v54  }
0xad: {  	[tilespmem:v5+s4+$0x0] =	vst.idx.add.f32.msk $0xffff, v63  }
0xae: {  	v5 =	vld.idx.msk [tilespmem:v13+s3+$0x0], $0xffff  }
0xaf: {  	[tilespmem:v7+s4+$0x0] =	vst.idx.add.f32.msk $0xffff, v60  }
0xb0: {  	v7 =	vld.idx.msk [tilespmem:v62+s0+$0x0], $0xffff  }
0xb1: {  	[tilespmem:v30+s4+$0x0] =	vst.idx.add.f32.msk $0xffff, v37  }
0xb2: {  	[tilespmem:v33+s4+$0x0] =	vst.idx.add.f32.msk $0xffff, v38  }
0xb3: {  	[tilespmem:v36+s4+$0x0] =	vst.idx.add.f32.msk $0xffff, v40  }
0xb4: {  	[tilespmem:v16+s4+$0x0] =	vst.idx.add.f32.msk $0xffff, v59  }
0xb5: {  	[tilespmem:v8+s4+$0x0] =	vst.idx.add.f32.msk $0xffff, v7  }
0xb6: {  	s5 =	simm.s32 $0x19;
	[tilespmem:v5+s4+$0x0] =	vst.idx.add.f32.msk $0xffff, v22  }
.LBB2_4:
0xb7: {  	s26 =	sadd.s32 $0x3, s5  }
0xb8: {  	v6 =	vadd.s32 s5, v1;
	s28 =	sadd.s32 $0x7, s5;
	s29 =	sadd.s32 $0xE, s5;
	[tilespmem:v3+s4+$0x0] =	vst.idx.add.f32.msk $0xffff, v4;
	s24 =	smov.u32 s5  }
0xb9: {  	s25 =	sadd.s32 $0x1, s5;
	s15 =	sadd.s32 $0x2, s5;
	v14 =	vadd.s32 s26, v1;
	v4 =	vadd.s32 s28, v1;
	v15 =	vadd.s32 s29, v1;
	s26 =	sadd.s32 $0x18, s5  }
0xba: {  	v16 =	vadd.s32 s15, v1;
	s15 =	sadd.s32 $0x12, s5;
	s28 =	sadd.s32 $0x14, s5;
	s29 =	sadd.s32 $0x16, s5;
	v10 =	vadd.s32 s26, v1  }
0xbb: {  	p0 =	slt.u32 s5, $0x64;
	s5 =	sadd.s32 $0x19, s5;
	s26 =	sadd.s32 $0x4, s24;
	v11 =	vadd.s32 s15, v1;
	v7 =	vadd.s32 s28, v1  }
0xbc: {  	s15 =	sadd.s32 $0x5, s24;
	v9 =	vadd.s32 s29, v1;
	v17 =	vadd.s32 s26, v1  }
0xbd: {  	v18 =	vadd.s32 s15, v1;
	s15 =	sadd.s32 $0x6, s24;
	v5 =	vld.idx.msk [tilespmem:v6+s3+$0x0], $0xffff  }
0xbe: {  	v19 =	vadd.s32 s15, v1;
	v6 =	vld.idx.msk [tilespmem:v6+s0+$0x0], $0xffff  }
0xbf: {  	s15 =	sadd.s32 $0x8, s24;
	v8 =	vld.idx.msk [tilespmem:v10+s0+$0x0], $0xffff  }
0xc0: {  	v20 =	vadd.s32 s15, v1;
	s15 =	sadd.s32 $0x9, s24;
	v3 =	vld.idx.msk [tilespmem:v4+s3+$0x0], $0xffff  }
0xc1: {  	v21 =	vadd.s32 s15, v1;
	s15 =	sadd.s32 $0xA, s24;
	v10 =	vld.idx.msk [tilespmem:v10+s3+$0x0], $0xffff  }
0xc2: {  	v23 =	vadd.s32 s15, v1;
	s15 =	sadd.s32 $0xB, s24;
	v22 =	vld.idx.msk [tilespmem:v18+s3+$0x0], $0xffff  }
0xc3: {  	v25 =	vadd.s32 s15, v1;
	s15 =	sadd.s32 $0xC, s24;
	v24 =	vld.idx.msk [tilespmem:v17+s0+$0x0], $0xffff  }
0xc4: {  	v26 =	vadd.s32 s15, v1;
	s15 =	sadd.s32 $0xD, s24;
	v12 =	vld.idx.msk [tilespmem:v9+s0+$0x0], $0xffff  }
0xc5: {  	v27 =	vadd.s32 s15, v1;
	v28 =	vld.idx.msk [tilespmem:v15+s3+$0x0], $0xffff  }
0xc6: {  	v13 =	vld.idx.msk [tilespmem:v7+s0+$0x0], $0xffff  }
0xc7: {  	s15 =	sadd.s32 $0xF, s24;
	v29 =	vld.idx.msk [tilespmem:v11+s0+$0x0], $0xffff  }
0xc8: {  	v31 =	vadd.s32 s15, v1;
	v30 =	vld.idx.msk [tilespmem:v16+s0+$0x0], $0xffff  }
0xc9: {  	v32 =	vld.idx.msk [tilespmem:v14+s3+$0x0], $0xffff  }
0xca: {  	v15 =	vld.idx.msk [tilespmem:v15+s0+$0x0], $0xffff  }
0xcb: {  	v4 =	vld.idx.msk [tilespmem:v4+s0+$0x0], $0xffff  }
0xcc: {  	v14 =	vld.idx.msk [tilespmem:v14+s0+$0x0], $0xffff  }
0xcd: {  	v33 =	vld.idx.msk [tilespmem:v19+s3+$0x0], $0xffff  }
0xce: {  	v19 =	vld.idx.msk [tilespmem:v19+s0+$0x0], $0xffff  }
0xcf: {  	v34 =	vld.idx.msk [tilespmem:v20+s3+$0x0], $0xffff  }
0xd0: {  	v35 =	vld.idx.msk [tilespmem:v31+s0+$0x0], $0xffff  }
0xd1: {  	v20 =	vld.idx.msk [tilespmem:v20+s0+$0x0], $0xffff  }
0xd2: {  	v36 =	vld.idx.msk [tilespmem:v21+s3+$0x0], $0xffff  }
0xd3: {  	v37 =	vld.idx.msk [tilespmem:v27+s0+$0x0], $0xffff  }
0xd4: {  	v21 =	vld.idx.msk [tilespmem:v21+s0+$0x0], $0xffff  }
0xd5: {  	v31 =	vld.idx.msk [tilespmem:v31+s3+$0x0], $0xffff  }
0xd6: {  	v38 =	vld.idx.msk [tilespmem:v23+s0+$0x0], $0xffff  }
0xd7: {  	v39 =	vld.idx.msk [tilespmem:v25+s3+$0x0], $0xffff  }
0xd8: {  	v40 =	vld.idx.msk [tilespmem:v26+s0+$0x0], $0xffff  }
0xd9: {  	v23 =	vld.idx.msk [tilespmem:v23+s3+$0x0], $0xffff  }
0xda: {  	v27 =	vld.idx.msk [tilespmem:v27+s3+$0x0], $0xffff  }
0xdb: {  	s15 =	sadd.s32 $0x11, s24;
	v26 =	vld.idx.msk [tilespmem:v26+s3+$0x0], $0xffff  }
0xdc: {  	v41 =	vadd.s32 s15, v1;
	v25 =	vld.idx.msk [tilespmem:v25+s0+$0x0], $0xffff  }
0xdd: {  	v18 =	vld.idx.msk [tilespmem:v18+s0+$0x0], $0xffff  }
0xde: {  	[tilespmem:v33+s4+$0x0] =	vst.idx.add.f32.msk $0xffff, v19  }
0xdf: {  	v17 =	vld.idx.msk [tilespmem:v17+s3+$0x0], $0xffff  }
0xe0: {  	s15 =	sadd.s32 $0x10, s24;
	[tilespmem:v32+s4+$0x0] =	vst.idx.add.f32.msk $0xffff, v14  }
0xe1: {  	v14 =	vadd.s32 s15, v1;
	v19 =	vld.idx.msk [tilespmem:v41+s0+$0x0], $0xffff  }
0xe2: {  	[tilespmem:v31+s4+$0x0] =	vst.idx.add.f32.msk $0xffff, v35  }
0xe3: {  	[tilespmem:v22+s4+$0x0] =	vst.idx.add.f32.msk $0xffff, v18  }
0xe4: {  	s15 =	sadd.s32 $0x13, s24;
	[tilespmem:v39+s4+$0x0] =	vst.idx.add.f32.msk $0xffff, v25  }
0xe5: {  	v18 =	vadd.s32 s15, v1;
	v16 =	vld.idx.msk [tilespmem:v16+s3+$0x0], $0xffff  }
0xe6: {  	s15 =	sadd.s32 $0x15, s24;
	v22 =	vld.idx.msk [tilespmem:v14+s3+$0x0], $0xffff  }
0xe7: {  	[tilespmem:v17+s4+$0x0] =	vst.idx.add.f32.msk $0xffff, v24;
	v17 =	vadd.s32 s15, v1  }
0xe8: {  	v24 =	vld.idx.msk [tilespmem:v41+s3+$0x0], $0xffff  }
0xe9: {  	v14 =	vld.idx.msk [tilespmem:v14+s0+$0x0], $0xffff  }
0xea: {  	v25 =	vld.idx.msk [tilespmem:v18+s0+$0x0], $0xffff  }
0xeb: {  	v18 =	vld.idx.msk [tilespmem:v18+s3+$0x0], $0xffff  }
0xec: {  	v31 =	vld.idx.msk [tilespmem:v17+s0+$0x0], $0xffff  }
0xed: {  	v32 =	vadd.s32 s25, v1;
	[tilespmem:v16+s4+$0x0] =	vst.idx.add.f32.msk $0xffff, v30  }
0xee: {  	v16 =	vld.idx.msk [tilespmem:v17+s3+$0x0], $0xffff  }
0xef: {  	[tilespmem:v22+s4+$0x0] =	vst.idx.add.f32.msk $0xffff, v14  }
0xf0: {  	[tilespmem:v24+s4+$0x0] =	vst.idx.add.f32.msk $0xffff, v19  }
0xf1: {  	s15 =	sadd.s32 $0x17, s24;
	[tilespmem:v28+s4+$0x0] =	vst.idx.add.f32.msk $0xffff, v15  }
0xf2: {  	v15 =	vadd.s32 s15, v1;
	v14 =	vld.idx.msk [tilespmem:v32+s3+$0x0], $0xffff  }
0xf3: {  	[tilespmem:v18+s4+$0x0] =	vst.idx.add.f32.msk $0xffff, v25  }
0xf4: {  	v17 =	vld.idx.msk [tilespmem:v32+s0+$0x0], $0xffff  }
0xf5: {  	v11 =	vld.idx.msk [tilespmem:v11+s3+$0x0], $0xffff  }
0xf6: {  	[tilespmem:v16+s4+$0x0] =	vst.idx.add.f32.msk $0xffff, v31  }
0xf7: {  	v16 =	vld.idx.msk [tilespmem:v15+s0+$0x0], $0xffff  }
0xf8: {  	v15 =	vld.idx.msk [tilespmem:v15+s3+$0x0], $0xffff  }
0xf9: {  	[tilespmem:v26+s4+$0x0] =	vst.idx.add.f32.msk $0xffff, v40  }
0xfa: {  	[tilespmem:v14+s4+$0x0] =	vst.idx.add.f32.msk $0xffff, v17  }
0xfb: {  	v7 =	vld.idx.msk [tilespmem:v7+s3+$0x0], $0xffff  }
0xfc: {  	v9 =	vld.idx.msk [tilespmem:v9+s3+$0x0], $0xffff  }
0xfd: {  	[tilespmem:v11+s4+$0x0] =	vst.idx.add.f32.msk $0xffff, v29  }
0xfe: {  	[tilespmem:v36+s4+$0x0] =	vst.idx.add.f32.msk $0xffff, v21  }
0xff: {  	[tilespmem:v27+s4+$0x0] =	vst.idx.add.f32.msk $0xffff, v37  }
0x100: {  	[tilespmem:v15+s4+$0x0] =	vst.idx.add.f32.msk $0xffff, v16  }
0x101: {  	[tilespmem:v23+s4+$0x0] =	vst.idx.add.f32.msk $0xffff, v38  }
.Ltmp3:
0x102: {  	[tilespmem:v10+s4+$0x0] =	vst.idx.add.f32.msk $0xffff, v8;
	(pc) =	sbr.rel @p0 .LBB2_4-.Ltmp3, $4  }
0x103: {  	[tilespmem:v7+s4+$0x0] =	vst.idx.add.f32.msk $0xffff, v13  }
0x104: {  	[tilespmem:v9+s4+$0x0] =	vst.idx.add.f32.msk $0xffff, v12  }
0x105: {  	[tilespmem:v34+s4+$0x0] =	vst.idx.add.f32.msk $0xffff, v20  }
0x106: {  	[tilespmem:v5+s4+$0x0] =	vst.idx.add.f32.msk $0xffff, v6  }
0x107: {  	s5 =	smul.u32 $0x2710, s14  }
0x108: {  	s15 =	rddreg [dreg:$0x18]  }
0x109: {  	s15 =	sadd.s32 s5, s15  }
0x10a: {  	s15 =	sshrl.u32 s15, $0x3  }
0x10b: {  	[tilespmem:v3+s4+$0x0] =	vst.idx.add.f32.msk $0xffff, v4;
	s25 =	simm.s32 $0x0;
	s24 =	sadd.s32 s1, s15  }
0x10c: {  	[tilespmem:s0], [sflag:$0x1] =	stream.linear.gather [hbm4b:s24+s25], $0x7D0, $0x38;
	[tilespmem:$0x1D900] =	vst v63  }
0x10d: {  	s15 =	sadd.s32 s2, s15  }
0x10e: {  	[tilespmem:s3], [sflag:$0x6] =	stream.linear.gather [hbm4b:s15+s25], $0x7D0, $0x38;
	[tilespmem:$0x1D900] =	vst v63  }
0x10f: {  	_ =	swait.ge [sflag:s18], $0x7D0  }
0x110: {  	v3 =	vadd.s32 s25, v1;
	[sflag:s18] =	ssyncset.done $0x0  }
0x111: {  	s29 =	simm.s32 $0x18;
	[sflag:s18] =	ssyncadd.s32 $0xFFFFF830  }
0x112: {  	s16 =	simm.s32 $0x7;
	v4 =	vadd.s32 s29, v1;
	_ =	swait.ge [sflag:s19], $0x7D0  }
0x113: {  	v5 =	vadd.s32 s16, v1;
	[sflag:s19] =	ssyncset.done $0x0  }
0x114: {  	s24 =	simm.s32 $0x5;
	[sflag:s19] =	ssyncadd.s32 $0xFFFFF830  }
0x115: {  	v7 =	vadd.s32 s24, v1;
	s25 =	simm.s32 $0x4;
	v6 =	vld.idx.msk [tilespmem:v3+s7+$0x0], $0xffff  }
0x116: {  	s26 =	simm.s32 $0x16;
	v8 =	vadd.s32 s25, v1;
	v9 =	vld.idx.msk [tilespmem:v3+s6+$0x0], $0xffff  }
0x117: {  	s28 =	simm.s32 $0xE;
	v10 =	vadd.s32 s26, v1;
	v11 =	vld.idx.msk [tilespmem:v4+s6+$0x0], $0xffff  }
0x118: {  	v12 =	vadd.s32 s28, v1;
	s29 =	simm.s32 $0x14;
	v3 =	vld.idx.msk [tilespmem:v5+s7+$0x0], $0xffff  }
0x119: {  	s16 =	simm.s32 $0x12;
	v13 =	vadd.s32 s29, v1;
	v14 =	vld.idx.msk [tilespmem:v4+s7+$0x0], $0xffff  }
0x11a: {  	v15 =	vadd.s32 s16, v1;
	s25 =	simm.s32 $0x2;
	v16 =	vld.idx.msk [tilespmem:v7+s7+$0x0], $0xffff  }
0x11b: {  	s26 =	simm.s32 $0x3;
	v17 =	vadd.s32 s25, v1;
	v18 =	vld.idx.msk [tilespmem:v8+s6+$0x0], $0xffff  }
0x11c: {  	v19 =	vadd.s32 s26, v1;
	v20 =	vld.idx.msk [tilespmem:v10+s6+$0x0], $0xffff  }
0x11d: {  	v21 =	vld.idx.msk [tilespmem:v12+s7+$0x0], $0xffff  }
0x11e: {  	v22 =	vld.idx.msk [tilespmem:v13+s6+$0x0], $0xffff  }
0x11f: {  	s28 =	simm.s32 $0x6;
	v23 =	vld.idx.msk [tilespmem:v15+s6+$0x0], $0xffff  }
0x120: {  	v24 =	vadd.s32 s28, v1;
	v25 =	vld.idx.msk [tilespmem:v17+s6+$0x0], $0xffff  }
0x121: {  	s29 =	simm.s32 $0x8;
	v26 =	vld.idx.msk [tilespmem:v19+s7+$0x0], $0xffff  }
0x122: {  	s16 =	simm.s32 $0xF;
	v27 =	vadd.s32 s29, v1;
	v12 =	vld.idx.msk [tilespmem:v12+s6+$0x0], $0xffff  }
0x123: {  	v28 =	vadd.s32 s16, v1;
	v4 =	vld.idx.msk [tilespmem:v5+s6+$0x0], $0xffff  }
0x124: {  	s24 =	simm.s32 $0x9;
	v5 =	vld.idx.msk [tilespmem:v19+s6+$0x0], $0xffff  }
0x125: {  	v53 =	vadd.s32 s24, v1;
	v29 =	vld.idx.msk [tilespmem:v24+s7+$0x0], $0xffff  }
0x126: {  	v24 =	vld.idx.msk [tilespmem:v24+s6+$0x0], $0xffff  }
0x127: {  	s26 =	simm.s32 $0xA;
	v31 =	vld.idx.msk [tilespmem:v27+s7+$0x0], $0xffff  }
0x128: {  	s28 =	simm.s32 $0xB;
	v33 =	vadd.s32 s26, v1;
	v32 =	vld.idx.msk [tilespmem:v28+s6+$0x0], $0xffff  }
0x129: {  	v34 =	vadd.s32 s28, v1;
	s29 =	simm.s32 $0xC;
	v27 =	vld.idx.msk [tilespmem:v27+s6+$0x0], $0xffff  }
0x12a: {  	v36 =	vadd.s32 s29, v1;
	v35 =	vld.idx.msk [tilespmem:v53+s7+$0x0], $0xffff  }
0x12b: {  	v19 =	vld.idx.msk [tilespmem:v53+s6+$0x0], $0xffff  }
0x12c: {  	v28 =	vld.idx.msk [tilespmem:v28+s7+$0x0], $0xffff  }
0x12d: {  	v38 =	vld.idx.msk [tilespmem:v33+s6+$0x0], $0xffff  }
0x12e: {  	v39 =	vld.idx.msk [tilespmem:v34+s7+$0x0], $0xffff  }
0x12f: {  	s16 =	simm.s32 $0x11;
	v40 =	vld.idx.msk [tilespmem:v36+s6+$0x0], $0xffff  }
0x130: {  	v41 =	vadd.s32 s16, v1;
	v33 =	vld.idx.msk [tilespmem:v33+s7+$0x0], $0xffff  }
0x131: {  	s26 =	simm.s32 $0x15;
	v36 =	vld.idx.msk [tilespmem:v36+s7+$0x0], $0xffff  }
0x132: {  	s28 =	simm.s32 $0x1;
	v57 =	vadd.s32 s26, v1;
	v34 =	vld.idx.msk [tilespmem:v34+s6+$0x0], $0xffff  }
0x133: {  	v61 =	vadd.s32 s28, v1;
	v7 =	vld.idx.msk [tilespmem:v7+s6+$0x0], $0xffff  }
0x134: {  	v8 =	vld.idx.msk [tilespmem:v8+s7+$0x0], $0xffff  }
0x135: {  	s25 =	simm.s32 $0xD;
	v54 =	vld.idx.msk [tilespmem:v41+s6+$0x0], $0xffff  }
0x136: {  	v30 =	vadd.s32 s25, v1;
	v58 =	vld.idx.msk [tilespmem:v41+s7+$0x0], $0xffff  }
0x137: {  	s25 =	simm.s32 $0x13;
	v60 =	vld.idx.msk [tilespmem:v57+s6+$0x0], $0xffff  }
0x138: {  	v55 =	vadd.s32 s25, v1;
	v63 =	vld.idx.msk [tilespmem:v61+s6+$0x0], $0xffff  }
0x139: {  	v15 =	vld.idx.msk [tilespmem:v15+s7+$0x0], $0xffff  }
0x13a: {  	v10 =	vld.idx.msk [tilespmem:v10+s7+$0x0], $0xffff  }
0x13b: {  	v37 =	vld.idx.msk [tilespmem:v30+s6+$0x0], $0xffff  }
0x13c: {  	v30 =	vld.idx.msk [tilespmem:v30+s7+$0x0], $0xffff  }
0x13d: {  	v59 =	vld.idx.msk [tilespmem:v55+s6+$0x0], $0xffff  }
0x13e: {  	s24 =	simm.s32 $0x10;
	[tilespmem:v29+s4+$0x0] =	vst.idx.add.f32.msk $0xffff, v24  }
0x13f: {  	[tilespmem:v26+s4+$0x0] =	vst.idx.add.f32.msk $0xffff, v5;
	v5 =	vadd.s32 s24, v1  }
0x140: {  	[tilespmem:v28+s4+$0x0] =	vst.idx.add.f32.msk $0xffff, v32  }
0x141: {  	[tilespmem:v16+s4+$0x0] =	vst.idx.add.f32.msk $0xffff, v7  }
0x142: {  	[tilespmem:v39+s4+$0x0] =	vst.idx.add.f32.msk $0xffff, v34  }
0x143: {  	v7 =	vld.idx.msk [tilespmem:v17+s7+$0x0], $0xffff  }
0x144: {  	s29 =	simm.s32 $0x17;
	v56 =	vld.idx.msk [tilespmem:v5+s7+$0x0], $0xffff  }
0x145: {  	v62 =	vadd.s32 s29, v1;
	[tilespmem:v8+s4+$0x0] =	vst.idx.add.f32.msk $0xffff, v18  }
0x146: {  	v16 =	vld.idx.msk [tilespmem:v55+s7+$0x0], $0xffff  }
0x147: {  	v5 =	vld.idx.msk [tilespmem:v5+s6+$0x0], $0xffff  }
0x148: {  	[tilespmem:v58+s4+$0x0] =	vst.idx.add.f32.msk $0xffff, v54  }
0x149: {  	[tilespmem:v21+s4+$0x0] =	vst.idx.add.f32.msk $0xffff, v12  }
0x14a: {  	v8 =	vld.idx.msk [tilespmem:v62+s7+$0x0], $0xffff  }
0x14b: {  	[tilespmem:v36+s4+$0x0] =	vst.idx.add.f32.msk $0xffff, v40  }
0x14c: {  	[tilespmem:v56+s4+$0x0] =	vst.idx.add.f32.msk $0xffff, v5  }
0x14d: {  	v5 =	vld.idx.msk [tilespmem:v61+s7+$0x0], $0xffff  }
0x14e: {  	[tilespmem:v7+s4+$0x0] =	vst.idx.add.f32.msk $0xffff, v25  }
0x14f: {  	v7 =	vld.idx.msk [tilespmem:v57+s7+$0x0], $0xffff  }
0x150: {  	[tilespmem:v15+s4+$0x0] =	vst.idx.add.f32.msk $0xffff, v23  }
0x151: {  	[tilespmem:v35+s4+$0x0] =	vst.idx.add.f32.msk $0xffff, v19  }
0x152: {  	[tilespmem:v33+s4+$0x0] =	vst.idx.add.f32.msk $0xffff, v38  }
0x153: {  	[tilespmem:v14+s4+$0x0] =	vst.idx.add.f32.msk $0xffff, v11  }
0x154: {  	[tilespmem:v10+s4+$0x0] =	vst.idx.add.f32.msk $0xffff, v20  }
0x155: {  	[tilespmem:v5+s4+$0x0] =	vst.idx.add.f32.msk $0xffff, v63  }
0x156: {  	v5 =	vld.idx.msk [tilespmem:v13+s7+$0x0], $0xffff  }
0x157: {  	[tilespmem:v7+s4+$0x0] =	vst.idx.add.f32.msk $0xffff, v60  }
0x158: {  	v7 =	vld.idx.msk [tilespmem:v62+s6+$0x0], $0xffff  }
0x159: {  	[tilespmem:v31+s4+$0x0] =	vst.idx.add.f32.msk $0xffff, v27  }
0x15a: {  	[tilespmem:v6+s4+$0x0] =	vst.idx.add.f32.msk $0xffff, v9  }
0x15b: {  	[tilespmem:v30+s4+$0x0] =	vst.idx.add.f32.msk $0xffff, v37  }
0x15c: {  	[tilespmem:v16+s4+$0x0] =	vst.idx.add.f32.msk $0xffff, v59  }
0x15d: {  	[tilespmem:v8+s4+$0x0] =	vst.idx.add.f32.msk $0xffff, v7  }
0x15e: {  	s24 =	simm.s32 $0x19;
	[tilespmem:v5+s4+$0x0] =	vst.idx.add.f32.msk $0xffff, v22  }
.LBB2_6:
0x15f: {  	s15 =	sadd.s32 $0x3, s24  }
0x160: {  	v6 =	vadd.s32 s24, v1;
	s28 =	sadd.s32 $0x7, s24;
	s29 =	sadd.s32 $0xE, s24;
	[tilespmem:v3+s4+$0x0] =	vst.idx.add.f32.msk $0xffff, v4;
	s25 =	smov.u32 s24  }
0x161: {  	s26 =	sadd.s32 $0x1, s24;
	s16 =	sadd.s32 $0x2, s24;
	v14 =	vadd.s32 s15, v1;
	v4 =	vadd.s32 s28, v1;
	v15 =	vadd.s32 s29, v1;
	s15 =	sadd.s32 $0x18, s24  }
0x162: {  	v16 =	vadd.s32 s16, v1;
	s16 =	sadd.s32 $0x12, s24;
	s28 =	sadd.s32 $0x14, s24;
	s29 =	sadd.s32 $0x16, s24;
	v10 =	vadd.s32 s15, v1  }
0x163: {  	p0 =	slt.u32 s24, $0x64;
	s24 =	sadd.s32 $0x19, s24;
	s15 =	sadd.s32 $0x4, s25;
	v11 =	vadd.s32 s16, v1;
	v7 =	vadd.s32 s28, v1  }
0x164: {  	v9 =	vadd.s32 s29, v1;
	v17 =	vadd.s32 s15, v1;
	s15 =	sadd.s32 $0x5, s25  }
0x165: {  	v18 =	vadd.s32 s15, v1;
	s15 =	sadd.s32 $0x6, s25;
	v5 =	vld.idx.msk [tilespmem:v6+s7+$0x0], $0xffff  }
0x166: {  	v19 =	vadd.s32 s15, v1;
	v6 =	vld.idx.msk [tilespmem:v6+s6+$0x0], $0xffff  }
0x167: {  	s15 =	sadd.s32 $0x8, s25;
	v8 =	vld.idx.msk [tilespmem:v10+s6+$0x0], $0xffff  }
0x168: {  	v20 =	vadd.s32 s15, v1;
	s15 =	sadd.s32 $0x9, s25;
	v3 =	vld.idx.msk [tilespmem:v4+s7+$0x0], $0xffff  }
0x169: {  	v21 =	vadd.s32 s15, v1;
	s15 =	sadd.s32 $0xA, s25;
	v10 =	vld.idx.msk [tilespmem:v10+s7+$0x0], $0xffff  }
0x16a: {  	v23 =	vadd.s32 s15, v1;
	s15 =	sadd.s32 $0xB, s25;
	v22 =	vld.idx.msk [tilespmem:v18+s7+$0x0], $0xffff  }
0x16b: {  	v25 =	vadd.s32 s15, v1;
	s15 =	sadd.s32 $0xC, s25;
	v24 =	vld.idx.msk [tilespmem:v17+s6+$0x0], $0xffff  }
0x16c: {  	v26 =	vadd.s32 s15, v1;
	s15 =	sadd.s32 $0xD, s25;
	v12 =	vld.idx.msk [tilespmem:v9+s6+$0x0], $0xffff  }
0x16d: {  	v27 =	vadd.s32 s15, v1;
	v28 =	vld.idx.msk [tilespmem:v15+s7+$0x0], $0xffff  }
0x16e: {  	v13 =	vld.idx.msk [tilespmem:v7+s6+$0x0], $0xffff  }
0x16f: {  	s15 =	sadd.s32 $0xF, s25;
	v29 =	vld.idx.msk [tilespmem:v11+s6+$0x0], $0xffff  }
0x170: {  	v31 =	vadd.s32 s15, v1;
	v30 =	vld.idx.msk [tilespmem:v16+s6+$0x0], $0xffff  }
0x171: {  	v32 =	vld.idx.msk [tilespmem:v14+s7+$0x0], $0xffff  }
0x172: {  	v15 =	vld.idx.msk [tilespmem:v15+s6+$0x0], $0xffff  }
0x173: {  	v4 =	vld.idx.msk [tilespmem:v4+s6+$0x0], $0xffff  }
0x174: {  	v14 =	vld.idx.msk [tilespmem:v14+s6+$0x0], $0xffff  }
0x175: {  	v33 =	vld.idx.msk [tilespmem:v19+s7+$0x0], $0xffff  }
0x176: {  	v19 =	vld.idx.msk [tilespmem:v19+s6+$0x0], $0xffff  }
0x177: {  	v34 =	vld.idx.msk [tilespmem:v20+s7+$0x0], $0xffff  }
0x178: {  	v35 =	vld.idx.msk [tilespmem:v31+s6+$0x0], $0xffff  }
0x179: {  	v20 =	vld.idx.msk [tilespmem:v20+s6+$0x0], $0xffff  }
0x17a: {  	v36 =	vld.idx.msk [tilespmem:v21+s7+$0x0], $0xffff  }
0x17b: {  	v37 =	vld.idx.msk [tilespmem:v27+s6+$0x0], $0xffff  }
0x17c: {  	v21 =	vld.idx.msk [tilespmem:v21+s6+$0x0], $0xffff  }
0x17d: {  	v31 =	vld.idx.msk [tilespmem:v31+s7+$0x0], $0xffff  }
0x17e: {  	v38 =	vld.idx.msk [tilespmem:v23+s6+$0x0], $0xffff  }
0x17f: {  	v39 =	vld.idx.msk [tilespmem:v25+s7+$0x0], $0xffff  }
0x180: {  	v40 =	vld.idx.msk [tilespmem:v26+s6+$0x0], $0xffff  }
0x181: {  	v23 =	vld.idx.msk [tilespmem:v23+s7+$0x0], $0xffff  }
0x182: {  	v27 =	vld.idx.msk [tilespmem:v27+s7+$0x0], $0xffff  }
0x183: {  	s15 =	sadd.s32 $0x11, s25;
	v26 =	vld.idx.msk [tilespmem:v26+s7+$0x0], $0xffff  }
0x184: {  	v41 =	vadd.s32 s15, v1;
	v25 =	vld.idx.msk [tilespmem:v25+s6+$0x0], $0xffff  }
0x185: {  	v18 =	vld.idx.msk [tilespmem:v18+s6+$0x0], $0xffff  }
0x186: {  	[tilespmem:v33+s4+$0x0] =	vst.idx.add.f32.msk $0xffff, v19  }
0x187: {  	v17 =	vld.idx.msk [tilespmem:v17+s7+$0x0], $0xffff  }
0x188: {  	s15 =	sadd.s32 $0x10, s25;
	[tilespmem:v32+s4+$0x0] =	vst.idx.add.f32.msk $0xffff, v14  }
0x189: {  	v14 =	vadd.s32 s15, v1;
	v19 =	vld.idx.msk [tilespmem:v41+s6+$0x0], $0xffff  }
0x18a: {  	[tilespmem:v31+s4+$0x0] =	vst.idx.add.f32.msk $0xffff, v35  }
0x18b: {  	[tilespmem:v22+s4+$0x0] =	vst.idx.add.f32.msk $0xffff, v18  }
0x18c: {  	s15 =	sadd.s32 $0x13, s25;
	[tilespmem:v39+s4+$0x0] =	vst.idx.add.f32.msk $0xffff, v25  }
0x18d: {  	v18 =	vadd.s32 s15, v1;
	v16 =	vld.idx.msk [tilespmem:v16+s7+$0x0], $0xffff  }
0x18e: {  	s15 =	sadd.s32 $0x15, s25;
	v22 =	vld.idx.msk [tilespmem:v14+s7+$0x0], $0xffff  }
0x18f: {  	[tilespmem:v17+s4+$0x0] =	vst.idx.add.f32.msk $0xffff, v24;
	v17 =	vadd.s32 s15, v1  }
0x190: {  	v24 =	vld.idx.msk [tilespmem:v41+s7+$0x0], $0xffff  }
0x191: {  	v14 =	vld.idx.msk [tilespmem:v14+s6+$0x0], $0xffff  }
0x192: {  	v25 =	vld.idx.msk [tilespmem:v18+s6+$0x0], $0xffff  }
0x193: {  	v18 =	vld.idx.msk [tilespmem:v18+s7+$0x0], $0xffff  }
0x194: {  	v31 =	vld.idx.msk [tilespmem:v17+s6+$0x0], $0xffff  }
0x195: {  	v32 =	vadd.s32 s26, v1;
	[tilespmem:v16+s4+$0x0] =	vst.idx.add.f32.msk $0xffff, v30  }
0x196: {  	v16 =	vld.idx.msk [tilespmem:v17+s7+$0x0], $0xffff  }
0x197: {  	[tilespmem:v22+s4+$0x0] =	vst.idx.add.f32.msk $0xffff, v14  }
0x198: {  	[tilespmem:v24+s4+$0x0] =	vst.idx.add.f32.msk $0xffff, v19  }
0x199: {  	s15 =	sadd.s32 $0x17, s25;
	[tilespmem:v28+s4+$0x0] =	vst.idx.add.f32.msk $0xffff, v15  }
0x19a: {  	v15 =	vadd.s32 s15, v1;
	v14 =	vld.idx.msk [tilespmem:v32+s7+$0x0], $0xffff  }
0x19b: {  	[tilespmem:v18+s4+$0x0] =	vst.idx.add.f32.msk $0xffff, v25  }
0x19c: {  	v17 =	vld.idx.msk [tilespmem:v32+s6+$0x0], $0xffff  }
0x19d: {  	v11 =	vld.idx.msk [tilespmem:v11+s7+$0x0], $0xffff  }
0x19e: {  	[tilespmem:v16+s4+$0x0] =	vst.idx.add.f32.msk $0xffff, v31  }
0x19f: {  	v16 =	vld.idx.msk [tilespmem:v15+s6+$0x0], $0xffff  }
0x1a0: {  	v15 =	vld.idx.msk [tilespmem:v15+s7+$0x0], $0xffff  }
0x1a1: {  	[tilespmem:v26+s4+$0x0] =	vst.idx.add.f32.msk $0xffff, v40  }
0x1a2: {  	[tilespmem:v14+s4+$0x0] =	vst.idx.add.f32.msk $0xffff, v17  }
0x1a3: {  	v7 =	vld.idx.msk [tilespmem:v7+s7+$0x0], $0xffff  }
0x1a4: {  	v9 =	vld.idx.msk [tilespmem:v9+s7+$0x0], $0xffff  }
0x1a5: {  	[tilespmem:v11+s4+$0x0] =	vst.idx.add.f32.msk $0xffff, v29  }
0x1a6: {  	[tilespmem:v36+s4+$0x0] =	vst.idx.add.f32.msk $0xffff, v21  }
0x1a7: {  	[tilespmem:v27+s4+$0x0] =	vst.idx.add.f32.msk $0xffff, v37  }
0x1a8: {  	[tilespmem:v15+s4+$0x0] =	vst.idx.add.f32.msk $0xffff, v16  }
0x1a9: {  	[tilespmem:v23+s4+$0x0] =	vst.idx.add.f32.msk $0xffff, v38  }
.Ltmp4:
0x1aa: {  	[tilespmem:v10+s4+$0x0] =	vst.idx.add.f32.msk $0xffff, v8;
	(pc) =	sbr.rel @p0 .LBB2_6-.Ltmp4, $4  }
0x1ab: {  	[tilespmem:v7+s4+$0x0] =	vst.idx.add.f32.msk $0xffff, v13  }
0x1ac: {  	[tilespmem:v9+s4+$0x0] =	vst.idx.add.f32.msk $0xffff, v12  }
0x1ad: {  	[tilespmem:v34+s4+$0x0] =	vst.idx.add.f32.msk $0xffff, v20  }
0x1ae: {  	[tilespmem:v5+s4+$0x0] =	vst.idx.add.f32.msk $0xffff, v6  }
0x1af: {  	_ = 	snop  }
0x1b0: {  	s15 =	rddreg [dreg:$0x19]  }
0x1b1: {  	s15 =	sadd.s32 s5, s15  }
0x1b2: {  	s15 =	sshrl.u32 s15, $0x3  }
0x1b3: {  	[tilespmem:v3+s4+$0x0] =	vst.idx.add.f32.msk $0xffff, v4;
	s24 =	simm.s32 $0x0;
	s16 =	sadd.s32 s1, s15  }
0x1b4: {  	[tilespmem:s6], [sflag:$0x2] =	stream.linear.gather [hbm4b:s16+s24], $0x7D0, $0x38;
	[tilespmem:$0x1D900] =	vst v63  }
0x1b5: {  	s15 =	sadd.s32 s2, s15  }
0x1b6: {  	[tilespmem:s7], [sflag:$0x7] =	stream.linear.gather [hbm4b:s15+s24], $0x7D0, $0x38;
	[tilespmem:$0x1D900] =	vst v63  }
0x1b7: {  	_ =	swait.ge [sflag:s20], $0x7D0  }
0x1b8: {  	v3 =	vadd.s32 s24, v1;
	[sflag:s20] =	ssyncset.done $0x0  }
0x1b9: {  	s16 =	simm.s32 $0x18;
	[sflag:s20] =	ssyncadd.s32 $0xFFFFF830  }
0x1ba: {  	v4 =	vadd.s32 s16, v1;
	s24 =	simm.s32 $0x7;
	_ =	swait.ge [sflag:s21], $0x7D0  }
0x1bb: {  	v5 =	vadd.s32 s24, v1;
	[sflag:s21] =	ssyncset.done $0x0  }
0x1bc: {  	s25 =	simm.s32 $0x5;
	[sflag:s21] =	ssyncadd.s32 $0xFFFFF830  }
0x1bd: {  	s26 =	simm.s32 $0x4;
	v7 =	vadd.s32 s25, v1;
	v6 =	vld.idx.msk [tilespmem:v3+s9+$0x0], $0xffff  }
0x1be: {  	s28 =	simm.s32 $0x16;
	v8 =	vadd.s32 s26, v1;
	v9 =	vld.idx.msk [tilespmem:v3+s8+$0x0], $0xffff  }
0x1bf: {  	s29 =	simm.s32 $0xE;
	v10 =	vadd.s32 s28, v1;
	v11 =	vld.idx.msk [tilespmem:v4+s8+$0x0], $0xffff  }
0x1c0: {  	v12 =	vadd.s32 s29, v1;
	s16 =	simm.s32 $0x14;
	v3 =	vld.idx.msk [tilespmem:v5+s9+$0x0], $0xffff  }
0x1c1: {  	v13 =	vadd.s32 s16, v1;
	s24 =	simm.s32 $0x12;
	v14 =	vld.idx.msk [tilespmem:v4+s9+$0x0], $0xffff  }
0x1c2: {  	s25 =	simm.s32 $0x2;
	v15 =	vadd.s32 s24, v1;
	v16 =	vld.idx.msk [tilespmem:v7+s9+$0x0], $0xffff  }
0x1c3: {  	s26 =	simm.s32 $0x3;
	v17 =	vadd.s32 s25, v1;
	v18 =	vld.idx.msk [tilespmem:v8+s8+$0x0], $0xffff  }
0x1c4: {  	v19 =	vadd.s32 s26, v1;
	v20 =	vld.idx.msk [tilespmem:v10+s8+$0x0], $0xffff  }
0x1c5: {  	v21 =	vld.idx.msk [tilespmem:v12+s9+$0x0], $0xffff  }
0x1c6: {  	v22 =	vld.idx.msk [tilespmem:v13+s8+$0x0], $0xffff  }
0x1c7: {  	s28 =	simm.s32 $0x6;
	v23 =	vld.idx.msk [tilespmem:v15+s8+$0x0], $0xffff  }
0x1c8: {  	v24 =	vadd.s32 s28, v1;
	v25 =	vld.idx.msk [tilespmem:v17+s8+$0x0], $0xffff  }
0x1c9: {  	s29 =	simm.s32 $0x8;
	v26 =	vld.idx.msk [tilespmem:v19+s9+$0x0], $0xffff  }
0x1ca: {  	v27 =	vadd.s32 s29, v1;
	s16 =	simm.s32 $0xF;
	v12 =	vld.idx.msk [tilespmem:v12+s8+$0x0], $0xffff  }
0x1cb: {  	v28 =	vadd.s32 s16, v1;
	v4 =	vld.idx.msk [tilespmem:v5+s8+$0x0], $0xffff  }
0x1cc: {  	s25 =	simm.s32 $0xD;
	v5 =	vld.idx.msk [tilespmem:v19+s8+$0x0], $0xffff  }
0x1cd: {  	v30 =	vadd.s32 s25, v1;
	v29 =	vld.idx.msk [tilespmem:v24+s9+$0x0], $0xffff  }
0x1ce: {  	s26 =	simm.s32 $0xA;
	v24 =	vld.idx.msk [tilespmem:v24+s8+$0x0], $0xffff  }
0x1cf: {  	s28 =	simm.s32 $0xB;
	v33 =	vadd.s32 s26, v1;
	v31 =	vld.idx.msk [tilespmem:v27+s9+$0x0], $0xffff  }
0x1d0: {  	s29 =	simm.s32 $0xC;
	v34 =	vadd.s32 s28, v1;
	v32 =	vld.idx.msk [tilespmem:v28+s8+$0x0], $0xffff  }
0x1d1: {  	v36 =	vadd.s32 s29, v1;
	v27 =	vld.idx.msk [tilespmem:v27+s8+$0x0], $0xffff  }
0x1d2: {  	v37 =	vld.idx.msk [tilespmem:v30+s8+$0x0], $0xffff  }
0x1d3: {  	v28 =	vld.idx.msk [tilespmem:v28+s9+$0x0], $0xffff  }
0x1d4: {  	v38 =	vld.idx.msk [tilespmem:v33+s8+$0x0], $0xffff  }
0x1d5: {  	v39 =	vld.idx.msk [tilespmem:v34+s9+$0x0], $0xffff  }
0x1d6: {  	v40 =	vld.idx.msk [tilespmem:v36+s8+$0x0], $0xffff  }
0x1d7: {  	s16 =	simm.s32 $0x11;
	v33 =	vld.idx.msk [tilespmem:v33+s9+$0x0], $0xffff  }
0x1d8: {  	v41 =	vadd.s32 s16, v1;
	v30 =	vld.idx.msk [tilespmem:v30+s9+$0x0], $0xffff  }
0x1d9: {  	s25 =	simm.s32 $0x13;
	v36 =	vld.idx.msk [tilespmem:v36+s9+$0x0], $0xffff  }
0x1da: {  	s26 =	simm.s32 $0x15;
	v55 =	vadd.s32 s25, v1;
	v34 =	vld.idx.msk [tilespmem:v34+s8+$0x0], $0xffff  }
0x1db: {  	s28 =	simm.s32 $0x1;
	v57 =	vadd.s32 s26, v1;
	v7 =	vld.idx.msk [tilespmem:v7+s8+$0x0], $0xffff  }
0x1dc: {  	v61 =	vadd.s32 s28, v1;
	v8 =	vld.idx.msk [tilespmem:v8+s9+$0x0], $0xffff  }
0x1dd: {  	v54 =	vld.idx.msk [tilespmem:v41+s8+$0x0], $0xffff  }
0x1de: {  	s24 =	simm.s32 $0x9;
	v58 =	vld.idx.msk [tilespmem:v41+s9+$0x0], $0xffff  }
0x1df: {  	v53 =	vadd.s32 s24, v1;
	v59 =	vld.idx.msk [tilespmem:v55+s8+$0x0], $0xffff  }
0x1e0: {  	v60 =	vld.idx.msk [tilespmem:v57+s8+$0x0], $0xffff  }
0x1e1: {  	v63 =	vld.idx.msk [tilespmem:v61+s8+$0x0], $0xffff  }
0x1e2: {  	v15 =	vld.idx.msk [tilespmem:v15+s9+$0x0], $0xffff  }
0x1e3: {  	v10 =	vld.idx.msk [tilespmem:v10+s9+$0x0], $0xffff  }
0x1e4: {  	v35 =	vld.idx.msk [tilespmem:v53+s9+$0x0], $0xffff  }
0x1e5: {  	v19 =	vld.idx.msk [tilespmem:v53+s8+$0x0], $0xffff  }
0x1e6: {  	s24 =	simm.s32 $0x10;
	[tilespmem:v29+s4+$0x0] =	vst.idx.add.f32.msk $0xffff, v24  }
0x1e7: {  	[tilespmem:v26+s4+$0x0] =	vst.idx.add.f32.msk $0xffff, v5;
	v5 =	vadd.s32 s24, v1  }
0x1e8: {  	[tilespmem:v28+s4+$0x0] =	vst.idx.add.f32.msk $0xffff, v32  }
0x1e9: {  	[tilespmem:v16+s4+$0x0] =	vst.idx.add.f32.msk $0xffff, v7  }
0x1ea: {  	[tilespmem:v39+s4+$0x0] =	vst.idx.add.f32.msk $0xffff, v34  }
0x1eb: {  	v7 =	vld.idx.msk [tilespmem:v17+s9+$0x0], $0xffff  }
0x1ec: {  	s29 =	simm.s32 $0x17;
	v56 =	vld.idx.msk [tilespmem:v5+s9+$0x0], $0xffff  }
0x1ed: {  	v62 =	vadd.s32 s29, v1;
	[tilespmem:v8+s4+$0x0] =	vst.idx.add.f32.msk $0xffff, v18  }
0x1ee: {  	v16 =	vld.idx.msk [tilespmem:v55+s9+$0x0], $0xffff  }
0x1ef: {  	v5 =	vld.idx.msk [tilespmem:v5+s8+$0x0], $0xffff  }
0x1f0: {  	[tilespmem:v58+s4+$0x0] =	vst.idx.add.f32.msk $0xffff, v54  }
0x1f1: {  	[tilespmem:v21+s4+$0x0] =	vst.idx.add.f32.msk $0xffff, v12  }
0x1f2: {  	v8 =	vld.idx.msk [tilespmem:v62+s9+$0x0], $0xffff  }
0x1f3: {  	[tilespmem:v36+s4+$0x0] =	vst.idx.add.f32.msk $0xffff, v40  }
0x1f4: {  	[tilespmem:v56+s4+$0x0] =	vst.idx.add.f32.msk $0xffff, v5  }
0x1f5: {  	v5 =	vld.idx.msk [tilespmem:v61+s9+$0x0], $0xffff  }
0x1f6: {  	[tilespmem:v7+s4+$0x0] =	vst.idx.add.f32.msk $0xffff, v25  }
0x1f7: {  	v7 =	vld.idx.msk [tilespmem:v57+s9+$0x0], $0xffff  }
0x1f8: {  	[tilespmem:v15+s4+$0x0] =	vst.idx.add.f32.msk $0xffff, v23  }
0x1f9: {  	[tilespmem:v30+s4+$0x0] =	vst.idx.add.f32.msk $0xffff, v37  }
0x1fa: {  	[tilespmem:v33+s4+$0x0] =	vst.idx.add.f32.msk $0xffff, v38  }
0x1fb: {  	[tilespmem:v14+s4+$0x0] =	vst.idx.add.f32.msk $0xffff, v11  }
0x1fc: {  	[tilespmem:v10+s4+$0x0] =	vst.idx.add.f32.msk $0xffff, v20  }
0x1fd: {  	[tilespmem:v5+s4+$0x0] =	vst.idx.add.f32.msk $0xffff, v63  }
0x1fe: {  	v5 =	vld.idx.msk [tilespmem:v13+s9+$0x0], $0xffff  }
0x1ff: {  	[tilespmem:v7+s4+$0x0] =	vst.idx.add.f32.msk $0xffff, v60  }
0x200: {  	v7 =	vld.idx.msk [tilespmem:v62+s8+$0x0], $0xffff  }
0x201: {  	[tilespmem:v31+s4+$0x0] =	vst.idx.add.f32.msk $0xffff, v27  }
0x202: {  	[tilespmem:v6+s4+$0x0] =	vst.idx.add.f32.msk $0xffff, v9  }
0x203: {  	[tilespmem:v35+s4+$0x0] =	vst.idx.add.f32.msk $0xffff, v19  }
0x204: {  	[tilespmem:v16+s4+$0x0] =	vst.idx.add.f32.msk $0xffff, v59  }
0x205: {  	[tilespmem:v8+s4+$0x0] =	vst.idx.add.f32.msk $0xffff, v7  }
0x206: {  	s24 =	simm.s32 $0x19;
	[tilespmem:v5+s4+$0x0] =	vst.idx.add.f32.msk $0xffff, v22  }
.LBB2_8:
0x207: {  	s15 =	sadd.s32 $0x3, s24  }
0x208: {  	v6 =	vadd.s32 s24, v1;
	s16 =	sadd.s32 $0x7, s24;
	s28 =	sadd.s32 $0xE, s24;
	[tilespmem:v3+s4+$0x0] =	vst.idx.add.f32.msk $0xffff, v4;
	s25 =	smov.u32 s24  }
0x209: {  	s26 =	sadd.s32 $0x1, s24;
	s29 =	sadd.s32 $0x2, s24;
	v14 =	vadd.s32 s15, v1;
	v4 =	vadd.s32 s16, v1;
	v15 =	vadd.s32 s28, v1;
	s15 =	sadd.s32 $0x18, s24  }
0x20a: {  	v16 =	vadd.s32 s29, v1;
	s16 =	sadd.s32 $0x12, s24;
	s28 =	sadd.s32 $0x14, s24;
	s29 =	sadd.s32 $0x16, s24;
	v10 =	vadd.s32 s15, v1  }
0x20b: {  	p0 =	slt.u32 s24, $0x64;
	s24 =	sadd.s32 $0x19, s24;
	s15 =	sadd.s32 $0x4, s25;
	v11 =	vadd.s32 s16, v1;
	v7 =	vadd.s32 s28, v1  }
0x20c: {  	v9 =	vadd.s32 s29, v1;
	v17 =	vadd.s32 s15, v1;
	s15 =	sadd.s32 $0x5, s25  }
0x20d: {  	v18 =	vadd.s32 s15, v1;
	s15 =	sadd.s32 $0x6, s25;
	v5 =	vld.idx.msk [tilespmem:v6+s9+$0x0], $0xffff  }
0x20e: {  	v19 =	vadd.s32 s15, v1;
	v6 =	vld.idx.msk [tilespmem:v6+s8+$0x0], $0xffff  }
0x20f: {  	s15 =	sadd.s32 $0x8, s25;
	v8 =	vld.idx.msk [tilespmem:v10+s8+$0x0], $0xffff  }
0x210: {  	v20 =	vadd.s32 s15, v1;
	s15 =	sadd.s32 $0x9, s25;
	v3 =	vld.idx.msk [tilespmem:v4+s9+$0x0], $0xffff  }
0x211: {  	v21 =	vadd.s32 s15, v1;
	s15 =	sadd.s32 $0xA, s25;
	v10 =	vld.idx.msk [tilespmem:v10+s9+$0x0], $0xffff  }
0x212: {  	v23 =	vadd.s32 s15, v1;
	s15 =	sadd.s32 $0xB, s25;
	v22 =	vld.idx.msk [tilespmem:v18+s9+$0x0], $0xffff  }
0x213: {  	v25 =	vadd.s32 s15, v1;
	s15 =	sadd.s32 $0xC, s25;
	v24 =	vld.idx.msk [tilespmem:v17+s8+$0x0], $0xffff  }
0x214: {  	v26 =	vadd.s32 s15, v1;
	s15 =	sadd.s32 $0xD, s25;
	v12 =	vld.idx.msk [tilespmem:v9+s8+$0x0], $0xffff  }
0x215: {  	v27 =	vadd.s32 s15, v1;
	v28 =	vld.idx.msk [tilespmem:v15+s9+$0x0], $0xffff  }
0x216: {  	v13 =	vld.idx.msk [tilespmem:v7+s8+$0x0], $0xffff  }
0x217: {  	s15 =	sadd.s32 $0xF, s25;
	v29 =	vld.idx.msk [tilespmem:v11+s8+$0x0], $0xffff  }
0x218: {  	v31 =	vadd.s32 s15, v1;
	v30 =	vld.idx.msk [tilespmem:v16+s8+$0x0], $0xffff  }
0x219: {  	v32 =	vld.idx.msk [tilespmem:v14+s9+$0x0], $0xffff  }
0x21a: {  	v15 =	vld.idx.msk [tilespmem:v15+s8+$0x0], $0xffff  }
0x21b: {  	v4 =	vld.idx.msk [tilespmem:v4+s8+$0x0], $0xffff  }
0x21c: {  	v14 =	vld.idx.msk [tilespmem:v14+s8+$0x0], $0xffff  }
0x21d: {  	v33 =	vld.idx.msk [tilespmem:v19+s9+$0x0], $0xffff  }
0x21e: {  	v19 =	vld.idx.msk [tilespmem:v19+s8+$0x0], $0xffff  }
0x21f: {  	v34 =	vld.idx.msk [tilespmem:v20+s9+$0x0], $0xffff  }
0x220: {  	v35 =	vld.idx.msk [tilespmem:v31+s8+$0x0], $0xffff  }
0x221: {  	v20 =	vld.idx.msk [tilespmem:v20+s8+$0x0], $0xffff  }
0x222: {  	v36 =	vld.idx.msk [tilespmem:v21+s9+$0x0], $0xffff  }
0x223: {  	v37 =	vld.idx.msk [tilespmem:v27+s8+$0x0], $0xffff  }
0x224: {  	v21 =	vld.idx.msk [tilespmem:v21+s8+$0x0], $0xffff  }
0x225: {  	v31 =	vld.idx.msk [tilespmem:v31+s9+$0x0], $0xffff  }
0x226: {  	v38 =	vld.idx.msk [tilespmem:v23+s8+$0x0], $0xffff  }
0x227: {  	v39 =	vld.idx.msk [tilespmem:v25+s9+$0x0], $0xffff  }
0x228: {  	v40 =	vld.idx.msk [tilespmem:v26+s8+$0x0], $0xffff  }
0x229: {  	v23 =	vld.idx.msk [tilespmem:v23+s9+$0x0], $0xffff  }
0x22a: {  	v27 =	vld.idx.msk [tilespmem:v27+s9+$0x0], $0xffff  }
0x22b: {  	s15 =	sadd.s32 $0x11, s25;
	v26 =	vld.idx.msk [tilespmem:v26+s9+$0x0], $0xffff  }
0x22c: {  	v41 =	vadd.s32 s15, v1;
	v25 =	vld.idx.msk [tilespmem:v25+s8+$0x0], $0xffff  }
0x22d: {  	v18 =	vld.idx.msk [tilespmem:v18+s8+$0x0], $0xffff  }
0x22e: {  	[tilespmem:v33+s4+$0x0] =	vst.idx.add.f32.msk $0xffff, v19  }
0x22f: {  	v17 =	vld.idx.msk [tilespmem:v17+s9+$0x0], $0xffff  }
0x230: {  	s15 =	sadd.s32 $0x10, s25;
	[tilespmem:v32+s4+$0x0] =	vst.idx.add.f32.msk $0xffff, v14  }
0x231: {  	v14 =	vadd.s32 s15, v1;
	v19 =	vld.idx.msk [tilespmem:v41+s8+$0x0], $0xffff  }
0x232: {  	[tilespmem:v31+s4+$0x0] =	vst.idx.add.f32.msk $0xffff, v35  }
0x233: {  	[tilespmem:v22+s4+$0x0] =	vst.idx.add.f32.msk $0xffff, v18  }
0x234: {  	s15 =	sadd.s32 $0x13, s25;
	[tilespmem:v39+s4+$0x0] =	vst.idx.add.f32.msk $0xffff, v25  }
0x235: {  	v18 =	vadd.s32 s15, v1;
	v16 =	vld.idx.msk [tilespmem:v16+s9+$0x0], $0xffff  }
0x236: {  	s15 =	sadd.s32 $0x15, s25;
	v22 =	vld.idx.msk [tilespmem:v14+s9+$0x0], $0xffff  }
0x237: {  	[tilespmem:v17+s4+$0x0] =	vst.idx.add.f32.msk $0xffff, v24;
	v17 =	vadd.s32 s15, v1  }
0x238: {  	v24 =	vld.idx.msk [tilespmem:v41+s9+$0x0], $0xffff  }
0x239: {  	v14 =	vld.idx.msk [tilespmem:v14+s8+$0x0], $0xffff  }
0x23a: {  	v25 =	vld.idx.msk [tilespmem:v18+s8+$0x0], $0xffff  }
0x23b: {  	v18 =	vld.idx.msk [tilespmem:v18+s9+$0x0], $0xffff  }
0x23c: {  	v31 =	vld.idx.msk [tilespmem:v17+s8+$0x0], $0xffff  }
0x23d: {  	v32 =	vadd.s32 s26, v1;
	[tilespmem:v16+s4+$0x0] =	vst.idx.add.f32.msk $0xffff, v30  }
0x23e: {  	v16 =	vld.idx.msk [tilespmem:v17+s9+$0x0], $0xffff  }
0x23f: {  	[tilespmem:v22+s4+$0x0] =	vst.idx.add.f32.msk $0xffff, v14  }
0x240: {  	[tilespmem:v24+s4+$0x0] =	vst.idx.add.f32.msk $0xffff, v19  }
0x241: {  	s15 =	sadd.s32 $0x17, s25;
	[tilespmem:v28+s4+$0x0] =	vst.idx.add.f32.msk $0xffff, v15  }
0x242: {  	v15 =	vadd.s32 s15, v1;
	v14 =	vld.idx.msk [tilespmem:v32+s9+$0x0], $0xffff  }
0x243: {  	[tilespmem:v18+s4+$0x0] =	vst.idx.add.f32.msk $0xffff, v25  }
0x244: {  	v17 =	vld.idx.msk [tilespmem:v32+s8+$0x0], $0xffff  }
0x245: {  	v11 =	vld.idx.msk [tilespmem:v11+s9+$0x0], $0xffff  }
0x246: {  	[tilespmem:v16+s4+$0x0] =	vst.idx.add.f32.msk $0xffff, v31  }
0x247: {  	v16 =	vld.idx.msk [tilespmem:v15+s8+$0x0], $0xffff  }
0x248: {  	v15 =	vld.idx.msk [tilespmem:v15+s9+$0x0], $0xffff  }
0x249: {  	[tilespmem:v26+s4+$0x0] =	vst.idx.add.f32.msk $0xffff, v40  }
0x24a: {  	[tilespmem:v14+s4+$0x0] =	vst.idx.add.f32.msk $0xffff, v17  }
0x24b: {  	v7 =	vld.idx.msk [tilespmem:v7+s9+$0x0], $0xffff  }
0x24c: {  	v9 =	vld.idx.msk [tilespmem:v9+s9+$0x0], $0xffff  }
0x24d: {  	[tilespmem:v11+s4+$0x0] =	vst.idx.add.f32.msk $0xffff, v29  }
0x24e: {  	[tilespmem:v36+s4+$0x0] =	vst.idx.add.f32.msk $0xffff, v21  }
0x24f: {  	[tilespmem:v27+s4+$0x0] =	vst.idx.add.f32.msk $0xffff, v37  }
0x250: {  	[tilespmem:v15+s4+$0x0] =	vst.idx.add.f32.msk $0xffff, v16  }
0x251: {  	[tilespmem:v23+s4+$0x0] =	vst.idx.add.f32.msk $0xffff, v38  }
.Ltmp5:
0x252: {  	[tilespmem:v10+s4+$0x0] =	vst.idx.add.f32.msk $0xffff, v8;
	(pc) =	sbr.rel @p0 .LBB2_8-.Ltmp5, $4  }
0x253: {  	[tilespmem:v7+s4+$0x0] =	vst.idx.add.f32.msk $0xffff, v13  }
0x254: {  	[tilespmem:v9+s4+$0x0] =	vst.idx.add.f32.msk $0xffff, v12  }
0x255: {  	[tilespmem:v34+s4+$0x0] =	vst.idx.add.f32.msk $0xffff, v20  }
0x256: {  	[tilespmem:v5+s4+$0x0] =	vst.idx.add.f32.msk $0xffff, v6  }
0x257: {  	_ = 	snop  }
0x258: {  	s15 =	rddreg [dreg:$0x1a]  }
0x259: {  	s15 =	sadd.s32 s5, s15  }
0x25a: {  	s15 =	sshrl.u32 s15, $0x3  }
0x25b: {  	[tilespmem:v3+s4+$0x0] =	vst.idx.add.f32.msk $0xffff, v4;
	s24 =	simm.s32 $0x0;
	s16 =	sadd.s32 s1, s15  }
0x25c: {  	[tilespmem:s8], [sflag:$0x3] =	stream.linear.gather [hbm4b:s16+s24], $0x7D0, $0x38;
	[tilespmem:$0x1D900] =	vst v63  }
0x25d: {  	s15 =	sadd.s32 s2, s15  }
0x25e: {  	[tilespmem:s9], [sflag:$0x8] =	stream.linear.gather [hbm4b:s15+s24], $0x7D0, $0x38;
	[tilespmem:$0x1D900] =	vst v63  }
0x25f: {  	_ =	swait.ge [sflag:s22], $0x7D0  }
0x260: {  	v3 =	vadd.s32 s24, v1;
	[sflag:s22] =	ssyncset.done $0x0  }
0x261: {  	s16 =	simm.s32 $0x18;
	[sflag:s22] =	ssyncadd.s32 $0xFFFFF830  }
0x262: {  	v4 =	vadd.s32 s16, v1;
	s24 =	simm.s32 $0x7;
	_ =	swait.ge [sflag:s23], $0x7D0  }
0x263: {  	v5 =	vadd.s32 s24, v1;
	[sflag:s23] =	ssyncset.done $0x0  }
0x264: {  	s25 =	simm.s32 $0x5;
	[sflag:s23] =	ssyncadd.s32 $0xFFFFF830  }
0x265: {  	s26 =	simm.s32 $0x4;
	v7 =	vadd.s32 s25, v1;
	v6 =	vld.idx.msk [tilespmem:v3+s11+$0x0], $0xffff  }
0x266: {  	s28 =	simm.s32 $0x16;
	v8 =	vadd.s32 s26, v1;
	v9 =	vld.idx.msk [tilespmem:v3+s10+$0x0], $0xffff  }
0x267: {  	s29 =	simm.s32 $0xE;
	v10 =	vadd.s32 s28, v1;
	v11 =	vld.idx.msk [tilespmem:v4+s10+$0x0], $0xffff  }
0x268: {  	v12 =	vadd.s32 s29, v1;
	s16 =	simm.s32 $0x14;
	v3 =	vld.idx.msk [tilespmem:v5+s11+$0x0], $0xffff  }
0x269: {  	v13 =	vadd.s32 s16, v1;
	s24 =	simm.s32 $0x12;
	v14 =	vld.idx.msk [tilespmem:v4+s11+$0x0], $0xffff  }
0x26a: {  	s25 =	simm.s32 $0x2;
	v15 =	vadd.s32 s24, v1;
	v16 =	vld.idx.msk [tilespmem:v7+s11+$0x0], $0xffff  }
0x26b: {  	s26 =	simm.s32 $0x3;
	v17 =	vadd.s32 s25, v1;
	v18 =	vld.idx.msk [tilespmem:v8+s10+$0x0], $0xffff  }
0x26c: {  	v19 =	vadd.s32 s26, v1;
	v20 =	vld.idx.msk [tilespmem:v10+s10+$0x0], $0xffff  }
0x26d: {  	v21 =	vld.idx.msk [tilespmem:v12+s11+$0x0], $0xffff  }
0x26e: {  	v22 =	vld.idx.msk [tilespmem:v13+s10+$0x0], $0xffff  }
0x26f: {  	s28 =	simm.s32 $0x6;
	v23 =	vld.idx.msk [tilespmem:v15+s10+$0x0], $0xffff  }
0x270: {  	v24 =	vadd.s32 s28, v1;
	v25 =	vld.idx.msk [tilespmem:v17+s10+$0x0], $0xffff  }
0x271: {  	s29 =	simm.s32 $0x8;
	v26 =	vld.idx.msk [tilespmem:v19+s11+$0x0], $0xffff  }
0x272: {  	v27 =	vadd.s32 s29, v1;
	s16 =	simm.s32 $0xF;
	v12 =	vld.idx.msk [tilespmem:v12+s10+$0x0], $0xffff  }
0x273: {  	v28 =	vadd.s32 s16, v1;
	v4 =	vld.idx.msk [tilespmem:v5+s10+$0x0], $0xffff  }
0x274: {  	s25 =	simm.s32 $0xD;
	v5 =	vld.idx.msk [tilespmem:v19+s10+$0x0], $0xffff  }
0x275: {  	v30 =	vadd.s32 s25, v1;
	v29 =	vld.idx.msk [tilespmem:v24+s11+$0x0], $0xffff  }
0x276: {  	s26 =	simm.s32 $0xA;
	v24 =	vld.idx.msk [tilespmem:v24+s10+$0x0], $0xffff  }
0x277: {  	s28 =	simm.s32 $0xB;
	v33 =	vadd.s32 s26, v1;
	v31 =	vld.idx.msk [tilespmem:v27+s11+$0x0], $0xffff  }
0x278: {  	s29 =	simm.s32 $0xC;
	v34 =	vadd.s32 s28, v1;
	v32 =	vld.idx.msk [tilespmem:v28+s10+$0x0], $0xffff  }
0x279: {  	v36 =	vadd.s32 s29, v1;
	v27 =	vld.idx.msk [tilespmem:v27+s10+$0x0], $0xffff  }
0x27a: {  	v37 =	vld.idx.msk [tilespmem:v30+s10+$0x0], $0xffff  }
0x27b: {  	v28 =	vld.idx.msk [tilespmem:v28+s11+$0x0], $0xffff  }
0x27c: {  	v38 =	vld.idx.msk [tilespmem:v33+s10+$0x0], $0xffff  }
0x27d: {  	v39 =	vld.idx.msk [tilespmem:v34+s11+$0x0], $0xffff  }
0x27e: {  	v40 =	vld.idx.msk [tilespmem:v36+s10+$0x0], $0xffff  }
0x27f: {  	s16 =	simm.s32 $0x11;
	v33 =	vld.idx.msk [tilespmem:v33+s11+$0x0], $0xffff  }
0x280: {  	v41 =	vadd.s32 s16, v1;
	v30 =	vld.idx.msk [tilespmem:v30+s11+$0x0], $0xffff  }
0x281: {  	s25 =	simm.s32 $0x13;
	v36 =	vld.idx.msk [tilespmem:v36+s11+$0x0], $0xffff  }
0x282: {  	s26 =	simm.s32 $0x15;
	v55 =	vadd.s32 s25, v1;
	v34 =	vld.idx.msk [tilespmem:v34+s10+$0x0], $0xffff  }
0x283: {  	s28 =	simm.s32 $0x1;
	v57 =	vadd.s32 s26, v1;
	v7 =	vld.idx.msk [tilespmem:v7+s10+$0x0], $0xffff  }
0x284: {  	v61 =	vadd.s32 s28, v1;
	v8 =	vld.idx.msk [tilespmem:v8+s11+$0x0], $0xffff  }
0x285: {  	v54 =	vld.idx.msk [tilespmem:v41+s10+$0x0], $0xffff  }
0x286: {  	s24 =	simm.s32 $0x9;
	v58 =	vld.idx.msk [tilespmem:v41+s11+$0x0], $0xffff  }
0x287: {  	v53 =	vadd.s32 s24, v1;
	v59 =	vld.idx.msk [tilespmem:v55+s10+$0x0], $0xffff  }
0x288: {  	v60 =	vld.idx.msk [tilespmem:v57+s10+$0x0], $0xffff  }
0x289: {  	v63 =	vld.idx.msk [tilespmem:v61+s10+$0x0], $0xffff  }
0x28a: {  	v15 =	vld.idx.msk [tilespmem:v15+s11+$0x0], $0xffff  }
0x28b: {  	v10 =	vld.idx.msk [tilespmem:v10+s11+$0x0], $0xffff  }
0x28c: {  	v35 =	vld.idx.msk [tilespmem:v53+s11+$0x0], $0xffff  }
0x28d: {  	v19 =	vld.idx.msk [tilespmem:v53+s10+$0x0], $0xffff  }
0x28e: {  	s24 =	simm.s32 $0x10;
	[tilespmem:v29+s4+$0x0] =	vst.idx.add.f32.msk $0xffff, v24  }
0x28f: {  	[tilespmem:v26+s4+$0x0] =	vst.idx.add.f32.msk $0xffff, v5;
	v5 =	vadd.s32 s24, v1  }
0x290: {  	[tilespmem:v28+s4+$0x0] =	vst.idx.add.f32.msk $0xffff, v32  }
0x291: {  	[tilespmem:v16+s4+$0x0] =	vst.idx.add.f32.msk $0xffff, v7  }
0x292: {  	[tilespmem:v39+s4+$0x0] =	vst.idx.add.f32.msk $0xffff, v34  }
0x293: {  	v7 =	vld.idx.msk [tilespmem:v17+s11+$0x0], $0xffff  }
0x294: {  	s29 =	simm.s32 $0x17;
	v56 =	vld.idx.msk [tilespmem:v5+s11+$0x0], $0xffff  }
0x295: {  	v62 =	vadd.s32 s29, v1;
	[tilespmem:v8+s4+$0x0] =	vst.idx.add.f32.msk $0xffff, v18  }
0x296: {  	v16 =	vld.idx.msk [tilespmem:v55+s11+$0x0], $0xffff  }
0x297: {  	v5 =	vld.idx.msk [tilespmem:v5+s10+$0x0], $0xffff  }
0x298: {  	[tilespmem:v58+s4+$0x0] =	vst.idx.add.f32.msk $0xffff, v54  }
0x299: {  	[tilespmem:v21+s4+$0x0] =	vst.idx.add.f32.msk $0xffff, v12  }
0x29a: {  	v8 =	vld.idx.msk [tilespmem:v62+s11+$0x0], $0xffff  }
0x29b: {  	[tilespmem:v36+s4+$0x0] =	vst.idx.add.f32.msk $0xffff, v40  }
0x29c: {  	[tilespmem:v56+s4+$0x0] =	vst.idx.add.f32.msk $0xffff, v5  }
0x29d: {  	v5 =	vld.idx.msk [tilespmem:v61+s11+$0x0], $0xffff  }
0x29e: {  	[tilespmem:v7+s4+$0x0] =	vst.idx.add.f32.msk $0xffff, v25  }
0x29f: {  	v7 =	vld.idx.msk [tilespmem:v57+s11+$0x0], $0xffff  }
0x2a0: {  	[tilespmem:v15+s4+$0x0] =	vst.idx.add.f32.msk $0xffff, v23  }
0x2a1: {  	[tilespmem:v30+s4+$0x0] =	vst.idx.add.f32.msk $0xffff, v37  }
0x2a2: {  	[tilespmem:v33+s4+$0x0] =	vst.idx.add.f32.msk $0xffff, v38  }
0x2a3: {  	[tilespmem:v14+s4+$0x0] =	vst.idx.add.f32.msk $0xffff, v11  }
0x2a4: {  	[tilespmem:v10+s4+$0x0] =	vst.idx.add.f32.msk $0xffff, v20  }
0x2a5: {  	[tilespmem:v5+s4+$0x0] =	vst.idx.add.f32.msk $0xffff, v63  }
0x2a6: {  	v5 =	vld.idx.msk [tilespmem:v13+s11+$0x0], $0xffff  }
0x2a7: {  	[tilespmem:v7+s4+$0x0] =	vst.idx.add.f32.msk $0xffff, v60  }
0x2a8: {  	v7 =	vld.idx.msk [tilespmem:v62+s10+$0x0], $0xffff  }
0x2a9: {  	[tilespmem:v31+s4+$0x0] =	vst.idx.add.f32.msk $0xffff, v27  }
0x2aa: {  	[tilespmem:v6+s4+$0x0] =	vst.idx.add.f32.msk $0xffff, v9  }
0x2ab: {  	[tilespmem:v35+s4+$0x0] =	vst.idx.add.f32.msk $0xffff, v19  }
0x2ac: {  	[tilespmem:v16+s4+$0x0] =	vst.idx.add.f32.msk $0xffff, v59  }
0x2ad: {  	[tilespmem:v8+s4+$0x0] =	vst.idx.add.f32.msk $0xffff, v7  }
0x2ae: {  	s24 =	simm.s32 $0x19;
	[tilespmem:v5+s4+$0x0] =	vst.idx.add.f32.msk $0xffff, v22  }
.LBB2_10:
0x2af: {  	s15 =	sadd.s32 $0x3, s24  }
0x2b0: {  	v6 =	vadd.s32 s24, v1;
	s16 =	sadd.s32 $0x7, s24;
	s28 =	sadd.s32 $0xE, s24;
	[tilespmem:v3+s4+$0x0] =	vst.idx.add.f32.msk $0xffff, v4;
	s25 =	smov.u32 s24  }
0x2b1: {  	s26 =	sadd.s32 $0x1, s24;
	s29 =	sadd.s32 $0x2, s24;
	v14 =	vadd.s32 s15, v1;
	v4 =	vadd.s32 s16, v1;
	v15 =	vadd.s32 s28, v1;
	s15 =	sadd.s32 $0x18, s24  }
0x2b2: {  	v16 =	vadd.s32 s29, v1;
	s16 =	sadd.s32 $0x12, s24;
	s28 =	sadd.s32 $0x14, s24;
	s29 =	sadd.s32 $0x16, s24;
	v10 =	vadd.s32 s15, v1  }
0x2b3: {  	p0 =	slt.u32 s24, $0x64;
	s24 =	sadd.s32 $0x19, s24;
	s15 =	sadd.s32 $0x4, s25;
	v11 =	vadd.s32 s16, v1;
	v7 =	vadd.s32 s28, v1  }
0x2b4: {  	v9 =	vadd.s32 s29, v1;
	v17 =	vadd.s32 s15, v1;
	s15 =	sadd.s32 $0x5, s25  }
0x2b5: {  	v18 =	vadd.s32 s15, v1;
	s15 =	sadd.s32 $0x6, s25;
	v5 =	vld.idx.msk [tilespmem:v6+s11+$0x0], $0xffff  }
0x2b6: {  	v19 =	vadd.s32 s15, v1;
	v6 =	vld.idx.msk [tilespmem:v6+s10+$0x0], $0xffff  }
0x2b7: {  	s15 =	sadd.s32 $0x8, s25;
	v8 =	vld.idx.msk [tilespmem:v10+s10+$0x0], $0xffff  }
0x2b8: {  	v20 =	vadd.s32 s15, v1;
	s15 =	sadd.s32 $0x9, s25;
	v3 =	vld.idx.msk [tilespmem:v4+s11+$0x0], $0xffff  }
0x2b9: {  	v21 =	vadd.s32 s15, v1;
	s15 =	sadd.s32 $0xA, s25;
	v10 =	vld.idx.msk [tilespmem:v10+s11+$0x0], $0xffff  }
0x2ba: {  	v23 =	vadd.s32 s15, v1;
	s15 =	sadd.s32 $0xB, s25;
	v22 =	vld.idx.msk [tilespmem:v18+s11+$0x0], $0xffff  }
0x2bb: {  	v25 =	vadd.s32 s15, v1;
	s15 =	sadd.s32 $0xC, s25;
	v24 =	vld.idx.msk [tilespmem:v17+s10+$0x0], $0xffff  }
0x2bc: {  	v26 =	vadd.s32 s15, v1;
	s15 =	sadd.s32 $0xD, s25;
	v12 =	vld.idx.msk [tilespmem:v9+s10+$0x0], $0xffff  }
0x2bd: {  	v27 =	vadd.s32 s15, v1;
	v28 =	vld.idx.msk [tilespmem:v15+s11+$0x0], $0xffff  }
0x2be: {  	v13 =	vld.idx.msk [tilespmem:v7+s10+$0x0], $0xffff  }
0x2bf: {  	s15 =	sadd.s32 $0xF, s25;
	v29 =	vld.idx.msk [tilespmem:v11+s10+$0x0], $0xffff  }
0x2c0: {  	v31 =	vadd.s32 s15, v1;
	v30 =	vld.idx.msk [tilespmem:v16+s10+$0x0], $0xffff  }
0x2c1: {  	v32 =	vld.idx.msk [tilespmem:v14+s11+$0x0], $0xffff  }
0x2c2: {  	v15 =	vld.idx.msk [tilespmem:v15+s10+$0x0], $0xffff  }
0x2c3: {  	v4 =	vld.idx.msk [tilespmem:v4+s10+$0x0], $0xffff  }
0x2c4: {  	v14 =	vld.idx.msk [tilespmem:v14+s10+$0x0], $0xffff  }
0x2c5: {  	v33 =	vld.idx.msk [tilespmem:v19+s11+$0x0], $0xffff  }
0x2c6: {  	v19 =	vld.idx.msk [tilespmem:v19+s10+$0x0], $0xffff  }
0x2c7: {  	v34 =	vld.idx.msk [tilespmem:v20+s11+$0x0], $0xffff  }
0x2c8: {  	v35 =	vld.idx.msk [tilespmem:v31+s10+$0x0], $0xffff  }
0x2c9: {  	v20 =	vld.idx.msk [tilespmem:v20+s10+$0x0], $0xffff  }
0x2ca: {  	v36 =	vld.idx.msk [tilespmem:v21+s11+$0x0], $0xffff  }
0x2cb: {  	v37 =	vld.idx.msk [tilespmem:v27+s10+$0x0], $0xffff  }
0x2cc: {  	v21 =	vld.idx.msk [tilespmem:v21+s10+$0x0], $0xffff  }
0x2cd: {  	v31 =	vld.idx.msk [tilespmem:v31+s11+$0x0], $0xffff  }
0x2ce: {  	v38 =	vld.idx.msk [tilespmem:v23+s10+$0x0], $0xffff  }
0x2cf: {  	v39 =	vld.idx.msk [tilespmem:v25+s11+$0x0], $0xffff  }
0x2d0: {  	v40 =	vld.idx.msk [tilespmem:v26+s10+$0x0], $0xffff  }
0x2d1: {  	v23 =	vld.idx.msk [tilespmem:v23+s11+$0x0], $0xffff  }
0x2d2: {  	v27 =	vld.idx.msk [tilespmem:v27+s11+$0x0], $0xffff  }
0x2d3: {  	s15 =	sadd.s32 $0x11, s25;
	v26 =	vld.idx.msk [tilespmem:v26+s11+$0x0], $0xffff  }
0x2d4: {  	v41 =	vadd.s32 s15, v1;
	v25 =	vld.idx.msk [tilespmem:v25+s10+$0x0], $0xffff  }
0x2d5: {  	v18 =	vld.idx.msk [tilespmem:v18+s10+$0x0], $0xffff  }
0x2d6: {  	[tilespmem:v33+s4+$0x0] =	vst.idx.add.f32.msk $0xffff, v19  }
0x2d7: {  	v17 =	vld.idx.msk [tilespmem:v17+s11+$0x0], $0xffff  }
0x2d8: {  	s15 =	sadd.s32 $0x10, s25;
	[tilespmem:v32+s4+$0x0] =	vst.idx.add.f32.msk $0xffff, v14  }
0x2d9: {  	v14 =	vadd.s32 s15, v1;
	v19 =	vld.idx.msk [tilespmem:v41+s10+$0x0], $0xffff  }
0x2da: {  	[tilespmem:v31+s4+$0x0] =	vst.idx.add.f32.msk $0xffff, v35  }
0x2db: {  	[tilespmem:v22+s4+$0x0] =	vst.idx.add.f32.msk $0xffff, v18  }
0x2dc: {  	s15 =	sadd.s32 $0x13, s25;
	[tilespmem:v39+s4+$0x0] =	vst.idx.add.f32.msk $0xffff, v25  }
0x2dd: {  	v18 =	vadd.s32 s15, v1;
	v16 =	vld.idx.msk [tilespmem:v16+s11+$0x0], $0xffff  }
0x2de: {  	s15 =	sadd.s32 $0x15, s25;
	v22 =	vld.idx.msk [tilespmem:v14+s11+$0x0], $0xffff  }
0x2df: {  	[tilespmem:v17+s4+$0x0] =	vst.idx.add.f32.msk $0xffff, v24;
	v17 =	vadd.s32 s15, v1  }
0x2e0: {  	v24 =	vld.idx.msk [tilespmem:v41+s11+$0x0], $0xffff  }
0x2e1: {  	v14 =	vld.idx.msk [tilespmem:v14+s10+$0x0], $0xffff  }
0x2e2: {  	v25 =	vld.idx.msk [tilespmem:v18+s10+$0x0], $0xffff  }
0x2e3: {  	v18 =	vld.idx.msk [tilespmem:v18+s11+$0x0], $0xffff  }
0x2e4: {  	v31 =	vld.idx.msk [tilespmem:v17+s10+$0x0], $0xffff  }
0x2e5: {  	v32 =	vadd.s32 s26, v1;
	[tilespmem:v16+s4+$0x0] =	vst.idx.add.f32.msk $0xffff, v30  }
0x2e6: {  	v16 =	vld.idx.msk [tilespmem:v17+s11+$0x0], $0xffff  }
0x2e7: {  	[tilespmem:v22+s4+$0x0] =	vst.idx.add.f32.msk $0xffff, v14  }
0x2e8: {  	[tilespmem:v24+s4+$0x0] =	vst.idx.add.f32.msk $0xffff, v19  }
0x2e9: {  	s15 =	sadd.s32 $0x17, s25;
	[tilespmem:v28+s4+$0x0] =	vst.idx.add.f32.msk $0xffff, v15  }
0x2ea: {  	v15 =	vadd.s32 s15, v1;
	v14 =	vld.idx.msk [tilespmem:v32+s11+$0x0], $0xffff  }
0x2eb: {  	[tilespmem:v18+s4+$0x0] =	vst.idx.add.f32.msk $0xffff, v25  }
0x2ec: {  	v17 =	vld.idx.msk [tilespmem:v32+s10+$0x0], $0xffff  }
0x2ed: {  	v11 =	vld.idx.msk [tilespmem:v11+s11+$0x0], $0xffff  }
0x2ee: {  	[tilespmem:v16+s4+$0x0] =	vst.idx.add.f32.msk $0xffff, v31  }
0x2ef: {  	v16 =	vld.idx.msk [tilespmem:v15+s10+$0x0], $0xffff  }
0x2f0: {  	v15 =	vld.idx.msk [tilespmem:v15+s11+$0x0], $0xffff  }
0x2f1: {  	[tilespmem:v26+s4+$0x0] =	vst.idx.add.f32.msk $0xffff, v40  }
0x2f2: {  	[tilespmem:v14+s4+$0x0] =	vst.idx.add.f32.msk $0xffff, v17  }
0x2f3: {  	v7 =	vld.idx.msk [tilespmem:v7+s11+$0x0], $0xffff  }
0x2f4: {  	v9 =	vld.idx.msk [tilespmem:v9+s11+$0x0], $0xffff  }
0x2f5: {  	[tilespmem:v11+s4+$0x0] =	vst.idx.add.f32.msk $0xffff, v29  }
0x2f6: {  	[tilespmem:v36+s4+$0x0] =	vst.idx.add.f32.msk $0xffff, v21  }
0x2f7: {  	[tilespmem:v27+s4+$0x0] =	vst.idx.add.f32.msk $0xffff, v37  }
0x2f8: {  	[tilespmem:v15+s4+$0x0] =	vst.idx.add.f32.msk $0xffff, v16  }
0x2f9: {  	[tilespmem:v23+s4+$0x0] =	vst.idx.add.f32.msk $0xffff, v38  }
.Ltmp6:
0x2fa: {  	[tilespmem:v10+s4+$0x0] =	vst.idx.add.f32.msk $0xffff, v8;
	(pc) =	sbr.rel @p0 .LBB2_10-.Ltmp6, $4  }
0x2fb: {  	[tilespmem:v7+s4+$0x0] =	vst.idx.add.f32.msk $0xffff, v13  }
0x2fc: {  	[tilespmem:v9+s4+$0x0] =	vst.idx.add.f32.msk $0xffff, v12  }
0x2fd: {  	[tilespmem:v34+s4+$0x0] =	vst.idx.add.f32.msk $0xffff, v20  }
0x2fe: {  	[tilespmem:v5+s4+$0x0] =	vst.idx.add.f32.msk $0xffff, v6  }
0x2ff: {  	_ = 	snop  }
0x300: {  	s15 =	rddreg [dreg:$0x1b]  }
0x301: {  	s15 =	sadd.s32 s5, s15  }
0x302: {  	s15 =	sshrl.u32 s15, $0x3  }
0x303: {  	[tilespmem:v3+s4+$0x0] =	vst.idx.add.f32.msk $0xffff, v4;
	s24 =	simm.s32 $0x0;
	s16 =	sadd.s32 s1, s15  }
0x304: {  	[tilespmem:s10], [sflag:$0x4] =	stream.linear.gather [hbm4b:s16+s24], $0x7D0, $0x38;
	[tilespmem:$0x1D900] =	vst v63  }
0x305: {  	s15 =	sadd.s32 s2, s15  }
0x306: {  	[tilespmem:s11], [sflag:$0x9] =	stream.linear.gather [hbm4b:s15+s24], $0x7D0, $0x38;
	[tilespmem:$0x1D900] =	vst v63  }
0x307: {  	_ =	swait.ge [sflag:s30], $0x7D0  }
0x308: {  	v3 =	vadd.s32 s24, v1;
	[sflag:s30] =	ssyncset.done $0x0  }
0x309: {  	s16 =	simm.s32 $0x18;
	[sflag:s30] =	ssyncadd.s32 $0xFFFFF830  }
0x30a: {  	v4 =	vadd.s32 s16, v1;
	s24 =	simm.s32 $0x7;
	_ =	swait.ge [sflag:s31], $0x7D0  }
0x30b: {  	v5 =	vadd.s32 s24, v1;
	[sflag:s31] =	ssyncset.done $0x0  }
0x30c: {  	s25 =	simm.s32 $0x5;
	[sflag:s31] =	ssyncadd.s32 $0xFFFFF830  }
0x30d: {  	s26 =	simm.s32 $0x4;
	v7 =	vadd.s32 s25, v1;
	v6 =	vld.idx.msk [tilespmem:v3+s13+$0x0], $0xffff  }
0x30e: {  	s28 =	simm.s32 $0x16;
	v8 =	vadd.s32 s26, v1;
	v9 =	vld.idx.msk [tilespmem:v3+s12+$0x0], $0xffff  }
0x30f: {  	s29 =	simm.s32 $0xE;
	v10 =	vadd.s32 s28, v1;
	v11 =	vld.idx.msk [tilespmem:v4+s12+$0x0], $0xffff  }
0x310: {  	v12 =	vadd.s32 s29, v1;
	s16 =	simm.s32 $0x14;
	v3 =	vld.idx.msk [tilespmem:v5+s13+$0x0], $0xffff  }
0x311: {  	v13 =	vadd.s32 s16, v1;
	s24 =	simm.s32 $0x12;
	v14 =	vld.idx.msk [tilespmem:v4+s13+$0x0], $0xffff  }
0x312: {  	s25 =	simm.s32 $0x2;
	v15 =	vadd.s32 s24, v1;
	v16 =	vld.idx.msk [tilespmem:v7+s13+$0x0], $0xffff  }
0x313: {  	s26 =	simm.s32 $0x3;
	v17 =	vadd.s32 s25, v1;
	v18 =	vld.idx.msk [tilespmem:v8+s12+$0x0], $0xffff  }
0x314: {  	v19 =	vadd.s32 s26, v1;
	v20 =	vld.idx.msk [tilespmem:v10+s12+$0x0], $0xffff  }
0x315: {  	v21 =	vld.idx.msk [tilespmem:v12+s13+$0x0], $0xffff  }
0x316: {  	v22 =	vld.idx.msk [tilespmem:v13+s12+$0x0], $0xffff  }
0x317: {  	s28 =	simm.s32 $0x6;
	v23 =	vld.idx.msk [tilespmem:v15+s12+$0x0], $0xffff  }
0x318: {  	v24 =	vadd.s32 s28, v1;
	v25 =	vld.idx.msk [tilespmem:v17+s12+$0x0], $0xffff  }
0x319: {  	s29 =	simm.s32 $0x8;
	v26 =	vld.idx.msk [tilespmem:v19+s13+$0x0], $0xffff  }
0x31a: {  	v27 =	vadd.s32 s29, v1;
	s16 =	simm.s32 $0xF;
	v12 =	vld.idx.msk [tilespmem:v12+s12+$0x0], $0xffff  }
0x31b: {  	v28 =	vadd.s32 s16, v1;
	v4 =	vld.idx.msk [tilespmem:v5+s12+$0x0], $0xffff  }
0x31c: {  	s25 =	simm.s32 $0xD;
	v5 =	vld.idx.msk [tilespmem:v19+s12+$0x0], $0xffff  }
0x31d: {  	v30 =	vadd.s32 s25, v1;
	v29 =	vld.idx.msk [tilespmem:v24+s13+$0x0], $0xffff  }
0x31e: {  	s26 =	simm.s32 $0xA;
	v24 =	vld.idx.msk [tilespmem:v24+s12+$0x0], $0xffff  }
0x31f: {  	s28 =	simm.s32 $0xB;
	v33 =	vadd.s32 s26, v1;
	v31 =	vld.idx.msk [tilespmem:v27+s13+$0x0], $0xffff  }
0x320: {  	s29 =	simm.s32 $0xC;
	v34 =	vadd.s32 s28, v1;
	v32 =	vld.idx.msk [tilespmem:v28+s12+$0x0], $0xffff  }
0x321: {  	v36 =	vadd.s32 s29, v1;
	v27 =	vld.idx.msk [tilespmem:v27+s12+$0x0], $0xffff  }
0x322: {  	v37 =	vld.idx.msk [tilespmem:v30+s12+$0x0], $0xffff  }
0x323: {  	v28 =	vld.idx.msk [tilespmem:v28+s13+$0x0], $0xffff  }
0x324: {  	v38 =	vld.idx.msk [tilespmem:v33+s12+$0x0], $0xffff  }
0x325: {  	v39 =	vld.idx.msk [tilespmem:v34+s13+$0x0], $0xffff  }
0x326: {  	v40 =	vld.idx.msk [tilespmem:v36+s12+$0x0], $0xffff  }
0x327: {  	s16 =	simm.s32 $0x11;
	v33 =	vld.idx.msk [tilespmem:v33+s13+$0x0], $0xffff  }
0x328: {  	v41 =	vadd.s32 s16, v1;
	v30 =	vld.idx.msk [tilespmem:v30+s13+$0x0], $0xffff  }
0x329: {  	s25 =	simm.s32 $0x13;
	v36 =	vld.idx.msk [tilespmem:v36+s13+$0x0], $0xffff  }
0x32a: {  	s26 =	simm.s32 $0x15;
	v55 =	vadd.s32 s25, v1;
	v34 =	vld.idx.msk [tilespmem:v34+s12+$0x0], $0xffff  }
0x32b: {  	s28 =	simm.s32 $0x1;
	v57 =	vadd.s32 s26, v1;
	v7 =	vld.idx.msk [tilespmem:v7+s12+$0x0], $0xffff  }
0x32c: {  	v61 =	vadd.s32 s28, v1;
	v8 =	vld.idx.msk [tilespmem:v8+s13+$0x0], $0xffff  }
0x32d: {  	v54 =	vld.idx.msk [tilespmem:v41+s12+$0x0], $0xffff  }
0x32e: {  	s24 =	simm.s32 $0x9;
	v58 =	vld.idx.msk [tilespmem:v41+s13+$0x0], $0xffff  }
0x32f: {  	v53 =	vadd.s32 s24, v1;
	v59 =	vld.idx.msk [tilespmem:v55+s12+$0x0], $0xffff  }
0x330: {  	v60 =	vld.idx.msk [tilespmem:v57+s12+$0x0], $0xffff  }
0x331: {  	v63 =	vld.idx.msk [tilespmem:v61+s12+$0x0], $0xffff  }
0x332: {  	v15 =	vld.idx.msk [tilespmem:v15+s13+$0x0], $0xffff  }
0x333: {  	v10 =	vld.idx.msk [tilespmem:v10+s13+$0x0], $0xffff  }
0x334: {  	v35 =	vld.idx.msk [tilespmem:v53+s13+$0x0], $0xffff  }
0x335: {  	v19 =	vld.idx.msk [tilespmem:v53+s12+$0x0], $0xffff  }
0x336: {  	s24 =	simm.s32 $0x10;
	[tilespmem:v29+s4+$0x0] =	vst.idx.add.f32.msk $0xffff, v24  }
0x337: {  	[tilespmem:v26+s4+$0x0] =	vst.idx.add.f32.msk $0xffff, v5;
	v5 =	vadd.s32 s24, v1  }
0x338: {  	[tilespmem:v28+s4+$0x0] =	vst.idx.add.f32.msk $0xffff, v32  }
0x339: {  	[tilespmem:v16+s4+$0x0] =	vst.idx.add.f32.msk $0xffff, v7  }
0x33a: {  	[tilespmem:v39+s4+$0x0] =	vst.idx.add.f32.msk $0xffff, v34  }
0x33b: {  	v7 =	vld.idx.msk [tilespmem:v17+s13+$0x0], $0xffff  }
0x33c: {  	s29 =	simm.s32 $0x17;
	v56 =	vld.idx.msk [tilespmem:v5+s13+$0x0], $0xffff  }
0x33d: {  	v62 =	vadd.s32 s29, v1;
	[tilespmem:v8+s4+$0x0] =	vst.idx.add.f32.msk $0xffff, v18  }
0x33e: {  	v16 =	vld.idx.msk [tilespmem:v55+s13+$0x0], $0xffff  }
0x33f: {  	v5 =	vld.idx.msk [tilespmem:v5+s12+$0x0], $0xffff  }
0x340: {  	[tilespmem:v58+s4+$0x0] =	vst.idx.add.f32.msk $0xffff, v54  }
0x341: {  	[tilespmem:v21+s4+$0x0] =	vst.idx.add.f32.msk $0xffff, v12  }
0x342: {  	v8 =	vld.idx.msk [tilespmem:v62+s13+$0x0], $0xffff  }
0x343: {  	[tilespmem:v36+s4+$0x0] =	vst.idx.add.f32.msk $0xffff, v40  }
0x344: {  	[tilespmem:v56+s4+$0x0] =	vst.idx.add.f32.msk $0xffff, v5  }
0x345: {  	v5 =	vld.idx.msk [tilespmem:v61+s13+$0x0], $0xffff  }
0x346: {  	[tilespmem:v7+s4+$0x0] =	vst.idx.add.f32.msk $0xffff, v25  }
0x347: {  	v7 =	vld.idx.msk [tilespmem:v57+s13+$0x0], $0xffff  }
0x348: {  	[tilespmem:v15+s4+$0x0] =	vst.idx.add.f32.msk $0xffff, v23  }
0x349: {  	[tilespmem:v30+s4+$0x0] =	vst.idx.add.f32.msk $0xffff, v37  }
0x34a: {  	[tilespmem:v33+s4+$0x0] =	vst.idx.add.f32.msk $0xffff, v38  }
0x34b: {  	[tilespmem:v14+s4+$0x0] =	vst.idx.add.f32.msk $0xffff, v11  }
0x34c: {  	[tilespmem:v10+s4+$0x0] =	vst.idx.add.f32.msk $0xffff, v20  }
0x34d: {  	[tilespmem:v5+s4+$0x0] =	vst.idx.add.f32.msk $0xffff, v63  }
0x34e: {  	v5 =	vld.idx.msk [tilespmem:v13+s13+$0x0], $0xffff  }
0x34f: {  	[tilespmem:v7+s4+$0x0] =	vst.idx.add.f32.msk $0xffff, v60  }
0x350: {  	v7 =	vld.idx.msk [tilespmem:v62+s12+$0x0], $0xffff  }
0x351: {  	[tilespmem:v31+s4+$0x0] =	vst.idx.add.f32.msk $0xffff, v27  }
0x352: {  	[tilespmem:v6+s4+$0x0] =	vst.idx.add.f32.msk $0xffff, v9  }
0x353: {  	[tilespmem:v35+s4+$0x0] =	vst.idx.add.f32.msk $0xffff, v19  }
0x354: {  	[tilespmem:v16+s4+$0x0] =	vst.idx.add.f32.msk $0xffff, v59  }
0x355: {  	[tilespmem:v8+s4+$0x0] =	vst.idx.add.f32.msk $0xffff, v7  }
0x356: {  	s24 =	simm.s32 $0x19;
	[tilespmem:v5+s4+$0x0] =	vst.idx.add.f32.msk $0xffff, v22  }
.LBB2_12:
0x357: {  	s15 =	sadd.s32 $0x3, s24  }
0x358: {  	v6 =	vadd.s32 s24, v1;
	s16 =	sadd.s32 $0x7, s24;
	s28 =	sadd.s32 $0xE, s24;
	[tilespmem:v3+s4+$0x0] =	vst.idx.add.f32.msk $0xffff, v4;
	s25 =	smov.u32 s24  }
0x359: {  	s26 =	sadd.s32 $0x1, s24;
	s29 =	sadd.s32 $0x2, s24;
	v14 =	vadd.s32 s15, v1;
	v4 =	vadd.s32 s16, v1;
	v15 =	vadd.s32 s28, v1;
	s15 =	sadd.s32 $0x18, s24  }
0x35a: {  	v16 =	vadd.s32 s29, v1;
	s16 =	sadd.s32 $0x12, s24;
	s28 =	sadd.s32 $0x14, s24;
	s29 =	sadd.s32 $0x16, s24;
	v10 =	vadd.s32 s15, v1  }
0x35b: {  	p0 =	slt.u32 s24, $0x64;
	s24 =	sadd.s32 $0x19, s24;
	s15 =	sadd.s32 $0x4, s25;
	v11 =	vadd.s32 s16, v1;
	v7 =	vadd.s32 s28, v1  }
0x35c: {  	v9 =	vadd.s32 s29, v1;
	v17 =	vadd.s32 s15, v1;
	s15 =	sadd.s32 $0x5, s25  }
0x35d: {  	v18 =	vadd.s32 s15, v1;
	s15 =	sadd.s32 $0x6, s25;
	v5 =	vld.idx.msk [tilespmem:v6+s13+$0x0], $0xffff  }
0x35e: {  	v19 =	vadd.s32 s15, v1;
	v6 =	vld.idx.msk [tilespmem:v6+s12+$0x0], $0xffff  }
0x35f: {  	s15 =	sadd.s32 $0x8, s25;
	v8 =	vld.idx.msk [tilespmem:v10+s12+$0x0], $0xffff  }
0x360: {  	v20 =	vadd.s32 s15, v1;
	s15 =	sadd.s32 $0x9, s25;
	v3 =	vld.idx.msk [tilespmem:v4+s13+$0x0], $0xffff  }
0x361: {  	v21 =	vadd.s32 s15, v1;
	s15 =	sadd.s32 $0xA, s25;
	v10 =	vld.idx.msk [tilespmem:v10+s13+$0x0], $0xffff  }
0x362: {  	v23 =	vadd.s32 s15, v1;
	s15 =	sadd.s32 $0xB, s25;
	v22 =	vld.idx.msk [tilespmem:v18+s13+$0x0], $0xffff  }
0x363: {  	v25 =	vadd.s32 s15, v1;
	s15 =	sadd.s32 $0xC, s25;
	v24 =	vld.idx.msk [tilespmem:v17+s12+$0x0], $0xffff  }
0x364: {  	v26 =	vadd.s32 s15, v1;
	s15 =	sadd.s32 $0xD, s25;
	v12 =	vld.idx.msk [tilespmem:v9+s12+$0x0], $0xffff  }
0x365: {  	v27 =	vadd.s32 s15, v1;
	v28 =	vld.idx.msk [tilespmem:v15+s13+$0x0], $0xffff  }
0x366: {  	v13 =	vld.idx.msk [tilespmem:v7+s12+$0x0], $0xffff  }
0x367: {  	s15 =	sadd.s32 $0xF, s25;
	v29 =	vld.idx.msk [tilespmem:v11+s12+$0x0], $0xffff  }
0x368: {  	v31 =	vadd.s32 s15, v1;
	v30 =	vld.idx.msk [tilespmem:v16+s12+$0x0], $0xffff  }
0x369: {  	v32 =	vld.idx.msk [tilespmem:v14+s13+$0x0], $0xffff  }
0x36a: {  	v15 =	vld.idx.msk [tilespmem:v15+s12+$0x0], $0xffff  }
0x36b: {  	v4 =	vld.idx.msk [tilespmem:v4+s12+$0x0], $0xffff  }
0x36c: {  	v14 =	vld.idx.msk [tilespmem:v14+s12+$0x0], $0xffff  }
0x36d: {  	v33 =	vld.idx.msk [tilespmem:v19+s13+$0x0], $0xffff  }
0x36e: {  	v19 =	vld.idx.msk [tilespmem:v19+s12+$0x0], $0xffff  }
0x36f: {  	v34 =	vld.idx.msk [tilespmem:v20+s13+$0x0], $0xffff  }
0x370: {  	v35 =	vld.idx.msk [tilespmem:v31+s12+$0x0], $0xffff  }
0x371: {  	v20 =	vld.idx.msk [tilespmem:v20+s12+$0x0], $0xffff  }
0x372: {  	v36 =	vld.idx.msk [tilespmem:v21+s13+$0x0], $0xffff  }
0x373: {  	v37 =	vld.idx.msk [tilespmem:v27+s12+$0x0], $0xffff  }
0x374: {  	v21 =	vld.idx.msk [tilespmem:v21+s12+$0x0], $0xffff  }
0x375: {  	v31 =	vld.idx.msk [tilespmem:v31+s13+$0x0], $0xffff  }
0x376: {  	v38 =	vld.idx.msk [tilespmem:v23+s12+$0x0], $0xffff  }
0x377: {  	v39 =	vld.idx.msk [tilespmem:v25+s13+$0x0], $0xffff  }
0x378: {  	v40 =	vld.idx.msk [tilespmem:v26+s12+$0x0], $0xffff  }
0x379: {  	v23 =	vld.idx.msk [tilespmem:v23+s13+$0x0], $0xffff  }
0x37a: {  	v27 =	vld.idx.msk [tilespmem:v27+s13+$0x0], $0xffff  }
0x37b: {  	s15 =	sadd.s32 $0x11, s25;
	v26 =	vld.idx.msk [tilespmem:v26+s13+$0x0], $0xffff  }
0x37c: {  	v41 =	vadd.s32 s15, v1;
	v25 =	vld.idx.msk [tilespmem:v25+s12+$0x0], $0xffff  }
0x37d: {  	v18 =	vld.idx.msk [tilespmem:v18+s12+$0x0], $0xffff  }
0x37e: {  	[tilespmem:v33+s4+$0x0] =	vst.idx.add.f32.msk $0xffff, v19  }
0x37f: {  	v17 =	vld.idx.msk [tilespmem:v17+s13+$0x0], $0xffff  }
0x380: {  	s15 =	sadd.s32 $0x10, s25;
	[tilespmem:v32+s4+$0x0] =	vst.idx.add.f32.msk $0xffff, v14  }
0x381: {  	v14 =	vadd.s32 s15, v1;
	v19 =	vld.idx.msk [tilespmem:v41+s12+$0x0], $0xffff  }
0x382: {  	[tilespmem:v31+s4+$0x0] =	vst.idx.add.f32.msk $0xffff, v35  }
0x383: {  	[tilespmem:v22+s4+$0x0] =	vst.idx.add.f32.msk $0xffff, v18  }
0x384: {  	s15 =	sadd.s32 $0x13, s25;
	[tilespmem:v39+s4+$0x0] =	vst.idx.add.f32.msk $0xffff, v25  }
0x385: {  	v18 =	vadd.s32 s15, v1;
	v16 =	vld.idx.msk [tilespmem:v16+s13+$0x0], $0xffff  }
0x386: {  	s15 =	sadd.s32 $0x15, s25;
	v22 =	vld.idx.msk [tilespmem:v14+s13+$0x0], $0xffff  }
0x387: {  	[tilespmem:v17+s4+$0x0] =	vst.idx.add.f32.msk $0xffff, v24;
	v17 =	vadd.s32 s15, v1  }
0x388: {  	v24 =	vld.idx.msk [tilespmem:v41+s13+$0x0], $0xffff  }
0x389: {  	v14 =	vld.idx.msk [tilespmem:v14+s12+$0x0], $0xffff  }
0x38a: {  	v25 =	vld.idx.msk [tilespmem:v18+s12+$0x0], $0xffff  }
0x38b: {  	v18 =	vld.idx.msk [tilespmem:v18+s13+$0x0], $0xffff  }
0x38c: {  	v31 =	vld.idx.msk [tilespmem:v17+s12+$0x0], $0xffff  }
0x38d: {  	v32 =	vadd.s32 s26, v1;
	[tilespmem:v16+s4+$0x0] =	vst.idx.add.f32.msk $0xffff, v30  }
0x38e: {  	v16 =	vld.idx.msk [tilespmem:v17+s13+$0x0], $0xffff  }
0x38f: {  	[tilespmem:v22+s4+$0x0] =	vst.idx.add.f32.msk $0xffff, v14  }
0x390: {  	[tilespmem:v24+s4+$0x0] =	vst.idx.add.f32.msk $0xffff, v19  }
0x391: {  	s15 =	sadd.s32 $0x17, s25;
	[tilespmem:v28+s4+$0x0] =	vst.idx.add.f32.msk $0xffff, v15  }
0x392: {  	v15 =	vadd.s32 s15, v1;
	v14 =	vld.idx.msk [tilespmem:v32+s13+$0x0], $0xffff  }
0x393: {  	[tilespmem:v18+s4+$0x0] =	vst.idx.add.f32.msk $0xffff, v25  }
0x394: {  	v17 =	vld.idx.msk [tilespmem:v32+s12+$0x0], $0xffff  }
0x395: {  	v11 =	vld.idx.msk [tilespmem:v11+s13+$0x0], $0xffff  }
0x396: {  	[tilespmem:v16+s4+$0x0] =	vst.idx.add.f32.msk $0xffff, v31  }
0x397: {  	v16 =	vld.idx.msk [tilespmem:v15+s12+$0x0], $0xffff  }
0x398: {  	v15 =	vld.idx.msk [tilespmem:v15+s13+$0x0], $0xffff  }
0x399: {  	[tilespmem:v26+s4+$0x0] =	vst.idx.add.f32.msk $0xffff, v40  }
0x39a: {  	[tilespmem:v14+s4+$0x0] =	vst.idx.add.f32.msk $0xffff, v17  }
0x39b: {  	v7 =	vld.idx.msk [tilespmem:v7+s13+$0x0], $0xffff  }
0x39c: {  	v9 =	vld.idx.msk [tilespmem:v9+s13+$0x0], $0xffff  }
0x39d: {  	[tilespmem:v11+s4+$0x0] =	vst.idx.add.f32.msk $0xffff, v29  }
0x39e: {  	[tilespmem:v36+s4+$0x0] =	vst.idx.add.f32.msk $0xffff, v21  }
0x39f: {  	[tilespmem:v27+s4+$0x0] =	vst.idx.add.f32.msk $0xffff, v37  }
0x3a0: {  	[tilespmem:v15+s4+$0x0] =	vst.idx.add.f32.msk $0xffff, v16  }
0x3a1: {  	[tilespmem:v23+s4+$0x0] =	vst.idx.add.f32.msk $0xffff, v38  }
.Ltmp7:
0x3a2: {  	[tilespmem:v10+s4+$0x0] =	vst.idx.add.f32.msk $0xffff, v8;
	(pc) =	sbr.rel @p0 .LBB2_12-.Ltmp7, $4  }
0x3a3: {  	[tilespmem:v7+s4+$0x0] =	vst.idx.add.f32.msk $0xffff, v13  }
0x3a4: {  	[tilespmem:v9+s4+$0x0] =	vst.idx.add.f32.msk $0xffff, v12  }
0x3a5: {  	[tilespmem:v34+s4+$0x0] =	vst.idx.add.f32.msk $0xffff, v20  }
0x3a6: {  	[tilespmem:v5+s4+$0x0] =	vst.idx.add.f32.msk $0xffff, v6  }
0x3a7: {  	_ = 	snop  }
0x3a8: {  	s15 =	rddreg [dreg:$0x1c];
	s14 =	sadd.s32 $0x1, s14  }
0x3a9: {  	s5 =	sadd.s32 s5, s15;
	p0 =	sne.s32 s14, $0x13  }
.Ltmp8:
0x3aa: {  	s5 =	sshrl.u32 s5, $0x3;
	(pc) =	sbr.rel @p0 .LBB2_3-.Ltmp8, $4  }
0x3ab: {  	[tilespmem:v3+s4+$0x0] =	vst.idx.add.f32.msk $0xffff, v4;
	s29 =	sadd.s32 s1, s5  }
0x3ac: {  	[tilespmem:s12], [sflag:$0x5] =	stream.linear.gather [hbm4b:s29+s4], $0x7D0, $0x38;
	[tilespmem:$0x1D900] =	vst v63  }
0x3ad: {  	s5 =	sadd.s32 s2, s5  }
0x3ae: {  	[tilespmem:s13], [sflag:$0xA] =	stream.linear.gather [hbm4b:s5+s4], $0x7D0, $0x38;
	[tilespmem:$0x1D900] =	vst v63  }
0x3af: {  	s14 =	simm.s32 $0x1  }
0x3b0: {  	s5 =	simm.s32 $0x0;
	_ =	swait.ge [sflag:s14], $0x7D0  }
0x3b1: {  	v3 =	vadd.s32 s5, v1;
	[sflag:s14] =	ssyncset.done $0x0  }
0x3b2: {  	s28 =	simm.s32 $0x18;
	[sflag:s14] =	ssyncadd.s32 $0xFFFFF830  }
0x3b3: {  	s29 =	simm.s32 $0x7;
	v4 =	vadd.s32 s28, v1;
	_ =	swait.ge [sflag:s17], $0x7D0  }
0x3b4: {  	v5 =	vadd.s32 s29, v1;
	[sflag:s17] =	ssyncset.done $0x0  }
0x3b5: {  	s15 =	simm.s32 $0x5;
	[sflag:s17] =	ssyncadd.s32 $0xFFFFF830  }
0x3b6: {  	s16 =	simm.s32 $0x4;
	v7 =	vadd.s32 s15, v1;
	v6 =	vld.idx.msk [tilespmem:v3+s3+$0x0], $0xffff  }
0x3b7: {  	s24 =	simm.s32 $0x16;
	v8 =	vadd.s32 s16, v1;
	v9 =	vld.idx.msk [tilespmem:v3+s0+$0x0], $0xffff  }
0x3b8: {  	s25 =	simm.s32 $0xE;
	v10 =	vadd.s32 s24, v1;
	v11 =	vld.idx.msk [tilespmem:v4+s0+$0x0], $0xffff  }
0x3b9: {  	s26 =	simm.s32 $0x14;
	v12 =	vadd.s32 s25, v1;
	v3 =	vld.idx.msk [tilespmem:v5+s3+$0x0], $0xffff  }
0x3ba: {  	s28 =	simm.s32 $0x12;
	v13 =	vadd.s32 s26, v1;
	v14 =	vld.idx.msk [tilespmem:v4+s3+$0x0], $0xffff  }
0x3bb: {  	s29 =	simm.s32 $0x2;
	v15 =	vadd.s32 s28, v1;
	v16 =	vld.idx.msk [tilespmem:v7+s3+$0x0], $0xffff  }
0x3bc: {  	s15 =	simm.s32 $0x3;
	v17 =	vadd.s32 s29, v1;
	v18 =	vld.idx.msk [tilespmem:v8+s0+$0x0], $0xffff  }
0x3bd: {  	v19 =	vadd.s32 s15, v1;
	v20 =	vld.idx.msk [tilespmem:v10+s0+$0x0], $0xffff  }
0x3be: {  	v21 =	vld.idx.msk [tilespmem:v12+s3+$0x0], $0xffff  }
0x3bf: {  	v22 =	vld.idx.msk [tilespmem:v13+s0+$0x0], $0xffff  }
0x3c0: {  	s16 =	simm.s32 $0x6;
	v23 =	vld.idx.msk [tilespmem:v15+s0+$0x0], $0xffff  }
0x3c1: {  	v24 =	vadd.s32 s16, v1;
	v25 =	vld.idx.msk [tilespmem:v17+s0+$0x0], $0xffff  }
0x3c2: {  	s24 =	simm.s32 $0x8;
	v26 =	vld.idx.msk [tilespmem:v19+s3+$0x0], $0xffff  }
0x3c3: {  	s25 =	simm.s32 $0xF;
	v27 =	vadd.s32 s24, v1;
	v12 =	vld.idx.msk [tilespmem:v12+s0+$0x0], $0xffff  }
0x3c4: {  	v28 =	vadd.s32 s25, v1;
	v4 =	vld.idx.msk [tilespmem:v5+s0+$0x0], $0xffff  }
0x3c5: {  	s26 =	simm.s32 $0x9;
	v5 =	vld.idx.msk [tilespmem:v19+s0+$0x0], $0xffff  }
0x3c6: {  	v53 =	vadd.s32 s26, v1;
	v29 =	vld.idx.msk [tilespmem:v24+s3+$0x0], $0xffff  }
0x3c7: {  	v24 =	vld.idx.msk [tilespmem:v24+s0+$0x0], $0xffff  }
0x3c8: {  	v31 =	vld.idx.msk [tilespmem:v27+s3+$0x0], $0xffff  }
0x3c9: {  	v32 =	vld.idx.msk [tilespmem:v28+s0+$0x0], $0xffff  }
0x3ca: {  	v27 =	vld.idx.msk [tilespmem:v27+s0+$0x0], $0xffff  }
0x3cb: {  	v35 =	vld.idx.msk [tilespmem:v53+s3+$0x0], $0xffff  }
0x3cc: {  	s28 =	simm.s32 $0xD;
	v19 =	vld.idx.msk [tilespmem:v53+s0+$0x0], $0xffff  }
0x3cd: {  	s29 =	simm.s32 $0xA;
	v30 =	vadd.s32 s28, v1;
	v28 =	vld.idx.msk [tilespmem:v28+s3+$0x0], $0xffff  }
0x3ce: {  	s15 =	simm.s32 $0xC;
	v33 =	vadd.s32 s29, v1;
	v7 =	vld.idx.msk [tilespmem:v7+s0+$0x0], $0xffff  }
0x3cf: {  	v36 =	vadd.s32 s15, v1;
	v8 =	vld.idx.msk [tilespmem:v8+s3+$0x0], $0xffff  }
0x3d0: {  	v15 =	vld.idx.msk [tilespmem:v15+s3+$0x0], $0xffff  }
0x3d1: {  	v10 =	vld.idx.msk [tilespmem:v10+s3+$0x0], $0xffff  }
0x3d2: {  	s16 =	simm.s32 $0x11;
	v37 =	vld.idx.msk [tilespmem:v30+s0+$0x0], $0xffff  }
0x3d3: {  	v41 =	vadd.s32 s16, v1;
	v38 =	vld.idx.msk [tilespmem:v33+s0+$0x0], $0xffff  }
0x3d4: {  	s25 =	simm.s32 $0x13;
	v40 =	vld.idx.msk [tilespmem:v36+s0+$0x0], $0xffff  }
0x3d5: {  	s26 =	simm.s32 $0x15;
	v55 =	vadd.s32 s25, v1;
	v33 =	vld.idx.msk [tilespmem:v33+s3+$0x0], $0xffff  }
0x3d6: {  	s14 =	simm.s32 $0xB;
	v57 =	vadd.s32 s26, v1;
	v30 =	vld.idx.msk [tilespmem:v30+s3+$0x0], $0xffff  }
0x3d7: {  	v34 =	vadd.s32 s14, v1;
	v36 =	vld.idx.msk [tilespmem:v36+s3+$0x0], $0xffff  }
0x3d8: {  	s28 =	simm.s32 $0x1;
	v54 =	vld.idx.msk [tilespmem:v41+s0+$0x0], $0xffff  }
0x3d9: {  	v61 =	vadd.s32 s28, v1;
	v58 =	vld.idx.msk [tilespmem:v41+s3+$0x0], $0xffff  }
0x3da: {  	v59 =	vld.idx.msk [tilespmem:v55+s0+$0x0], $0xffff  }
0x3db: {  	v60 =	vld.idx.msk [tilespmem:v57+s0+$0x0], $0xffff  }
0x3dc: {  	v39 =	vld.idx.msk [tilespmem:v34+s3+$0x0], $0xffff  }
0x3dd: {  	v34 =	vld.idx.msk [tilespmem:v34+s0+$0x0], $0xffff  }
0x3de: {  	v63 =	vld.idx.msk [tilespmem:v61+s0+$0x0], $0xffff  }
0x3df: {  	s24 =	simm.s32 $0x10;
	[tilespmem:v29+s4+$0x0] =	vst.idx.add.f32.msk $0xffff, v24  }
0x3e0: {  	[tilespmem:v26+s4+$0x0] =	vst.idx.add.f32.msk $0xffff, v5;
	v5 =	vadd.s32 s24, v1  }
0x3e1: {  	[tilespmem:v28+s4+$0x0] =	vst.idx.add.f32.msk $0xffff, v32  }
0x3e2: {  	[tilespmem:v16+s4+$0x0] =	vst.idx.add.f32.msk $0xffff, v7  }
0x3e3: {  	s29 =	simm.s32 $0x17;
	v7 =	vld.idx.msk [tilespmem:v17+s3+$0x0], $0xffff  }
0x3e4: {  	v62 =	vadd.s32 s29, v1;
	[tilespmem:v8+s4+$0x0] =	vst.idx.add.f32.msk $0xffff, v18  }
0x3e5: {  	v56 =	vld.idx.msk [tilespmem:v5+s3+$0x0], $0xffff  }
0x3e6: {  	v16 =	vld.idx.msk [tilespmem:v55+s3+$0x0], $0xffff  }
0x3e7: {  	[tilespmem:v21+s4+$0x0] =	vst.idx.add.f32.msk $0xffff, v12  }
0x3e8: {  	v5 =	vld.idx.msk [tilespmem:v5+s0+$0x0], $0xffff  }
0x3e9: {  	v8 =	vld.idx.msk [tilespmem:v62+s3+$0x0], $0xffff  }
0x3ea: {  	[tilespmem:v15+s4+$0x0] =	vst.idx.add.f32.msk $0xffff, v23  }
0x3eb: {  	[tilespmem:v35+s4+$0x0] =	vst.idx.add.f32.msk $0xffff, v19  }
0x3ec: {  	[tilespmem:v14+s4+$0x0] =	vst.idx.add.f32.msk $0xffff, v11  }
0x3ed: {  	[tilespmem:v56+s4+$0x0] =	vst.idx.add.f32.msk $0xffff, v5  }
0x3ee: {  	v5 =	vld.idx.msk [tilespmem:v61+s3+$0x0], $0xffff  }
0x3ef: {  	[tilespmem:v7+s4+$0x0] =	vst.idx.add.f32.msk $0xffff, v25  }
0x3f0: {  	v7 =	vld.idx.msk [tilespmem:v57+s3+$0x0], $0xffff  }
0x3f1: {  	[tilespmem:v10+s4+$0x0] =	vst.idx.add.f32.msk $0xffff, v20  }
0x3f2: {  	[tilespmem:v31+s4+$0x0] =	vst.idx.add.f32.msk $0xffff, v27  }
0x3f3: {  	[tilespmem:v6+s4+$0x0] =	vst.idx.add.f32.msk $0xffff, v9  }
0x3f4: {  	[tilespmem:v58+s4+$0x0] =	vst.idx.add.f32.msk $0xffff, v54  }
0x3f5: {  	[tilespmem:v36+s4+$0x0] =	vst.idx.add.f32.msk $0xffff, v40  }
0x3f6: {  	[tilespmem:v5+s4+$0x0] =	vst.idx.add.f32.msk $0xffff, v63  }
0x3f7: {  	v5 =	vld.idx.msk [tilespmem:v13+s3+$0x0], $0xffff  }
0x3f8: {  	[tilespmem:v7+s4+$0x0] =	vst.idx.add.f32.msk $0xffff, v60  }
0x3f9: {  	v7 =	vld.idx.msk [tilespmem:v62+s0+$0x0], $0xffff  }
0x3fa: {  	[tilespmem:v30+s4+$0x0] =	vst.idx.add.f32.msk $0xffff, v37  }
0x3fb: {  	[tilespmem:v33+s4+$0x0] =	vst.idx.add.f32.msk $0xffff, v38  }
0x3fc: {  	[tilespmem:v39+s4+$0x0] =	vst.idx.add.f32.msk $0xffff, v34  }
0x3fd: {  	[tilespmem:v16+s4+$0x0] =	vst.idx.add.f32.msk $0xffff, v59  }
0x3fe: {  	[tilespmem:v8+s4+$0x0] =	vst.idx.add.f32.msk $0xffff, v7  }
0x3ff: {  	s5 =	simm.s32 $0x19;
	[tilespmem:v5+s4+$0x0] =	vst.idx.add.f32.msk $0xffff, v22  }
.LBB2_15:
0x400: {  	s16 =	sadd.s32 $0x3, s5  }
0x401: {  	v6 =	vadd.s32 s5, v1;
	s24 =	sadd.s32 $0x7, s5;
	s25 =	sadd.s32 $0xE, s5;
	[tilespmem:v3+s4+$0x0] =	vst.idx.add.f32.msk $0xffff, v4;
	s14 =	smov.u32 s5  }
0x402: {  	s15 =	sadd.s32 $0x1, s5;
	s26 =	sadd.s32 $0x2, s5;
	v14 =	vadd.s32 s16, v1;
	v4 =	vadd.s32 s24, v1;
	v15 =	vadd.s32 s25, v1;
	s16 =	sadd.s32 $0x18, s5  }
0x403: {  	v16 =	vadd.s32 s26, v1;
	s24 =	sadd.s32 $0x12, s5;
	s25 =	sadd.s32 $0x14, s5;
	s26 =	sadd.s32 $0x16, s5;
	v10 =	vadd.s32 s16, v1  }
0x404: {  	p0 =	slt.u32 s5, $0x64;
	s5 =	sadd.s32 $0x19, s5;
	s16 =	sadd.s32 $0x4, s14;
	v11 =	vadd.s32 s24, v1;
	v7 =	vadd.s32 s25, v1  }
0x405: {  	v9 =	vadd.s32 s26, v1;
	v17 =	vadd.s32 s16, v1;
	s16 =	sadd.s32 $0x5, s14  }
0x406: {  	v18 =	vadd.s32 s16, v1;
	s16 =	sadd.s32 $0x6, s14;
	v5 =	vld.idx.msk [tilespmem:v6+s3+$0x0], $0xffff  }
0x407: {  	v19 =	vadd.s32 s16, v1;
	v6 =	vld.idx.msk [tilespmem:v6+s0+$0x0], $0xffff  }
0x408: {  	s16 =	sadd.s32 $0x8, s14;
	v8 =	vld.idx.msk [tilespmem:v10+s0+$0x0], $0xffff  }
0x409: {  	v20 =	vadd.s32 s16, v1;
	s16 =	sadd.s32 $0x9, s14;
	v3 =	vld.idx.msk [tilespmem:v4+s3+$0x0], $0xffff  }
0x40a: {  	v21 =	vadd.s32 s16, v1;
	s16 =	sadd.s32 $0xA, s14;
	v10 =	vld.idx.msk [tilespmem:v10+s3+$0x0], $0xffff  }
0x40b: {  	v23 =	vadd.s32 s16, v1;
	s16 =	sadd.s32 $0xB, s14;
	v22 =	vld.idx.msk [tilespmem:v18+s3+$0x0], $0xffff  }
0x40c: {  	v25 =	vadd.s32 s16, v1;
	s16 =	sadd.s32 $0xC, s14;
	v24 =	vld.idx.msk [tilespmem:v17+s0+$0x0], $0xffff  }
0x40d: {  	v26 =	vadd.s32 s16, v1;
	s16 =	sadd.s32 $0xD, s14;
	v12 =	vld.idx.msk [tilespmem:v9+s0+$0x0], $0xffff  }
0x40e: {  	v27 =	vadd.s32 s16, v1;
	v28 =	vld.idx.msk [tilespmem:v15+s3+$0x0], $0xffff  }
0x40f: {  	v13 =	vld.idx.msk [tilespmem:v7+s0+$0x0], $0xffff  }
0x410: {  	s16 =	sadd.s32 $0xF, s14;
	v29 =	vld.idx.msk [tilespmem:v11+s0+$0x0], $0xffff  }
0x411: {  	v31 =	vadd.s32 s16, v1;
	v30 =	vld.idx.msk [tilespmem:v16+s0+$0x0], $0xffff  }
0x412: {  	v32 =	vld.idx.msk [tilespmem:v14+s3+$0x0], $0xffff  }
0x413: {  	v15 =	vld.idx.msk [tilespmem:v15+s0+$0x0], $0xffff  }
0x414: {  	v4 =	vld.idx.msk [tilespmem:v4+s0+$0x0], $0xffff  }
0x415: {  	v14 =	vld.idx.msk [tilespmem:v14+s0+$0x0], $0xffff  }
0x416: {  	v33 =	vld.idx.msk [tilespmem:v19+s3+$0x0], $0xffff  }
0x417: {  	v19 =	vld.idx.msk [tilespmem:v19+s0+$0x0], $0xffff  }
0x418: {  	v34 =	vld.idx.msk [tilespmem:v20+s3+$0x0], $0xffff  }
0x419: {  	v35 =	vld.idx.msk [tilespmem:v31+s0+$0x0], $0xffff  }
0x41a: {  	v20 =	vld.idx.msk [tilespmem:v20+s0+$0x0], $0xffff  }
0x41b: {  	v36 =	vld.idx.msk [tilespmem:v21+s3+$0x0], $0xffff  }
0x41c: {  	v37 =	vld.idx.msk [tilespmem:v27+s0+$0x0], $0xffff  }
0x41d: {  	v21 =	vld.idx.msk [tilespmem:v21+s0+$0x0], $0xffff  }
0x41e: {  	v31 =	vld.idx.msk [tilespmem:v31+s3+$0x0], $0xffff  }
0x41f: {  	v38 =	vld.idx.msk [tilespmem:v23+s0+$0x0], $0xffff  }
0x420: {  	v39 =	vld.idx.msk [tilespmem:v25+s3+$0x0], $0xffff  }
0x421: {  	v40 =	vld.idx.msk [tilespmem:v26+s0+$0x0], $0xffff  }
0x422: {  	v23 =	vld.idx.msk [tilespmem:v23+s3+$0x0], $0xffff  }
0x423: {  	v27 =	vld.idx.msk [tilespmem:v27+s3+$0x0], $0xffff  }
0x424: {  	s16 =	sadd.s32 $0x11, s14;
	v26 =	vld.idx.msk [tilespmem:v26+s3+$0x0], $0xffff  }
0x425: {  	v41 =	vadd.s32 s16, v1;
	v25 =	vld.idx.msk [tilespmem:v25+s0+$0x0], $0xffff  }
0x426: {  	v18 =	vld.idx.msk [tilespmem:v18+s0+$0x0], $0xffff  }
0x427: {  	[tilespmem:v33+s4+$0x0] =	vst.idx.add.f32.msk $0xffff, v19  }
0x428: {  	v17 =	vld.idx.msk [tilespmem:v17+s3+$0x0], $0xffff  }
0x429: {  	s16 =	sadd.s32 $0x10, s14;
	[tilespmem:v32+s4+$0x0] =	vst.idx.add.f32.msk $0xffff, v14  }
0x42a: {  	v14 =	vadd.s32 s16, v1;
	v19 =	vld.idx.msk [tilespmem:v41+s0+$0x0], $0xffff  }
0x42b: {  	[tilespmem:v31+s4+$0x0] =	vst.idx.add.f32.msk $0xffff, v35  }
0x42c: {  	[tilespmem:v22+s4+$0x0] =	vst.idx.add.f32.msk $0xffff, v18  }
0x42d: {  	s16 =	sadd.s32 $0x13, s14;
	[tilespmem:v39+s4+$0x0] =	vst.idx.add.f32.msk $0xffff, v25  }
0x42e: {  	v18 =	vadd.s32 s16, v1;
	v16 =	vld.idx.msk [tilespmem:v16+s3+$0x0], $0xffff  }
0x42f: {  	s16 =	sadd.s32 $0x15, s14;
	v22 =	vld.idx.msk [tilespmem:v14+s3+$0x0], $0xffff  }
0x430: {  	[tilespmem:v17+s4+$0x0] =	vst.idx.add.f32.msk $0xffff, v24;
	v17 =	vadd.s32 s16, v1  }
0x431: {  	v24 =	vld.idx.msk [tilespmem:v41+s3+$0x0], $0xffff  }
0x432: {  	v14 =	vld.idx.msk [tilespmem:v14+s0+$0x0], $0xffff  }
0x433: {  	v25 =	vld.idx.msk [tilespmem:v18+s0+$0x0], $0xffff  }
0x434: {  	v18 =	vld.idx.msk [tilespmem:v18+s3+$0x0], $0xffff  }
0x435: {  	v31 =	vld.idx.msk [tilespmem:v17+s0+$0x0], $0xffff  }
0x436: {  	v32 =	vadd.s32 s15, v1;
	[tilespmem:v16+s4+$0x0] =	vst.idx.add.f32.msk $0xffff, v30  }
0x437: {  	v16 =	vld.idx.msk [tilespmem:v17+s3+$0x0], $0xffff  }
0x438: {  	[tilespmem:v22+s4+$0x0] =	vst.idx.add.f32.msk $0xffff, v14  }
0x439: {  	[tilespmem:v24+s4+$0x0] =	vst.idx.add.f32.msk $0xffff, v19  }
0x43a: {  	s14 =	sadd.s32 $0x17, s14;
	[tilespmem:v28+s4+$0x0] =	vst.idx.add.f32.msk $0xffff, v15  }
0x43b: {  	v15 =	vadd.s32 s14, v1;
	v14 =	vld.idx.msk [tilespmem:v32+s3+$0x0], $0xffff  }
0x43c: {  	[tilespmem:v18+s4+$0x0] =	vst.idx.add.f32.msk $0xffff, v25  }
0x43d: {  	v17 =	vld.idx.msk [tilespmem:v32+s0+$0x0], $0xffff  }
0x43e: {  	v11 =	vld.idx.msk [tilespmem:v11+s3+$0x0], $0xffff  }
0x43f: {  	[tilespmem:v16+s4+$0x0] =	vst.idx.add.f32.msk $0xffff, v31  }
0x440: {  	v16 =	vld.idx.msk [tilespmem:v15+s0+$0x0], $0xffff  }
0x441: {  	v15 =	vld.idx.msk [tilespmem:v15+s3+$0x0], $0xffff  }
0x442: {  	[tilespmem:v26+s4+$0x0] =	vst.idx.add.f32.msk $0xffff, v40  }
0x443: {  	[tilespmem:v14+s4+$0x0] =	vst.idx.add.f32.msk $0xffff, v17  }
0x444: {  	v7 =	vld.idx.msk [tilespmem:v7+s3+$0x0], $0xffff  }
0x445: {  	v9 =	vld.idx.msk [tilespmem:v9+s3+$0x0], $0xffff  }
0x446: {  	[tilespmem:v11+s4+$0x0] =	vst.idx.add.f32.msk $0xffff, v29  }
0x447: {  	[tilespmem:v36+s4+$0x0] =	vst.idx.add.f32.msk $0xffff, v21  }
0x448: {  	[tilespmem:v27+s4+$0x0] =	vst.idx.add.f32.msk $0xffff, v37  }
0x449: {  	[tilespmem:v15+s4+$0x0] =	vst.idx.add.f32.msk $0xffff, v16  }
0x44a: {  	[tilespmem:v23+s4+$0x0] =	vst.idx.add.f32.msk $0xffff, v38  }
.Ltmp9:
0x44b: {  	[tilespmem:v10+s4+$0x0] =	vst.idx.add.f32.msk $0xffff, v8;
	(pc) =	sbr.rel @p0 .LBB2_15-.Ltmp9, $4  }
0x44c: {  	[tilespmem:v7+s4+$0x0] =	vst.idx.add.f32.msk $0xffff, v13  }
0x44d: {  	[tilespmem:v9+s4+$0x0] =	vst.idx.add.f32.msk $0xffff, v12  }
0x44e: {  	[tilespmem:v34+s4+$0x0] =	vst.idx.add.f32.msk $0xffff, v20  }
0x44f: {  	[tilespmem:v5+s4+$0x0] =	vst.idx.add.f32.msk $0xffff, v6  }
0x450: {  	_ =	sdelay $0x3  }
0x451: {  	[tilespmem:v3+s4+$0x0] =	vst.idx.add.f32.msk $0xffff, v4  }
0x452: {  	s5 =	simm.s32 $0x0;
	_ =	swait.ge [sflag:s18], $0x7D0  }
0x453: {  	v3 =	vadd.s32 s5, v1;
	[sflag:s18] =	ssyncset.done $0x0  }
0x454: {  	s29 =	simm.s32 $0x18;
	[sflag:s18] =	ssyncadd.s32 $0xFFFFF830  }
0x455: {  	s14 =	simm.s32 $0x7;
	v4 =	vadd.s32 s29, v1;
	_ =	swait.ge [sflag:s19], $0x7D0  }
0x456: {  	v5 =	vadd.s32 s14, v1;
	[sflag:s19] =	ssyncset.done $0x0  }
0x457: {  	s15 =	simm.s32 $0x5;
	[sflag:s19] =	ssyncadd.s32 $0xFFFFF830  }
0x458: {  	s16 =	simm.s32 $0x4;
	v7 =	vadd.s32 s15, v1;
	v6 =	vld.idx.msk [tilespmem:v3+s7+$0x0], $0xffff  }
0x459: {  	s24 =	simm.s32 $0x16;
	v8 =	vadd.s32 s16, v1;
	v9 =	vld.idx.msk [tilespmem:v3+s6+$0x0], $0xffff  }
0x45a: {  	s25 =	simm.s32 $0xE;
	v10 =	vadd.s32 s24, v1;
	v11 =	vld.idx.msk [tilespmem:v4+s6+$0x0], $0xffff  }
0x45b: {  	s26 =	simm.s32 $0x14;
	v12 =	vadd.s32 s25, v1;
	v3 =	vld.idx.msk [tilespmem:v5+s7+$0x0], $0xffff  }
0x45c: {  	s28 =	simm.s32 $0x12;
	v13 =	vadd.s32 s26, v1;
	v14 =	vld.idx.msk [tilespmem:v4+s7+$0x0], $0xffff  }
0x45d: {  	s29 =	simm.s32 $0x2;
	v15 =	vadd.s32 s28, v1;
	v16 =	vld.idx.msk [tilespmem:v7+s7+$0x0], $0xffff  }
0x45e: {  	s15 =	simm.s32 $0x3;
	v17 =	vadd.s32 s29, v1;
	v18 =	vld.idx.msk [tilespmem:v8+s6+$0x0], $0xffff  }
0x45f: {  	v19 =	vadd.s32 s15, v1;
	v20 =	vld.idx.msk [tilespmem:v10+s6+$0x0], $0xffff  }
0x460: {  	v21 =	vld.idx.msk [tilespmem:v12+s7+$0x0], $0xffff  }
0x461: {  	v22 =	vld.idx.msk [tilespmem:v13+s6+$0x0], $0xffff  }
0x462: {  	s16 =	simm.s32 $0x6;
	v23 =	vld.idx.msk [tilespmem:v15+s6+$0x0], $0xffff  }
0x463: {  	v24 =	vadd.s32 s16, v1;
	v25 =	vld.idx.msk [tilespmem:v17+s6+$0x0], $0xffff  }
0x464: {  	s24 =	simm.s32 $0x8;
	v26 =	vld.idx.msk [tilespmem:v19+s7+$0x0], $0xffff  }
0x465: {  	s25 =	simm.s32 $0xF;
	v27 =	vadd.s32 s24, v1;
	v12 =	vld.idx.msk [tilespmem:v12+s6+$0x0], $0xffff  }
0x466: {  	v28 =	vadd.s32 s25, v1;
	v4 =	vld.idx.msk [tilespmem:v5+s6+$0x0], $0xffff  }
0x467: {  	s26 =	simm.s32 $0x9;
	v5 =	vld.idx.msk [tilespmem:v19+s6+$0x0], $0xffff  }
0x468: {  	s28 =	simm.s32 $0xD;
	v53 =	vadd.s32 s26, v1;
	v29 =	vld.idx.msk [tilespmem:v24+s7+$0x0], $0xffff  }
0x469: {  	v30 =	vadd.s32 s28, v1;
	v24 =	vld.idx.msk [tilespmem:v24+s6+$0x0], $0xffff  }
0x46a: {  	v31 =	vld.idx.msk [tilespmem:v27+s7+$0x0], $0xffff  }
0x46b: {  	s14 =	simm.s32 $0xB;
	v32 =	vld.idx.msk [tilespmem:v28+s6+$0x0], $0xffff  }
0x46c: {  	v34 =	vadd.s32 s14, v1;
	v27 =	vld.idx.msk [tilespmem:v27+s6+$0x0], $0xffff  }
0x46d: {  	v35 =	vld.idx.msk [tilespmem:v53+s7+$0x0], $0xffff  }
0x46e: {  	v37 =	vld.idx.msk [tilespmem:v30+s6+$0x0], $0xffff  }
0x46f: {  	v19 =	vld.idx.msk [tilespmem:v53+s6+$0x0], $0xffff  }
0x470: {  	v28 =	vld.idx.msk [tilespmem:v28+s7+$0x0], $0xffff  }
0x471: {  	v39 =	vld.idx.msk [tilespmem:v34+s7+$0x0], $0xffff  }
0x472: {  	s29 =	simm.s32 $0xA;
	v30 =	vld.idx.msk [tilespmem:v30+s7+$0x0], $0xffff  }
0x473: {  	s15 =	simm.s32 $0xC;
	v33 =	vadd.s32 s29, v1;
	v34 =	vld.idx.msk [tilespmem:v34+s6+$0x0], $0xffff  }
0x474: {  	v36 =	vadd.s32 s15, v1;
	v7 =	vld.idx.msk [tilespmem:v7+s6+$0x0], $0xffff  }
0x475: {  	v8 =	vld.idx.msk [tilespmem:v8+s7+$0x0], $0xffff  }
0x476: {  	s16 =	simm.s32 $0x11;
	v15 =	vld.idx.msk [tilespmem:v15+s7+$0x0], $0xffff  }
0x477: {  	v41 =	vadd.s32 s16, v1;
	v10 =	vld.idx.msk [tilespmem:v10+s7+$0x0], $0xffff  }
0x478: {  	s25 =	simm.s32 $0x13;
	v38 =	vld.idx.msk [tilespmem:v33+s6+$0x0], $0xffff  }
0x479: {  	s26 =	simm.s32 $0x15;
	v55 =	vadd.s32 s25, v1;
	v40 =	vld.idx.msk [tilespmem:v36+s6+$0x0], $0xffff  }
0x47a: {  	s28 =	simm.s32 $0x1;
	v57 =	vadd.s32 s26, v1;
	v33 =	vld.idx.msk [tilespmem:v33+s7+$0x0], $0xffff  }
0x47b: {  	v61 =	vadd.s32 s28, v1;
	v36 =	vld.idx.msk [tilespmem:v36+s7+$0x0], $0xffff  }
0x47c: {  	v54 =	vld.idx.msk [tilespmem:v41+s6+$0x0], $0xffff  }
0x47d: {  	v58 =	vld.idx.msk [tilespmem:v41+s7+$0x0], $0xffff  }
0x47e: {  	v59 =	vld.idx.msk [tilespmem:v55+s6+$0x0], $0xffff  }
0x47f: {  	v60 =	vld.idx.msk [tilespmem:v57+s6+$0x0], $0xffff  }
0x480: {  	v63 =	vld.idx.msk [tilespmem:v61+s6+$0x0], $0xffff  }
0x481: {  	s24 =	simm.s32 $0x10;
	[tilespmem:v29+s4+$0x0] =	vst.idx.add.f32.msk $0xffff, v24  }
0x482: {  	[tilespmem:v26+s4+$0x0] =	vst.idx.add.f32.msk $0xffff, v5;
	v5 =	vadd.s32 s24, v1  }
0x483: {  	[tilespmem:v28+s4+$0x0] =	vst.idx.add.f32.msk $0xffff, v32  }
0x484: {  	[tilespmem:v16+s4+$0x0] =	vst.idx.add.f32.msk $0xffff, v7  }
0x485: {  	[tilespmem:v39+s4+$0x0] =	vst.idx.add.f32.msk $0xffff, v34  }
0x486: {  	s29 =	simm.s32 $0x17;
	v7 =	vld.idx.msk [tilespmem:v17+s7+$0x0], $0xffff  }
0x487: {  	v62 =	vadd.s32 s29, v1;
	v56 =	vld.idx.msk [tilespmem:v5+s7+$0x0], $0xffff  }
0x488: {  	[tilespmem:v8+s4+$0x0] =	vst.idx.add.f32.msk $0xffff, v18  }
0x489: {  	v16 =	vld.idx.msk [tilespmem:v55+s7+$0x0], $0xffff  }
0x48a: {  	v5 =	vld.idx.msk [tilespmem:v5+s6+$0x0], $0xffff  }
0x48b: {  	[tilespmem:v21+s4+$0x0] =	vst.idx.add.f32.msk $0xffff, v12  }
0x48c: {  	v8 =	vld.idx.msk [tilespmem:v62+s7+$0x0], $0xffff  }
0x48d: {  	[tilespmem:v15+s4+$0x0] =	vst.idx.add.f32.msk $0xffff, v23  }
0x48e: {  	[tilespmem:v35+s4+$0x0] =	vst.idx.add.f32.msk $0xffff, v19  }
0x48f: {  	[tilespmem:v56+s4+$0x0] =	vst.idx.add.f32.msk $0xffff, v5  }
0x490: {  	v5 =	vld.idx.msk [tilespmem:v61+s7+$0x0], $0xffff  }
0x491: {  	[tilespmem:v7+s4+$0x0] =	vst.idx.add.f32.msk $0xffff, v25  }
0x492: {  	v7 =	vld.idx.msk [tilespmem:v57+s7+$0x0], $0xffff  }
0x493: {  	[tilespmem:v30+s4+$0x0] =	vst.idx.add.f32.msk $0xffff, v37  }
0x494: {  	[tilespmem:v14+s4+$0x0] =	vst.idx.add.f32.msk $0xffff, v11  }
0x495: {  	[tilespmem:v10+s4+$0x0] =	vst.idx.add.f32.msk $0xffff, v20  }
0x496: {  	[tilespmem:v31+s4+$0x0] =	vst.idx.add.f32.msk $0xffff, v27  }
0x497: {  	[tilespmem:v6+s4+$0x0] =	vst.idx.add.f32.msk $0xffff, v9  }
0x498: {  	[tilespmem:v5+s4+$0x0] =	vst.idx.add.f32.msk $0xffff, v63  }
0x499: {  	v5 =	vld.idx.msk [tilespmem:v13+s7+$0x0], $0xffff  }
0x49a: {  	[tilespmem:v7+s4+$0x0] =	vst.idx.add.f32.msk $0xffff, v60  }
0x49b: {  	v7 =	vld.idx.msk [tilespmem:v62+s6+$0x0], $0xffff  }
0x49c: {  	[tilespmem:v58+s4+$0x0] =	vst.idx.add.f32.msk $0xffff, v54  }
0x49d: {  	[tilespmem:v36+s4+$0x0] =	vst.idx.add.f32.msk $0xffff, v40  }
0x49e: {  	[tilespmem:v33+s4+$0x0] =	vst.idx.add.f32.msk $0xffff, v38  }
0x49f: {  	[tilespmem:v16+s4+$0x0] =	vst.idx.add.f32.msk $0xffff, v59  }
0x4a0: {  	[tilespmem:v8+s4+$0x0] =	vst.idx.add.f32.msk $0xffff, v7  }
0x4a1: {  	s5 =	simm.s32 $0x19;
	[tilespmem:v5+s4+$0x0] =	vst.idx.add.f32.msk $0xffff, v22  }
.LBB2_17:
0x4a2: {  	s16 =	sadd.s32 $0x3, s5  }
0x4a3: {  	v6 =	vadd.s32 s5, v1;
	s24 =	sadd.s32 $0x7, s5;
	s25 =	sadd.s32 $0xE, s5;
	[tilespmem:v3+s4+$0x0] =	vst.idx.add.f32.msk $0xffff, v4;
	s14 =	smov.u32 s5  }
0x4a4: {  	s15 =	sadd.s32 $0x1, s5;
	s26 =	sadd.s32 $0x2, s5;
	v14 =	vadd.s32 s16, v1;
	v4 =	vadd.s32 s24, v1;
	v15 =	vadd.s32 s25, v1;
	s16 =	sadd.s32 $0x18, s5  }
0x4a5: {  	v16 =	vadd.s32 s26, v1;
	s24 =	sadd.s32 $0x12, s5;
	s25 =	sadd.s32 $0x14, s5;
	s26 =	sadd.s32 $0x16, s5;
	v10 =	vadd.s32 s16, v1  }
0x4a6: {  	p0 =	slt.u32 s5, $0x64;
	s5 =	sadd.s32 $0x19, s5;
	s16 =	sadd.s32 $0x4, s14;
	v11 =	vadd.s32 s24, v1;
	v7 =	vadd.s32 s25, v1  }
0x4a7: {  	v9 =	vadd.s32 s26, v1;
	v17 =	vadd.s32 s16, v1;
	s16 =	sadd.s32 $0x5, s14  }
0x4a8: {  	v18 =	vadd.s32 s16, v1;
	s16 =	sadd.s32 $0x6, s14;
	v5 =	vld.idx.msk [tilespmem:v6+s7+$0x0], $0xffff  }
0x4a9: {  	v19 =	vadd.s32 s16, v1;
	v6 =	vld.idx.msk [tilespmem:v6+s6+$0x0], $0xffff  }
0x4aa: {  	s16 =	sadd.s32 $0x8, s14;
	v8 =	vld.idx.msk [tilespmem:v10+s6+$0x0], $0xffff  }
0x4ab: {  	v20 =	vadd.s32 s16, v1;
	s16 =	sadd.s32 $0x9, s14;
	v3 =	vld.idx.msk [tilespmem:v4+s7+$0x0], $0xffff  }
0x4ac: {  	v21 =	vadd.s32 s16, v1;
	s16 =	sadd.s32 $0xA, s14;
	v10 =	vld.idx.msk [tilespmem:v10+s7+$0x0], $0xffff  }
0x4ad: {  	v23 =	vadd.s32 s16, v1;
	s16 =	sadd.s32 $0xB, s14;
	v22 =	vld.idx.msk [tilespmem:v18+s7+$0x0], $0xffff  }
0x4ae: {  	v25 =	vadd.s32 s16, v1;
	s16 =	sadd.s32 $0xC, s14;
	v24 =	vld.idx.msk [tilespmem:v17+s6+$0x0], $0xffff  }
0x4af: {  	v26 =	vadd.s32 s16, v1;
	s16 =	sadd.s32 $0xD, s14;
	v12 =	vld.idx.msk [tilespmem:v9+s6+$0x0], $0xffff  }
0x4b0: {  	v27 =	vadd.s32 s16, v1;
	v28 =	vld.idx.msk [tilespmem:v15+s7+$0x0], $0xffff  }
0x4b1: {  	v13 =	vld.idx.msk [tilespmem:v7+s6+$0x0], $0xffff  }
0x4b2: {  	s16 =	sadd.s32 $0xF, s14;
	v29 =	vld.idx.msk [tilespmem:v11+s6+$0x0], $0xffff  }
0x4b3: {  	v31 =	vadd.s32 s16, v1;
	v30 =	vld.idx.msk [tilespmem:v16+s6+$0x0], $0xffff  }
0x4b4: {  	v32 =	vld.idx.msk [tilespmem:v14+s7+$0x0], $0xffff  }
0x4b5: {  	v15 =	vld.idx.msk [tilespmem:v15+s6+$0x0], $0xffff  }
0x4b6: {  	v4 =	vld.idx.msk [tilespmem:v4+s6+$0x0], $0xffff  }
0x4b7: {  	v14 =	vld.idx.msk [tilespmem:v14+s6+$0x0], $0xffff  }
0x4b8: {  	v33 =	vld.idx.msk [tilespmem:v19+s7+$0x0], $0xffff  }
0x4b9: {  	v19 =	vld.idx.msk [tilespmem:v19+s6+$0x0], $0xffff  }
0x4ba: {  	v34 =	vld.idx.msk [tilespmem:v20+s7+$0x0], $0xffff  }
0x4bb: {  	v35 =	vld.idx.msk [tilespmem:v31+s6+$0x0], $0xffff  }
0x4bc: {  	v20 =	vld.idx.msk [tilespmem:v20+s6+$0x0], $0xffff  }
0x4bd: {  	v36 =	vld.idx.msk [tilespmem:v21+s7+$0x0], $0xffff  }
0x4be: {  	v37 =	vld.idx.msk [tilespmem:v27+s6+$0x0], $0xffff  }
0x4bf: {  	v21 =	vld.idx.msk [tilespmem:v21+s6+$0x0], $0xffff  }
0x4c0: {  	v31 =	vld.idx.msk [tilespmem:v31+s7+$0x0], $0xffff  }
0x4c1: {  	v38 =	vld.idx.msk [tilespmem:v23+s6+$0x0], $0xffff  }
0x4c2: {  	v39 =	vld.idx.msk [tilespmem:v25+s7+$0x0], $0xffff  }
0x4c3: {  	v40 =	vld.idx.msk [tilespmem:v26+s6+$0x0], $0xffff  }
0x4c4: {  	v23 =	vld.idx.msk [tilespmem:v23+s7+$0x0], $0xffff  }
0x4c5: {  	v27 =	vld.idx.msk [tilespmem:v27+s7+$0x0], $0xffff  }
0x4c6: {  	s16 =	sadd.s32 $0x11, s14;
	v26 =	vld.idx.msk [tilespmem:v26+s7+$0x0], $0xffff  }
0x4c7: {  	v41 =	vadd.s32 s16, v1;
	v25 =	vld.idx.msk [tilespmem:v25+s6+$0x0], $0xffff  }
0x4c8: {  	v18 =	vld.idx.msk [tilespmem:v18+s6+$0x0], $0xffff  }
0x4c9: {  	[tilespmem:v33+s4+$0x0] =	vst.idx.add.f32.msk $0xffff, v19  }
0x4ca: {  	v17 =	vld.idx.msk [tilespmem:v17+s7+$0x0], $0xffff  }
0x4cb: {  	s16 =	sadd.s32 $0x10, s14;
	[tilespmem:v32+s4+$0x0] =	vst.idx.add.f32.msk $0xffff, v14  }
0x4cc: {  	v14 =	vadd.s32 s16, v1;
	v19 =	vld.idx.msk [tilespmem:v41+s6+$0x0], $0xffff  }
0x4cd: {  	[tilespmem:v31+s4+$0x0] =	vst.idx.add.f32.msk $0xffff, v35  }
0x4ce: {  	[tilespmem:v22+s4+$0x0] =	vst.idx.add.f32.msk $0xffff, v18  }
0x4cf: {  	s16 =	sadd.s32 $0x13, s14;
	[tilespmem:v39+s4+$0x0] =	vst.idx.add.f32.msk $0xffff, v25  }
0x4d0: {  	v18 =	vadd.s32 s16, v1;
	v16 =	vld.idx.msk [tilespmem:v16+s7+$0x0], $0xffff  }
0x4d1: {  	s16 =	sadd.s32 $0x15, s14;
	v22 =	vld.idx.msk [tilespmem:v14+s7+$0x0], $0xffff  }
0x4d2: {  	[tilespmem:v17+s4+$0x0] =	vst.idx.add.f32.msk $0xffff, v24;
	v17 =	vadd.s32 s16, v1  }
0x4d3: {  	v24 =	vld.idx.msk [tilespmem:v41+s7+$0x0], $0xffff  }
0x4d4: {  	v14 =	vld.idx.msk [tilespmem:v14+s6+$0x0], $0xffff  }
0x4d5: {  	v25 =	vld.idx.msk [tilespmem:v18+s6+$0x0], $0xffff  }
0x4d6: {  	v18 =	vld.idx.msk [tilespmem:v18+s7+$0x0], $0xffff  }
0x4d7: {  	v31 =	vld.idx.msk [tilespmem:v17+s6+$0x0], $0xffff  }
0x4d8: {  	v32 =	vadd.s32 s15, v1;
	[tilespmem:v16+s4+$0x0] =	vst.idx.add.f32.msk $0xffff, v30  }
0x4d9: {  	v16 =	vld.idx.msk [tilespmem:v17+s7+$0x0], $0xffff  }
0x4da: {  	[tilespmem:v22+s4+$0x0] =	vst.idx.add.f32.msk $0xffff, v14  }
0x4db: {  	[tilespmem:v24+s4+$0x0] =	vst.idx.add.f32.msk $0xffff, v19  }
0x4dc: {  	s14 =	sadd.s32 $0x17, s14;
	[tilespmem:v28+s4+$0x0] =	vst.idx.add.f32.msk $0xffff, v15  }
0x4dd: {  	v15 =	vadd.s32 s14, v1;
	v14 =	vld.idx.msk [tilespmem:v32+s7+$0x0], $0xffff  }
0x4de: {  	[tilespmem:v18+s4+$0x0] =	vst.idx.add.f32.msk $0xffff, v25  }
0x4df: {  	v17 =	vld.idx.msk [tilespmem:v32+s6+$0x0], $0xffff  }
0x4e0: {  	v11 =	vld.idx.msk [tilespmem:v11+s7+$0x0], $0xffff  }
0x4e1: {  	[tilespmem:v16+s4+$0x0] =	vst.idx.add.f32.msk $0xffff, v31  }
0x4e2: {  	v16 =	vld.idx.msk [tilespmem:v15+s6+$0x0], $0xffff  }
0x4e3: {  	v15 =	vld.idx.msk [tilespmem:v15+s7+$0x0], $0xffff  }
0x4e4: {  	[tilespmem:v26+s4+$0x0] =	vst.idx.add.f32.msk $0xffff, v40  }
0x4e5: {  	[tilespmem:v14+s4+$0x0] =	vst.idx.add.f32.msk $0xffff, v17  }
0x4e6: {  	v7 =	vld.idx.msk [tilespmem:v7+s7+$0x0], $0xffff  }
0x4e7: {  	v9 =	vld.idx.msk [tilespmem:v9+s7+$0x0], $0xffff  }
0x4e8: {  	[tilespmem:v11+s4+$0x0] =	vst.idx.add.f32.msk $0xffff, v29  }
0x4e9: {  	[tilespmem:v36+s4+$0x0] =	vst.idx.add.f32.msk $0xffff, v21  }
0x4ea: {  	[tilespmem:v27+s4+$0x0] =	vst.idx.add.f32.msk $0xffff, v37  }
0x4eb: {  	[tilespmem:v15+s4+$0x0] =	vst.idx.add.f32.msk $0xffff, v16  }
0x4ec: {  	[tilespmem:v23+s4+$0x0] =	vst.idx.add.f32.msk $0xffff, v38  }
.Ltmp10:
0x4ed: {  	[tilespmem:v10+s4+$0x0] =	vst.idx.add.f32.msk $0xffff, v8;
	(pc) =	sbr.rel @p0 .LBB2_17-.Ltmp10, $4  }
0x4ee: {  	[tilespmem:v7+s4+$0x0] =	vst.idx.add.f32.msk $0xffff, v13  }
0x4ef: {  	[tilespmem:v9+s4+$0x0] =	vst.idx.add.f32.msk $0xffff, v12  }
0x4f0: {  	[tilespmem:v34+s4+$0x0] =	vst.idx.add.f32.msk $0xffff, v20  }
0x4f1: {  	[tilespmem:v5+s4+$0x0] =	vst.idx.add.f32.msk $0xffff, v6  }
0x4f2: {  	_ =	sdelay $0x3  }
0x4f3: {  	[tilespmem:v3+s4+$0x0] =	vst.idx.add.f32.msk $0xffff, v4  }
0x4f4: {  	s5 =	simm.s32 $0x0;
	_ =	swait.ge [sflag:s20], $0x7D0  }
0x4f5: {  	v3 =	vadd.s32 s5, v1;
	[sflag:s20] =	ssyncset.done $0x0  }
0x4f6: {  	s29 =	simm.s32 $0x18;
	[sflag:s20] =	ssyncadd.s32 $0xFFFFF830  }
0x4f7: {  	s14 =	simm.s32 $0x7;
	v4 =	vadd.s32 s29, v1;
	_ =	swait.ge [sflag:s21], $0x7D0  }
0x4f8: {  	v5 =	vadd.s32 s14, v1;
	[sflag:s21] =	ssyncset.done $0x0  }
0x4f9: {  	s15 =	simm.s32 $0x5;
	[sflag:s21] =	ssyncadd.s32 $0xFFFFF830  }
0x4fa: {  	s16 =	simm.s32 $0x4;
	v7 =	vadd.s32 s15, v1;
	v6 =	vld.idx.msk [tilespmem:v3+s9+$0x0], $0xffff  }
0x4fb: {  	s24 =	simm.s32 $0x16;
	v8 =	vadd.s32 s16, v1;
	v9 =	vld.idx.msk [tilespmem:v3+s8+$0x0], $0xffff  }
0x4fc: {  	s25 =	simm.s32 $0xE;
	v10 =	vadd.s32 s24, v1;
	v11 =	vld.idx.msk [tilespmem:v4+s8+$0x0], $0xffff  }
0x4fd: {  	s26 =	simm.s32 $0x14;
	v12 =	vadd.s32 s25, v1;
	v3 =	vld.idx.msk [tilespmem:v5+s9+$0x0], $0xffff  }
0x4fe: {  	s28 =	simm.s32 $0x12;
	v13 =	vadd.s32 s26, v1;
	v14 =	vld.idx.msk [tilespmem:v4+s9+$0x0], $0xffff  }
0x4ff: {  	s29 =	simm.s32 $0x2;
	v15 =	vadd.s32 s28, v1;
	v16 =	vld.idx.msk [tilespmem:v7+s9+$0x0], $0xffff  }
0x500: {  	s15 =	simm.s32 $0x3;
	v17 =	vadd.s32 s29, v1;
	v18 =	vld.idx.msk [tilespmem:v8+s8+$0x0], $0xffff  }
0x501: {  	v19 =	vadd.s32 s15, v1;
	v20 =	vld.idx.msk [tilespmem:v10+s8+$0x0], $0xffff  }
0x502: {  	v21 =	vld.idx.msk [tilespmem:v12+s9+$0x0], $0xffff  }
0x503: {  	v22 =	vld.idx.msk [tilespmem:v13+s8+$0x0], $0xffff  }
0x504: {  	s16 =	simm.s32 $0x6;
	v23 =	vld.idx.msk [tilespmem:v15+s8+$0x0], $0xffff  }
0x505: {  	v24 =	vadd.s32 s16, v1;
	v25 =	vld.idx.msk [tilespmem:v17+s8+$0x0], $0xffff  }
0x506: {  	s24 =	simm.s32 $0x8;
	v26 =	vld.idx.msk [tilespmem:v19+s9+$0x0], $0xffff  }
0x507: {  	s25 =	simm.s32 $0xF;
	v27 =	vadd.s32 s24, v1;
	v12 =	vld.idx.msk [tilespmem:v12+s8+$0x0], $0xffff  }
0x508: {  	v28 =	vadd.s32 s25, v1;
	v4 =	vld.idx.msk [tilespmem:v5+s8+$0x0], $0xffff  }
0x509: {  	s26 =	simm.s32 $0x9;
	v5 =	vld.idx.msk [tilespmem:v19+s8+$0x0], $0xffff  }
0x50a: {  	s28 =	simm.s32 $0xD;
	v53 =	vadd.s32 s26, v1;
	v29 =	vld.idx.msk [tilespmem:v24+s9+$0x0], $0xffff  }
0x50b: {  	v30 =	vadd.s32 s28, v1;
	v24 =	vld.idx.msk [tilespmem:v24+s8+$0x0], $0xffff  }
0x50c: {  	v31 =	vld.idx.msk [tilespmem:v27+s9+$0x0], $0xffff  }
0x50d: {  	s14 =	simm.s32 $0xB;
	v32 =	vld.idx.msk [tilespmem:v28+s8+$0x0], $0xffff  }
0x50e: {  	v34 =	vadd.s32 s14, v1;
	v27 =	vld.idx.msk [tilespmem:v27+s8+$0x0], $0xffff  }
0x50f: {  	v35 =	vld.idx.msk [tilespmem:v53+s9+$0x0], $0xffff  }
0x510: {  	v37 =	vld.idx.msk [tilespmem:v30+s8+$0x0], $0xffff  }
0x511: {  	v19 =	vld.idx.msk [tilespmem:v53+s8+$0x0], $0xffff  }
0x512: {  	v28 =	vld.idx.msk [tilespmem:v28+s9+$0x0], $0xffff  }
0x513: {  	v39 =	vld.idx.msk [tilespmem:v34+s9+$0x0], $0xffff  }
0x514: {  	s29 =	simm.s32 $0xA;
	v30 =	vld.idx.msk [tilespmem:v30+s9+$0x0], $0xffff  }
0x515: {  	s15 =	simm.s32 $0xC;
	v33 =	vadd.s32 s29, v1;
	v34 =	vld.idx.msk [tilespmem:v34+s8+$0x0], $0xffff  }
0x516: {  	v36 =	vadd.s32 s15, v1;
	v7 =	vld.idx.msk [tilespmem:v7+s8+$0x0], $0xffff  }
0x517: {  	v8 =	vld.idx.msk [tilespmem:v8+s9+$0x0], $0xffff  }
0x518: {  	s16 =	simm.s32 $0x11;
	v15 =	vld.idx.msk [tilespmem:v15+s9+$0x0], $0xffff  }
0x519: {  	v41 =	vadd.s32 s16, v1;
	v10 =	vld.idx.msk [tilespmem:v10+s9+$0x0], $0xffff  }
0x51a: {  	s25 =	simm.s32 $0x13;
	v38 =	vld.idx.msk [tilespmem:v33+s8+$0x0], $0xffff  }
0x51b: {  	s26 =	simm.s32 $0x15;
	v55 =	vadd.s32 s25, v1;
	v40 =	vld.idx.msk [tilespmem:v36+s8+$0x0], $0xffff  }
0x51c: {  	s28 =	simm.s32 $0x1;
	v57 =	vadd.s32 s26, v1;
	v33 =	vld.idx.msk [tilespmem:v33+s9+$0x0], $0xffff  }
0x51d: {  	v61 =	vadd.s32 s28, v1;
	v36 =	vld.idx.msk [tilespmem:v36+s9+$0x0], $0xffff  }
0x51e: {  	v54 =	vld.idx.msk [tilespmem:v41+s8+$0x0], $0xffff  }
0x51f: {  	v58 =	vld.idx.msk [tilespmem:v41+s9+$0x0], $0xffff  }
0x520: {  	v59 =	vld.idx.msk [tilespmem:v55+s8+$0x0], $0xffff  }
0x521: {  	v60 =	vld.idx.msk [tilespmem:v57+s8+$0x0], $0xffff  }
0x522: {  	v63 =	vld.idx.msk [tilespmem:v61+s8+$0x0], $0xffff  }
0x523: {  	s24 =	simm.s32 $0x10;
	[tilespmem:v29+s4+$0x0] =	vst.idx.add.f32.msk $0xffff, v24  }
0x524: {  	[tilespmem:v26+s4+$0x0] =	vst.idx.add.f32.msk $0xffff, v5;
	v5 =	vadd.s32 s24, v1  }
0x525: {  	[tilespmem:v28+s4+$0x0] =	vst.idx.add.f32.msk $0xffff, v32  }
0x526: {  	[tilespmem:v16+s4+$0x0] =	vst.idx.add.f32.msk $0xffff, v7  }
0x527: {  	[tilespmem:v39+s4+$0x0] =	vst.idx.add.f32.msk $0xffff, v34  }
0x528: {  	s29 =	simm.s32 $0x17;
	v7 =	vld.idx.msk [tilespmem:v17+s9+$0x0], $0xffff  }
0x529: {  	v62 =	vadd.s32 s29, v1;
	v56 =	vld.idx.msk [tilespmem:v5+s9+$0x0], $0xffff  }
0x52a: {  	[tilespmem:v8+s4+$0x0] =	vst.idx.add.f32.msk $0xffff, v18  }
0x52b: {  	v16 =	vld.idx.msk [tilespmem:v55+s9+$0x0], $0xffff  }
0x52c: {  	v5 =	vld.idx.msk [tilespmem:v5+s8+$0x0], $0xffff  }
0x52d: {  	[tilespmem:v21+s4+$0x0] =	vst.idx.add.f32.msk $0xffff, v12  }
0x52e: {  	v8 =	vld.idx.msk [tilespmem:v62+s9+$0x0], $0xffff  }
0x52f: {  	[tilespmem:v15+s4+$0x0] =	vst.idx.add.f32.msk $0xffff, v23  }
0x530: {  	[tilespmem:v35+s4+$0x0] =	vst.idx.add.f32.msk $0xffff, v19  }
0x531: {  	[tilespmem:v56+s4+$0x0] =	vst.idx.add.f32.msk $0xffff, v5  }
0x532: {  	v5 =	vld.idx.msk [tilespmem:v61+s9+$0x0], $0xffff  }
0x533: {  	[tilespmem:v7+s4+$0x0] =	vst.idx.add.f32.msk $0xffff, v25  }
0x534: {  	v7 =	vld.idx.msk [tilespmem:v57+s9+$0x0], $0xffff  }
0x535: {  	[tilespmem:v30+s4+$0x0] =	vst.idx.add.f32.msk $0xffff, v37  }
0x536: {  	[tilespmem:v14+s4+$0x0] =	vst.idx.add.f32.msk $0xffff, v11  }
0x537: {  	[tilespmem:v10+s4+$0x0] =	vst.idx.add.f32.msk $0xffff, v20  }
0x538: {  	[tilespmem:v31+s4+$0x0] =	vst.idx.add.f32.msk $0xffff, v27  }
0x539: {  	[tilespmem:v6+s4+$0x0] =	vst.idx.add.f32.msk $0xffff, v9  }
0x53a: {  	[tilespmem:v5+s4+$0x0] =	vst.idx.add.f32.msk $0xffff, v63  }
0x53b: {  	v5 =	vld.idx.msk [tilespmem:v13+s9+$0x0], $0xffff  }
0x53c: {  	[tilespmem:v7+s4+$0x0] =	vst.idx.add.f32.msk $0xffff, v60  }
0x53d: {  	v7 =	vld.idx.msk [tilespmem:v62+s8+$0x0], $0xffff  }
0x53e: {  	[tilespmem:v58+s4+$0x0] =	vst.idx.add.f32.msk $0xffff, v54  }
0x53f: {  	[tilespmem:v36+s4+$0x0] =	vst.idx.add.f32.msk $0xffff, v40  }
0x540: {  	[tilespmem:v33+s4+$0x0] =	vst.idx.add.f32.msk $0xffff, v38  }
0x541: {  	[tilespmem:v16+s4+$0x0] =	vst.idx.add.f32.msk $0xffff, v59  }
0x542: {  	[tilespmem:v8+s4+$0x0] =	vst.idx.add.f32.msk $0xffff, v7  }
0x543: {  	s5 =	simm.s32 $0x19;
	[tilespmem:v5+s4+$0x0] =	vst.idx.add.f32.msk $0xffff, v22  }
.LBB2_19:
0x544: {  	s16 =	sadd.s32 $0x3, s5  }
0x545: {  	v6 =	vadd.s32 s5, v1;
	s24 =	sadd.s32 $0x7, s5;
	s25 =	sadd.s32 $0xE, s5;
	[tilespmem:v3+s4+$0x0] =	vst.idx.add.f32.msk $0xffff, v4;
	s14 =	smov.u32 s5  }
0x546: {  	s15 =	sadd.s32 $0x1, s5;
	s26 =	sadd.s32 $0x2, s5;
	v14 =	vadd.s32 s16, v1;
	v4 =	vadd.s32 s24, v1;
	v15 =	vadd.s32 s25, v1;
	s16 =	sadd.s32 $0x18, s5  }
0x547: {  	v16 =	vadd.s32 s26, v1;
	s24 =	sadd.s32 $0x12, s5;
	s25 =	sadd.s32 $0x14, s5;
	s26 =	sadd.s32 $0x16, s5;
	v10 =	vadd.s32 s16, v1  }
0x548: {  	p0 =	slt.u32 s5, $0x64;
	s5 =	sadd.s32 $0x19, s5;
	s16 =	sadd.s32 $0x4, s14;
	v11 =	vadd.s32 s24, v1;
	v7 =	vadd.s32 s25, v1  }
0x549: {  	v9 =	vadd.s32 s26, v1;
	v17 =	vadd.s32 s16, v1;
	s16 =	sadd.s32 $0x5, s14  }
0x54a: {  	v18 =	vadd.s32 s16, v1;
	s16 =	sadd.s32 $0x6, s14;
	v5 =	vld.idx.msk [tilespmem:v6+s9+$0x0], $0xffff  }
0x54b: {  	v19 =	vadd.s32 s16, v1;
	v6 =	vld.idx.msk [tilespmem:v6+s8+$0x0], $0xffff  }
0x54c: {  	s16 =	sadd.s32 $0x8, s14;
	v8 =	vld.idx.msk [tilespmem:v10+s8+$0x0], $0xffff  }
0x54d: {  	v20 =	vadd.s32 s16, v1;
	s16 =	sadd.s32 $0x9, s14;
	v3 =	vld.idx.msk [tilespmem:v4+s9+$0x0], $0xffff  }
0x54e: {  	v21 =	vadd.s32 s16, v1;
	s16 =	sadd.s32 $0xA, s14;
	v10 =	vld.idx.msk [tilespmem:v10+s9+$0x0], $0xffff  }
0x54f: {  	v23 =	vadd.s32 s16, v1;
	s16 =	sadd.s32 $0xB, s14;
	v22 =	vld.idx.msk [tilespmem:v18+s9+$0x0], $0xffff  }
0x550: {  	v25 =	vadd.s32 s16, v1;
	s16 =	sadd.s32 $0xC, s14;
	v24 =	vld.idx.msk [tilespmem:v17+s8+$0x0], $0xffff  }
0x551: {  	v26 =	vadd.s32 s16, v1;
	s16 =	sadd.s32 $0xD, s14;
	v12 =	vld.idx.msk [tilespmem:v9+s8+$0x0], $0xffff  }
0x552: {  	v27 =	vadd.s32 s16, v1;
	v28 =	vld.idx.msk [tilespmem:v15+s9+$0x0], $0xffff  }
0x553: {  	v13 =	vld.idx.msk [tilespmem:v7+s8+$0x0], $0xffff  }
0x554: {  	s16 =	sadd.s32 $0xF, s14;
	v29 =	vld.idx.msk [tilespmem:v11+s8+$0x0], $0xffff  }
0x555: {  	v31 =	vadd.s32 s16, v1;
	v30 =	vld.idx.msk [tilespmem:v16+s8+$0x0], $0xffff  }
0x556: {  	v32 =	vld.idx.msk [tilespmem:v14+s9+$0x0], $0xffff  }
0x557: {  	v15 =	vld.idx.msk [tilespmem:v15+s8+$0x0], $0xffff  }
0x558: {  	v4 =	vld.idx.msk [tilespmem:v4+s8+$0x0], $0xffff  }
0x559: {  	v14 =	vld.idx.msk [tilespmem:v14+s8+$0x0], $0xffff  }
0x55a: {  	v33 =	vld.idx.msk [tilespmem:v19+s9+$0x0], $0xffff  }
0x55b: {  	v19 =	vld.idx.msk [tilespmem:v19+s8+$0x0], $0xffff  }
0x55c: {  	v34 =	vld.idx.msk [tilespmem:v20+s9+$0x0], $0xffff  }
0x55d: {  	v35 =	vld.idx.msk [tilespmem:v31+s8+$0x0], $0xffff  }
0x55e: {  	v20 =	vld.idx.msk [tilespmem:v20+s8+$0x0], $0xffff  }
0x55f: {  	v36 =	vld.idx.msk [tilespmem:v21+s9+$0x0], $0xffff  }
0x560: {  	v37 =	vld.idx.msk [tilespmem:v27+s8+$0x0], $0xffff  }
0x561: {  	v21 =	vld.idx.msk [tilespmem:v21+s8+$0x0], $0xffff  }
0x562: {  	v31 =	vld.idx.msk [tilespmem:v31+s9+$0x0], $0xffff  }
0x563: {  	v38 =	vld.idx.msk [tilespmem:v23+s8+$0x0], $0xffff  }
0x564: {  	v39 =	vld.idx.msk [tilespmem:v25+s9+$0x0], $0xffff  }
0x565: {  	v40 =	vld.idx.msk [tilespmem:v26+s8+$0x0], $0xffff  }
0x566: {  	v23 =	vld.idx.msk [tilespmem:v23+s9+$0x0], $0xffff  }
0x567: {  	v27 =	vld.idx.msk [tilespmem:v27+s9+$0x0], $0xffff  }
0x568: {  	s16 =	sadd.s32 $0x11, s14;
	v26 =	vld.idx.msk [tilespmem:v26+s9+$0x0], $0xffff  }
0x569: {  	v41 =	vadd.s32 s16, v1;
	v25 =	vld.idx.msk [tilespmem:v25+s8+$0x0], $0xffff  }
0x56a: {  	v18 =	vld.idx.msk [tilespmem:v18+s8+$0x0], $0xffff  }
0x56b: {  	[tilespmem:v33+s4+$0x0] =	vst.idx.add.f32.msk $0xffff, v19  }
0x56c: {  	v17 =	vld.idx.msk [tilespmem:v17+s9+$0x0], $0xffff  }
0x56d: {  	s16 =	sadd.s32 $0x10, s14;
	[tilespmem:v32+s4+$0x0] =	vst.idx.add.f32.msk $0xffff, v14  }
0x56e: {  	v14 =	vadd.s32 s16, v1;
	v19 =	vld.idx.msk [tilespmem:v41+s8+$0x0], $0xffff  }
0x56f: {  	[tilespmem:v31+s4+$0x0] =	vst.idx.add.f32.msk $0xffff, v35  }
0x570: {  	[tilespmem:v22+s4+$0x0] =	vst.idx.add.f32.msk $0xffff, v18  }
0x571: {  	s16 =	sadd.s32 $0x13, s14;
	[tilespmem:v39+s4+$0x0] =	vst.idx.add.f32.msk $0xffff, v25  }
0x572: {  	v18 =	vadd.s32 s16, v1;
	v16 =	vld.idx.msk [tilespmem:v16+s9+$0x0], $0xffff  }
0x573: {  	s16 =	sadd.s32 $0x15, s14;
	v22 =	vld.idx.msk [tilespmem:v14+s9+$0x0], $0xffff  }
0x574: {  	[tilespmem:v17+s4+$0x0] =	vst.idx.add.f32.msk $0xffff, v24;
	v17 =	vadd.s32 s16, v1  }
0x575: {  	v24 =	vld.idx.msk [tilespmem:v41+s9+$0x0], $0xffff  }
0x576: {  	v14 =	vld.idx.msk [tilespmem:v14+s8+$0x0], $0xffff  }
0x577: {  	v25 =	vld.idx.msk [tilespmem:v18+s8+$0x0], $0xffff  }
0x578: {  	v18 =	vld.idx.msk [tilespmem:v18+s9+$0x0], $0xffff  }
0x579: {  	v31 =	vld.idx.msk [tilespmem:v17+s8+$0x0], $0xffff  }
0x57a: {  	v32 =	vadd.s32 s15, v1;
	[tilespmem:v16+s4+$0x0] =	vst.idx.add.f32.msk $0xffff, v30  }
0x57b: {  	v16 =	vld.idx.msk [tilespmem:v17+s9+$0x0], $0xffff  }
0x57c: {  	[tilespmem:v22+s4+$0x0] =	vst.idx.add.f32.msk $0xffff, v14  }
0x57d: {  	[tilespmem:v24+s4+$0x0] =	vst.idx.add.f32.msk $0xffff, v19  }
0x57e: {  	s14 =	sadd.s32 $0x17, s14;
	[tilespmem:v28+s4+$0x0] =	vst.idx.add.f32.msk $0xffff, v15  }
0x57f: {  	v15 =	vadd.s32 s14, v1;
	v14 =	vld.idx.msk [tilespmem:v32+s9+$0x0], $0xffff  }
0x580: {  	[tilespmem:v18+s4+$0x0] =	vst.idx.add.f32.msk $0xffff, v25  }
0x581: {  	v17 =	vld.idx.msk [tilespmem:v32+s8+$0x0], $0xffff  }
0x582: {  	v11 =	vld.idx.msk [tilespmem:v11+s9+$0x0], $0xffff  }
0x583: {  	[tilespmem:v16+s4+$0x0] =	vst.idx.add.f32.msk $0xffff, v31  }
0x584: {  	v16 =	vld.idx.msk [tilespmem:v15+s8+$0x0], $0xffff  }
0x585: {  	v15 =	vld.idx.msk [tilespmem:v15+s9+$0x0], $0xffff  }
0x586: {  	[tilespmem:v26+s4+$0x0] =	vst.idx.add.f32.msk $0xffff, v40  }
0x587: {  	[tilespmem:v14+s4+$0x0] =	vst.idx.add.f32.msk $0xffff, v17  }
0x588: {  	v7 =	vld.idx.msk [tilespmem:v7+s9+$0x0], $0xffff  }
0x589: {  	v9 =	vld.idx.msk [tilespmem:v9+s9+$0x0], $0xffff  }
0x58a: {  	[tilespmem:v11+s4+$0x0] =	vst.idx.add.f32.msk $0xffff, v29  }
0x58b: {  	[tilespmem:v36+s4+$0x0] =	vst.idx.add.f32.msk $0xffff, v21  }
0x58c: {  	[tilespmem:v27+s4+$0x0] =	vst.idx.add.f32.msk $0xffff, v37  }
0x58d: {  	[tilespmem:v15+s4+$0x0] =	vst.idx.add.f32.msk $0xffff, v16  }
0x58e: {  	[tilespmem:v23+s4+$0x0] =	vst.idx.add.f32.msk $0xffff, v38  }
.Ltmp11:
0x58f: {  	[tilespmem:v10+s4+$0x0] =	vst.idx.add.f32.msk $0xffff, v8;
	(pc) =	sbr.rel @p0 .LBB2_19-.Ltmp11, $4  }
0x590: {  	[tilespmem:v7+s4+$0x0] =	vst.idx.add.f32.msk $0xffff, v13  }
0x591: {  	[tilespmem:v9+s4+$0x0] =	vst.idx.add.f32.msk $0xffff, v12  }
0x592: {  	[tilespmem:v34+s4+$0x0] =	vst.idx.add.f32.msk $0xffff, v20  }
0x593: {  	[tilespmem:v5+s4+$0x0] =	vst.idx.add.f32.msk $0xffff, v6  }
0x594: {  	_ =	sdelay $0x3  }
0x595: {  	[tilespmem:v3+s4+$0x0] =	vst.idx.add.f32.msk $0xffff, v4  }
0x596: {  	s5 =	simm.s32 $0x0;
	_ =	swait.ge [sflag:s22], $0x7D0  }
0x597: {  	v3 =	vadd.s32 s5, v1;
	[sflag:s22] =	ssyncset.done $0x0  }
0x598: {  	s29 =	simm.s32 $0x18;
	[sflag:s22] =	ssyncadd.s32 $0xFFFFF830  }
0x599: {  	s14 =	simm.s32 $0x7;
	v4 =	vadd.s32 s29, v1;
	_ =	swait.ge [sflag:s23], $0x7D0  }
0x59a: {  	v5 =	vadd.s32 s14, v1;
	[sflag:s23] =	ssyncset.done $0x0  }
0x59b: {  	s15 =	simm.s32 $0x5;
	[sflag:s23] =	ssyncadd.s32 $0xFFFFF830  }
0x59c: {  	s16 =	simm.s32 $0x4;
	v7 =	vadd.s32 s15, v1;
	v6 =	vld.idx.msk [tilespmem:v3+s11+$0x0], $0xffff  }
0x59d: {  	s24 =	simm.s32 $0x16;
	v8 =	vadd.s32 s16, v1;
	v9 =	vld.idx.msk [tilespmem:v3+s10+$0x0], $0xffff  }
0x59e: {  	s25 =	simm.s32 $0xE;
	v10 =	vadd.s32 s24, v1;
	v11 =	vld.idx.msk [tilespmem:v4+s10+$0x0], $0xffff  }
0x59f: {  	s26 =	simm.s32 $0x14;
	v12 =	vadd.s32 s25, v1;
	v3 =	vld.idx.msk [tilespmem:v5+s11+$0x0], $0xffff  }
0x5a0: {  	s28 =	simm.s32 $0x12;
	v13 =	vadd.s32 s26, v1;
	v14 =	vld.idx.msk [tilespmem:v4+s11+$0x0], $0xffff  }
0x5a1: {  	s29 =	simm.s32 $0x2;
	v15 =	vadd.s32 s28, v1;
	v16 =	vld.idx.msk [tilespmem:v7+s11+$0x0], $0xffff  }
0x5a2: {  	s15 =	simm.s32 $0x3;
	v17 =	vadd.s32 s29, v1;
	v18 =	vld.idx.msk [tilespmem:v8+s10+$0x0], $0xffff  }
0x5a3: {  	v19 =	vadd.s32 s15, v1;
	v20 =	vld.idx.msk [tilespmem:v10+s10+$0x0], $0xffff  }
0x5a4: {  	v21 =	vld.idx.msk [tilespmem:v12+s11+$0x0], $0xffff  }
0x5a5: {  	v22 =	vld.idx.msk [tilespmem:v13+s10+$0x0], $0xffff  }
0x5a6: {  	s16 =	simm.s32 $0x6;
	v23 =	vld.idx.msk [tilespmem:v15+s10+$0x0], $0xffff  }
0x5a7: {  	v24 =	vadd.s32 s16, v1;
	v25 =	vld.idx.msk [tilespmem:v17+s10+$0x0], $0xffff  }
0x5a8: {  	s24 =	simm.s32 $0x8;
	v26 =	vld.idx.msk [tilespmem:v19+s11+$0x0], $0xffff  }
0x5a9: {  	s25 =	simm.s32 $0xF;
	v27 =	vadd.s32 s24, v1;
	v12 =	vld.idx.msk [tilespmem:v12+s10+$0x0], $0xffff  }
0x5aa: {  	v28 =	vadd.s32 s25, v1;
	v4 =	vld.idx.msk [tilespmem:v5+s10+$0x0], $0xffff  }
0x5ab: {  	s26 =	simm.s32 $0x9;
	v5 =	vld.idx.msk [tilespmem:v19+s10+$0x0], $0xffff  }
0x5ac: {  	s28 =	simm.s32 $0xD;
	v53 =	vadd.s32 s26, v1;
	v29 =	vld.idx.msk [tilespmem:v24+s11+$0x0], $0xffff  }
0x5ad: {  	v30 =	vadd.s32 s28, v1;
	v24 =	vld.idx.msk [tilespmem:v24+s10+$0x0], $0xffff  }
0x5ae: {  	v31 =	vld.idx.msk [tilespmem:v27+s11+$0x0], $0xffff  }
0x5af: {  	s14 =	simm.s32 $0xB;
	v32 =	vld.idx.msk [tilespmem:v28+s10+$0x0], $0xffff  }
0x5b0: {  	v34 =	vadd.s32 s14, v1;
	v27 =	vld.idx.msk [tilespmem:v27+s10+$0x0], $0xffff  }
0x5b1: {  	v35 =	vld.idx.msk [tilespmem:v53+s11+$0x0], $0xffff  }
0x5b2: {  	v37 =	vld.idx.msk [tilespmem:v30+s10+$0x0], $0xffff  }
0x5b3: {  	v19 =	vld.idx.msk [tilespmem:v53+s10+$0x0], $0xffff  }
0x5b4: {  	v28 =	vld.idx.msk [tilespmem:v28+s11+$0x0], $0xffff  }
0x5b5: {  	v39 =	vld.idx.msk [tilespmem:v34+s11+$0x0], $0xffff  }
0x5b6: {  	s29 =	simm.s32 $0xA;
	v30 =	vld.idx.msk [tilespmem:v30+s11+$0x0], $0xffff  }
0x5b7: {  	s15 =	simm.s32 $0xC;
	v33 =	vadd.s32 s29, v1;
	v34 =	vld.idx.msk [tilespmem:v34+s10+$0x0], $0xffff  }
0x5b8: {  	v36 =	vadd.s32 s15, v1;
	v7 =	vld.idx.msk [tilespmem:v7+s10+$0x0], $0xffff  }
0x5b9: {  	v8 =	vld.idx.msk [tilespmem:v8+s11+$0x0], $0xffff  }
0x5ba: {  	s16 =	simm.s32 $0x11;
	v15 =	vld.idx.msk [tilespmem:v15+s11+$0x0], $0xffff  }
0x5bb: {  	v41 =	vadd.s32 s16, v1;
	v10 =	vld.idx.msk [tilespmem:v10+s11+$0x0], $0xffff  }
0x5bc: {  	s25 =	simm.s32 $0x13;
	v38 =	vld.idx.msk [tilespmem:v33+s10+$0x0], $0xffff  }
0x5bd: {  	s26 =	simm.s32 $0x15;
	v55 =	vadd.s32 s25, v1;
	v40 =	vld.idx.msk [tilespmem:v36+s10+$0x0], $0xffff  }
0x5be: {  	s28 =	simm.s32 $0x1;
	v57 =	vadd.s32 s26, v1;
	v33 =	vld.idx.msk [tilespmem:v33+s11+$0x0], $0xffff  }
0x5bf: {  	v61 =	vadd.s32 s28, v1;
	v36 =	vld.idx.msk [tilespmem:v36+s11+$0x0], $0xffff  }
0x5c0: {  	v54 =	vld.idx.msk [tilespmem:v41+s10+$0x0], $0xffff  }
0x5c1: {  	v58 =	vld.idx.msk [tilespmem:v41+s11+$0x0], $0xffff  }
0x5c2: {  	v59 =	vld.idx.msk [tilespmem:v55+s10+$0x0], $0xffff  }
0x5c3: {  	v60 =	vld.idx.msk [tilespmem:v57+s10+$0x0], $0xffff  }
0x5c4: {  	v63 =	vld.idx.msk [tilespmem:v61+s10+$0x0], $0xffff  }
0x5c5: {  	s24 =	simm.s32 $0x10;
	[tilespmem:v29+s4+$0x0] =	vst.idx.add.f32.msk $0xffff, v24  }
0x5c6: {  	[tilespmem:v26+s4+$0x0] =	vst.idx.add.f32.msk $0xffff, v5;
	v5 =	vadd.s32 s24, v1  }
0x5c7: {  	[tilespmem:v28+s4+$0x0] =	vst.idx.add.f32.msk $0xffff, v32  }
0x5c8: {  	[tilespmem:v16+s4+$0x0] =	vst.idx.add.f32.msk $0xffff, v7  }
0x5c9: {  	[tilespmem:v39+s4+$0x0] =	vst.idx.add.f32.msk $0xffff, v34  }
0x5ca: {  	s29 =	simm.s32 $0x17;
	v7 =	vld.idx.msk [tilespmem:v17+s11+$0x0], $0xffff  }
0x5cb: {  	v62 =	vadd.s32 s29, v1;
	v56 =	vld.idx.msk [tilespmem:v5+s11+$0x0], $0xffff  }
0x5cc: {  	[tilespmem:v8+s4+$0x0] =	vst.idx.add.f32.msk $0xffff, v18  }
0x5cd: {  	v16 =	vld.idx.msk [tilespmem:v55+s11+$0x0], $0xffff  }
0x5ce: {  	v5 =	vld.idx.msk [tilespmem:v5+s10+$0x0], $0xffff  }
0x5cf: {  	[tilespmem:v21+s4+$0x0] =	vst.idx.add.f32.msk $0xffff, v12  }
0x5d0: {  	v8 =	vld.idx.msk [tilespmem:v62+s11+$0x0], $0xffff  }
0x5d1: {  	[tilespmem:v15+s4+$0x0] =	vst.idx.add.f32.msk $0xffff, v23  }
0x5d2: {  	[tilespmem:v35+s4+$0x0] =	vst.idx.add.f32.msk $0xffff, v19  }
0x5d3: {  	[tilespmem:v56+s4+$0x0] =	vst.idx.add.f32.msk $0xffff, v5  }
0x5d4: {  	v5 =	vld.idx.msk [tilespmem:v61+s11+$0x0], $0xffff  }
0x5d5: {  	[tilespmem:v7+s4+$0x0] =	vst.idx.add.f32.msk $0xffff, v25  }
0x5d6: {  	v7 =	vld.idx.msk [tilespmem:v57+s11+$0x0], $0xffff  }
0x5d7: {  	[tilespmem:v30+s4+$0x0] =	vst.idx.add.f32.msk $0xffff, v37  }
0x5d8: {  	[tilespmem:v14+s4+$0x0] =	vst.idx.add.f32.msk $0xffff, v11  }
0x5d9: {  	[tilespmem:v10+s4+$0x0] =	vst.idx.add.f32.msk $0xffff, v20  }
0x5da: {  	[tilespmem:v31+s4+$0x0] =	vst.idx.add.f32.msk $0xffff, v27  }
0x5db: {  	[tilespmem:v6+s4+$0x0] =	vst.idx.add.f32.msk $0xffff, v9  }
0x5dc: {  	[tilespmem:v5+s4+$0x0] =	vst.idx.add.f32.msk $0xffff, v63  }
0x5dd: {  	v5 =	vld.idx.msk [tilespmem:v13+s11+$0x0], $0xffff  }
0x5de: {  	[tilespmem:v7+s4+$0x0] =	vst.idx.add.f32.msk $0xffff, v60  }
0x5df: {  	v7 =	vld.idx.msk [tilespmem:v62+s10+$0x0], $0xffff  }
0x5e0: {  	[tilespmem:v58+s4+$0x0] =	vst.idx.add.f32.msk $0xffff, v54  }
0x5e1: {  	[tilespmem:v36+s4+$0x0] =	vst.idx.add.f32.msk $0xffff, v40  }
0x5e2: {  	[tilespmem:v33+s4+$0x0] =	vst.idx.add.f32.msk $0xffff, v38  }
0x5e3: {  	[tilespmem:v16+s4+$0x0] =	vst.idx.add.f32.msk $0xffff, v59  }
0x5e4: {  	[tilespmem:v8+s4+$0x0] =	vst.idx.add.f32.msk $0xffff, v7  }
0x5e5: {  	s5 =	simm.s32 $0x19;
	[tilespmem:v5+s4+$0x0] =	vst.idx.add.f32.msk $0xffff, v22  }
.LBB2_21:
0x5e6: {  	s16 =	sadd.s32 $0x3, s5  }
0x5e7: {  	v6 =	vadd.s32 s5, v1;
	s24 =	sadd.s32 $0x7, s5;
	s25 =	sadd.s32 $0xE, s5;
	[tilespmem:v3+s4+$0x0] =	vst.idx.add.f32.msk $0xffff, v4;
	s14 =	smov.u32 s5  }
0x5e8: {  	s15 =	sadd.s32 $0x1, s5;
	s26 =	sadd.s32 $0x2, s5;
	v14 =	vadd.s32 s16, v1;
	v4 =	vadd.s32 s24, v1;
	v15 =	vadd.s32 s25, v1;
	s16 =	sadd.s32 $0x18, s5  }
0x5e9: {  	v16 =	vadd.s32 s26, v1;
	s24 =	sadd.s32 $0x12, s5;
	s25 =	sadd.s32 $0x14, s5;
	s26 =	sadd.s32 $0x16, s5;
	v10 =	vadd.s32 s16, v1  }
0x5ea: {  	p0 =	slt.u32 s5, $0x64;
	s5 =	sadd.s32 $0x19, s5;
	s16 =	sadd.s32 $0x4, s14;
	v11 =	vadd.s32 s24, v1;
	v7 =	vadd.s32 s25, v1  }
0x5eb: {  	v9 =	vadd.s32 s26, v1;
	v17 =	vadd.s32 s16, v1;
	s16 =	sadd.s32 $0x5, s14  }
0x5ec: {  	v18 =	vadd.s32 s16, v1;
	s16 =	sadd.s32 $0x6, s14;
	v5 =	vld.idx.msk [tilespmem:v6+s11+$0x0], $0xffff  }
0x5ed: {  	v19 =	vadd.s32 s16, v1;
	v6 =	vld.idx.msk [tilespmem:v6+s10+$0x0], $0xffff  }
0x5ee: {  	s16 =	sadd.s32 $0x8, s14;
	v8 =	vld.idx.msk [tilespmem:v10+s10+$0x0], $0xffff  }
0x5ef: {  	v20 =	vadd.s32 s16, v1;
	s16 =	sadd.s32 $0x9, s14;
	v3 =	vld.idx.msk [tilespmem:v4+s11+$0x0], $0xffff  }
0x5f0: {  	v21 =	vadd.s32 s16, v1;
	s16 =	sadd.s32 $0xA, s14;
	v10 =	vld.idx.msk [tilespmem:v10+s11+$0x0], $0xffff  }
0x5f1: {  	v23 =	vadd.s32 s16, v1;
	s16 =	sadd.s32 $0xB, s14;
	v22 =	vld.idx.msk [tilespmem:v18+s11+$0x0], $0xffff  }
0x5f2: {  	v25 =	vadd.s32 s16, v1;
	s16 =	sadd.s32 $0xC, s14;
	v24 =	vld.idx.msk [tilespmem:v17+s10+$0x0], $0xffff  }
0x5f3: {  	v26 =	vadd.s32 s16, v1;
	s16 =	sadd.s32 $0xD, s14;
	v12 =	vld.idx.msk [tilespmem:v9+s10+$0x0], $0xffff  }
0x5f4: {  	v27 =	vadd.s32 s16, v1;
	v28 =	vld.idx.msk [tilespmem:v15+s11+$0x0], $0xffff  }
0x5f5: {  	v13 =	vld.idx.msk [tilespmem:v7+s10+$0x0], $0xffff  }
0x5f6: {  	s16 =	sadd.s32 $0xF, s14;
	v29 =	vld.idx.msk [tilespmem:v11+s10+$0x0], $0xffff  }
0x5f7: {  	v31 =	vadd.s32 s16, v1;
	v30 =	vld.idx.msk [tilespmem:v16+s10+$0x0], $0xffff  }
0x5f8: {  	v32 =	vld.idx.msk [tilespmem:v14+s11+$0x0], $0xffff  }
0x5f9: {  	v15 =	vld.idx.msk [tilespmem:v15+s10+$0x0], $0xffff  }
0x5fa: {  	v4 =	vld.idx.msk [tilespmem:v4+s10+$0x0], $0xffff  }
0x5fb: {  	v14 =	vld.idx.msk [tilespmem:v14+s10+$0x0], $0xffff  }
0x5fc: {  	v33 =	vld.idx.msk [tilespmem:v19+s11+$0x0], $0xffff  }
0x5fd: {  	v19 =	vld.idx.msk [tilespmem:v19+s10+$0x0], $0xffff  }
0x5fe: {  	v34 =	vld.idx.msk [tilespmem:v20+s11+$0x0], $0xffff  }
0x5ff: {  	v35 =	vld.idx.msk [tilespmem:v31+s10+$0x0], $0xffff  }
0x600: {  	v20 =	vld.idx.msk [tilespmem:v20+s10+$0x0], $0xffff  }
0x601: {  	v36 =	vld.idx.msk [tilespmem:v21+s11+$0x0], $0xffff  }
0x602: {  	v37 =	vld.idx.msk [tilespmem:v27+s10+$0x0], $0xffff  }
0x603: {  	v21 =	vld.idx.msk [tilespmem:v21+s10+$0x0], $0xffff  }
0x604: {  	v31 =	vld.idx.msk [tilespmem:v31+s11+$0x0], $0xffff  }
0x605: {  	v38 =	vld.idx.msk [tilespmem:v23+s10+$0x0], $0xffff  }
0x606: {  	v39 =	vld.idx.msk [tilespmem:v25+s11+$0x0], $0xffff  }
0x607: {  	v40 =	vld.idx.msk [tilespmem:v26+s10+$0x0], $0xffff  }
0x608: {  	v23 =	vld.idx.msk [tilespmem:v23+s11+$0x0], $0xffff  }
0x609: {  	v27 =	vld.idx.msk [tilespmem:v27+s11+$0x0], $0xffff  }
0x60a: {  	s16 =	sadd.s32 $0x11, s14;
	v26 =	vld.idx.msk [tilespmem:v26+s11+$0x0], $0xffff  }
0x60b: {  	v41 =	vadd.s32 s16, v1;
	v25 =	vld.idx.msk [tilespmem:v25+s10+$0x0], $0xffff  }
0x60c: {  	v18 =	vld.idx.msk [tilespmem:v18+s10+$0x0], $0xffff  }
0x60d: {  	[tilespmem:v33+s4+$0x0] =	vst.idx.add.f32.msk $0xffff, v19  }
0x60e: {  	v17 =	vld.idx.msk [tilespmem:v17+s11+$0x0], $0xffff  }
0x60f: {  	s16 =	sadd.s32 $0x10, s14;
	[tilespmem:v32+s4+$0x0] =	vst.idx.add.f32.msk $0xffff, v14  }
0x610: {  	v14 =	vadd.s32 s16, v1;
	v19 =	vld.idx.msk [tilespmem:v41+s10+$0x0], $0xffff  }
0x611: {  	[tilespmem:v31+s4+$0x0] =	vst.idx.add.f32.msk $0xffff, v35  }
0x612: {  	[tilespmem:v22+s4+$0x0] =	vst.idx.add.f32.msk $0xffff, v18  }
0x613: {  	s16 =	sadd.s32 $0x13, s14;
	[tilespmem:v39+s4+$0x0] =	vst.idx.add.f32.msk $0xffff, v25  }
0x614: {  	v18 =	vadd.s32 s16, v1;
	v16 =	vld.idx.msk [tilespmem:v16+s11+$0x0], $0xffff  }
0x615: {  	s16 =	sadd.s32 $0x15, s14;
	v22 =	vld.idx.msk [tilespmem:v14+s11+$0x0], $0xffff  }
0x616: {  	[tilespmem:v17+s4+$0x0] =	vst.idx.add.f32.msk $0xffff, v24;
	v17 =	vadd.s32 s16, v1  }
0x617: {  	v24 =	vld.idx.msk [tilespmem:v41+s11+$0x0], $0xffff  }
0x618: {  	v14 =	vld.idx.msk [tilespmem:v14+s10+$0x0], $0xffff  }
0x619: {  	v25 =	vld.idx.msk [tilespmem:v18+s10+$0x0], $0xffff  }
0x61a: {  	v18 =	vld.idx.msk [tilespmem:v18+s11+$0x0], $0xffff  }
0x61b: {  	v31 =	vld.idx.msk [tilespmem:v17+s10+$0x0], $0xffff  }
0x61c: {  	v32 =	vadd.s32 s15, v1;
	[tilespmem:v16+s4+$0x0] =	vst.idx.add.f32.msk $0xffff, v30  }
0x61d: {  	v16 =	vld.idx.msk [tilespmem:v17+s11+$0x0], $0xffff  }
0x61e: {  	[tilespmem:v22+s4+$0x0] =	vst.idx.add.f32.msk $0xffff, v14  }
0x61f: {  	[tilespmem:v24+s4+$0x0] =	vst.idx.add.f32.msk $0xffff, v19  }
0x620: {  	s14 =	sadd.s32 $0x17, s14;
	[tilespmem:v28+s4+$0x0] =	vst.idx.add.f32.msk $0xffff, v15  }
0x621: {  	v15 =	vadd.s32 s14, v1;
	v14 =	vld.idx.msk [tilespmem:v32+s11+$0x0], $0xffff  }
0x622: {  	[tilespmem:v18+s4+$0x0] =	vst.idx.add.f32.msk $0xffff, v25  }
0x623: {  	v17 =	vld.idx.msk [tilespmem:v32+s10+$0x0], $0xffff  }
0x624: {  	v11 =	vld.idx.msk [tilespmem:v11+s11+$0x0], $0xffff  }
0x625: {  	[tilespmem:v16+s4+$0x0] =	vst.idx.add.f32.msk $0xffff, v31  }
0x626: {  	v16 =	vld.idx.msk [tilespmem:v15+s10+$0x0], $0xffff  }
0x627: {  	v15 =	vld.idx.msk [tilespmem:v15+s11+$0x0], $0xffff  }
0x628: {  	[tilespmem:v26+s4+$0x0] =	vst.idx.add.f32.msk $0xffff, v40  }
0x629: {  	[tilespmem:v14+s4+$0x0] =	vst.idx.add.f32.msk $0xffff, v17  }
0x62a: {  	v7 =	vld.idx.msk [tilespmem:v7+s11+$0x0], $0xffff  }
0x62b: {  	v9 =	vld.idx.msk [tilespmem:v9+s11+$0x0], $0xffff  }
0x62c: {  	[tilespmem:v11+s4+$0x0] =	vst.idx.add.f32.msk $0xffff, v29  }
0x62d: {  	[tilespmem:v36+s4+$0x0] =	vst.idx.add.f32.msk $0xffff, v21  }
0x62e: {  	[tilespmem:v27+s4+$0x0] =	vst.idx.add.f32.msk $0xffff, v37  }
0x62f: {  	[tilespmem:v15+s4+$0x0] =	vst.idx.add.f32.msk $0xffff, v16  }
0x630: {  	[tilespmem:v23+s4+$0x0] =	vst.idx.add.f32.msk $0xffff, v38  }
.Ltmp12:
0x631: {  	[tilespmem:v10+s4+$0x0] =	vst.idx.add.f32.msk $0xffff, v8;
	(pc) =	sbr.rel @p0 .LBB2_21-.Ltmp12, $4  }
0x632: {  	[tilespmem:v7+s4+$0x0] =	vst.idx.add.f32.msk $0xffff, v13  }
0x633: {  	[tilespmem:v9+s4+$0x0] =	vst.idx.add.f32.msk $0xffff, v12  }
0x634: {  	[tilespmem:v34+s4+$0x0] =	vst.idx.add.f32.msk $0xffff, v20  }
0x635: {  	[tilespmem:v5+s4+$0x0] =	vst.idx.add.f32.msk $0xffff, v6  }
0x636: {  	_ =	sdelay $0x3  }
0x637: {  	[tilespmem:v3+s4+$0x0] =	vst.idx.add.f32.msk $0xffff, v4  }
0x638: {  	s5 =	simm.s32 $0x0;
	_ =	swait.ge [sflag:s30], $0x7D0  }
0x639: {  	v3 =	vadd.s32 s5, v1;
	[sflag:s30] =	ssyncset.done $0x0  }
0x63a: {  	s29 =	simm.s32 $0x18;
	[sflag:s30] =	ssyncadd.s32 $0xFFFFF830  }
0x63b: {  	s14 =	simm.s32 $0x7;
	v4 =	vadd.s32 s29, v1;
	_ =	swait.ge [sflag:s31], $0x7D0  }
0x63c: {  	v5 =	vadd.s32 s14, v1;
	[sflag:s31] =	ssyncset.done $0x0  }
0x63d: {  	s15 =	simm.s32 $0x5;
	[sflag:s31] =	ssyncadd.s32 $0xFFFFF830  }
0x63e: {  	s16 =	simm.s32 $0x4;
	v7 =	vadd.s32 s15, v1;
	v6 =	vld.idx.msk [tilespmem:v3+s13+$0x0], $0xffff  }
0x63f: {  	s24 =	simm.s32 $0x16;
	v8 =	vadd.s32 s16, v1;
	v9 =	vld.idx.msk [tilespmem:v3+s12+$0x0], $0xffff  }
0x640: {  	s25 =	simm.s32 $0xE;
	v10 =	vadd.s32 s24, v1;
	v11 =	vld.idx.msk [tilespmem:v4+s12+$0x0], $0xffff  }
0x641: {  	s26 =	simm.s32 $0x14;
	v12 =	vadd.s32 s25, v1;
	v3 =	vld.idx.msk [tilespmem:v5+s13+$0x0], $0xffff  }
0x642: {  	s28 =	simm.s32 $0x12;
	v13 =	vadd.s32 s26, v1;
	v14 =	vld.idx.msk [tilespmem:v4+s13+$0x0], $0xffff  }
0x643: {  	s29 =	simm.s32 $0x2;
	v15 =	vadd.s32 s28, v1;
	v16 =	vld.idx.msk [tilespmem:v7+s13+$0x0], $0xffff  }
0x644: {  	s15 =	simm.s32 $0x3;
	v17 =	vadd.s32 s29, v1;
	v18 =	vld.idx.msk [tilespmem:v8+s12+$0x0], $0xffff  }
0x645: {  	v19 =	vadd.s32 s15, v1;
	v20 =	vld.idx.msk [tilespmem:v10+s12+$0x0], $0xffff  }
0x646: {  	v21 =	vld.idx.msk [tilespmem:v12+s13+$0x0], $0xffff  }
0x647: {  	v22 =	vld.idx.msk [tilespmem:v13+s12+$0x0], $0xffff  }
0x648: {  	s16 =	simm.s32 $0x6;
	v23 =	vld.idx.msk [tilespmem:v15+s12+$0x0], $0xffff  }
0x649: {  	v24 =	vadd.s32 s16, v1;
	v25 =	vld.idx.msk [tilespmem:v17+s12+$0x0], $0xffff  }
0x64a: {  	s24 =	simm.s32 $0x8;
	v26 =	vld.idx.msk [tilespmem:v19+s13+$0x0], $0xffff  }
0x64b: {  	s25 =	simm.s32 $0xF;
	v27 =	vadd.s32 s24, v1;
	v12 =	vld.idx.msk [tilespmem:v12+s12+$0x0], $0xffff  }
0x64c: {  	v28 =	vadd.s32 s25, v1;
	v4 =	vld.idx.msk [tilespmem:v5+s12+$0x0], $0xffff  }
0x64d: {  	s26 =	simm.s32 $0x9;
	v5 =	vld.idx.msk [tilespmem:v19+s12+$0x0], $0xffff  }
0x64e: {  	s28 =	simm.s32 $0xD;
	v53 =	vadd.s32 s26, v1;
	v29 =	vld.idx.msk [tilespmem:v24+s13+$0x0], $0xffff  }
0x64f: {  	v30 =	vadd.s32 s28, v1;
	v24 =	vld.idx.msk [tilespmem:v24+s12+$0x0], $0xffff  }
0x650: {  	v31 =	vld.idx.msk [tilespmem:v27+s13+$0x0], $0xffff  }
0x651: {  	s14 =	simm.s32 $0xB;
	v32 =	vld.idx.msk [tilespmem:v28+s12+$0x0], $0xffff  }
0x652: {  	v34 =	vadd.s32 s14, v1;
	v27 =	vld.idx.msk [tilespmem:v27+s12+$0x0], $0xffff  }
0x653: {  	v35 =	vld.idx.msk [tilespmem:v53+s13+$0x0], $0xffff  }
0x654: {  	v37 =	vld.idx.msk [tilespmem:v30+s12+$0x0], $0xffff  }
0x655: {  	v19 =	vld.idx.msk [tilespmem:v53+s12+$0x0], $0xffff  }
0x656: {  	v28 =	vld.idx.msk [tilespmem:v28+s13+$0x0], $0xffff  }
0x657: {  	v39 =	vld.idx.msk [tilespmem:v34+s13+$0x0], $0xffff  }
0x658: {  	s29 =	simm.s32 $0xA;
	v30 =	vld.idx.msk [tilespmem:v30+s13+$0x0], $0xffff  }
0x659: {  	s15 =	simm.s32 $0xC;
	v33 =	vadd.s32 s29, v1;
	v34 =	vld.idx.msk [tilespmem:v34+s12+$0x0], $0xffff  }
0x65a: {  	v36 =	vadd.s32 s15, v1;
	v7 =	vld.idx.msk [tilespmem:v7+s12+$0x0], $0xffff  }
0x65b: {  	v8 =	vld.idx.msk [tilespmem:v8+s13+$0x0], $0xffff  }
0x65c: {  	s16 =	simm.s32 $0x11;
	v15 =	vld.idx.msk [tilespmem:v15+s13+$0x0], $0xffff  }
0x65d: {  	v41 =	vadd.s32 s16, v1;
	v10 =	vld.idx.msk [tilespmem:v10+s13+$0x0], $0xffff  }
0x65e: {  	s25 =	simm.s32 $0x13;
	v38 =	vld.idx.msk [tilespmem:v33+s12+$0x0], $0xffff  }
0x65f: {  	s26 =	simm.s32 $0x15;
	v55 =	vadd.s32 s25, v1;
	v40 =	vld.idx.msk [tilespmem:v36+s12+$0x0], $0xffff  }
0x660: {  	s28 =	simm.s32 $0x1;
	v57 =	vadd.s32 s26, v1;
	v33 =	vld.idx.msk [tilespmem:v33+s13+$0x0], $0xffff  }
0x661: {  	v61 =	vadd.s32 s28, v1;
	v36 =	vld.idx.msk [tilespmem:v36+s13+$0x0], $0xffff  }
0x662: {  	v54 =	vld.idx.msk [tilespmem:v41+s12+$0x0], $0xffff  }
0x663: {  	v58 =	vld.idx.msk [tilespmem:v41+s13+$0x0], $0xffff  }
0x664: {  	v59 =	vld.idx.msk [tilespmem:v55+s12+$0x0], $0xffff  }
0x665: {  	v60 =	vld.idx.msk [tilespmem:v57+s12+$0x0], $0xffff  }
0x666: {  	v63 =	vld.idx.msk [tilespmem:v61+s12+$0x0], $0xffff  }
0x667: {  	s24 =	simm.s32 $0x10;
	[tilespmem:v29+s4+$0x0] =	vst.idx.add.f32.msk $0xffff, v24  }
0x668: {  	[tilespmem:v26+s4+$0x0] =	vst.idx.add.f32.msk $0xffff, v5;
	v5 =	vadd.s32 s24, v1  }
0x669: {  	[tilespmem:v28+s4+$0x0] =	vst.idx.add.f32.msk $0xffff, v32  }
0x66a: {  	[tilespmem:v16+s4+$0x0] =	vst.idx.add.f32.msk $0xffff, v7  }
0x66b: {  	[tilespmem:v39+s4+$0x0] =	vst.idx.add.f32.msk $0xffff, v34  }
0x66c: {  	s29 =	simm.s32 $0x17;
	v7 =	vld.idx.msk [tilespmem:v17+s13+$0x0], $0xffff  }
0x66d: {  	v62 =	vadd.s32 s29, v1;
	v56 =	vld.idx.msk [tilespmem:v5+s13+$0x0], $0xffff  }
0x66e: {  	[tilespmem:v8+s4+$0x0] =	vst.idx.add.f32.msk $0xffff, v18  }
0x66f: {  	v16 =	vld.idx.msk [tilespmem:v55+s13+$0x0], $0xffff  }
0x670: {  	v5 =	vld.idx.msk [tilespmem:v5+s12+$0x0], $0xffff  }
0x671: {  	[tilespmem:v21+s4+$0x0] =	vst.idx.add.f32.msk $0xffff, v12  }
0x672: {  	v8 =	vld.idx.msk [tilespmem:v62+s13+$0x0], $0xffff  }
0x673: {  	[tilespmem:v15+s4+$0x0] =	vst.idx.add.f32.msk $0xffff, v23  }
0x674: {  	[tilespmem:v35+s4+$0x0] =	vst.idx.add.f32.msk $0xffff, v19  }
0x675: {  	[tilespmem:v56+s4+$0x0] =	vst.idx.add.f32.msk $0xffff, v5  }
0x676: {  	v5 =	vld.idx.msk [tilespmem:v61+s13+$0x0], $0xffff  }
0x677: {  	[tilespmem:v7+s4+$0x0] =	vst.idx.add.f32.msk $0xffff, v25  }
0x678: {  	v7 =	vld.idx.msk [tilespmem:v57+s13+$0x0], $0xffff  }
0x679: {  	[tilespmem:v30+s4+$0x0] =	vst.idx.add.f32.msk $0xffff, v37  }
0x67a: {  	[tilespmem:v14+s4+$0x0] =	vst.idx.add.f32.msk $0xffff, v11  }
0x67b: {  	[tilespmem:v10+s4+$0x0] =	vst.idx.add.f32.msk $0xffff, v20  }
0x67c: {  	[tilespmem:v31+s4+$0x0] =	vst.idx.add.f32.msk $0xffff, v27  }
0x67d: {  	[tilespmem:v6+s4+$0x0] =	vst.idx.add.f32.msk $0xffff, v9  }
0x67e: {  	[tilespmem:v5+s4+$0x0] =	vst.idx.add.f32.msk $0xffff, v63  }
0x67f: {  	v5 =	vld.idx.msk [tilespmem:v13+s13+$0x0], $0xffff  }
0x680: {  	[tilespmem:v7+s4+$0x0] =	vst.idx.add.f32.msk $0xffff, v60  }
0x681: {  	v7 =	vld.idx.msk [tilespmem:v62+s12+$0x0], $0xffff  }
0x682: {  	[tilespmem:v58+s4+$0x0] =	vst.idx.add.f32.msk $0xffff, v54  }
0x683: {  	[tilespmem:v36+s4+$0x0] =	vst.idx.add.f32.msk $0xffff, v40  }
0x684: {  	[tilespmem:v33+s4+$0x0] =	vst.idx.add.f32.msk $0xffff, v38  }
0x685: {  	[tilespmem:v16+s4+$0x0] =	vst.idx.add.f32.msk $0xffff, v59  }
0x686: {  	[tilespmem:v8+s4+$0x0] =	vst.idx.add.f32.msk $0xffff, v7  }
0x687: {  	s5 =	simm.s32 $0x19;
	[tilespmem:v5+s4+$0x0] =	vst.idx.add.f32.msk $0xffff, v22  }
.LBB2_23:
0x688: {  	s16 =	sadd.s32 $0x3, s5  }
0x689: {  	v6 =	vadd.s32 s5, v1;
	s24 =	sadd.s32 $0x7, s5;
	s25 =	sadd.s32 $0xE, s5;
	[tilespmem:v3+s4+$0x0] =	vst.idx.add.f32.msk $0xffff, v4;
	s14 =	smov.u32 s5  }
0x68a: {  	s15 =	sadd.s32 $0x1, s5;
	s26 =	sadd.s32 $0x2, s5;
	v14 =	vadd.s32 s16, v1;
	v4 =	vadd.s32 s24, v1;
	v15 =	vadd.s32 s25, v1;
	s16 =	sadd.s32 $0x18, s5  }
0x68b: {  	v16 =	vadd.s32 s26, v1;
	s24 =	sadd.s32 $0x12, s5;
	s25 =	sadd.s32 $0x14, s5;
	s26 =	sadd.s32 $0x16, s5;
	v10 =	vadd.s32 s16, v1  }
0x68c: {  	p0 =	slt.u32 s5, $0x64;
	s5 =	sadd.s32 $0x19, s5;
	s16 =	sadd.s32 $0x4, s14;
	v11 =	vadd.s32 s24, v1;
	v7 =	vadd.s32 s25, v1  }
0x68d: {  	v9 =	vadd.s32 s26, v1;
	v17 =	vadd.s32 s16, v1;
	s16 =	sadd.s32 $0x5, s14  }
0x68e: {  	v18 =	vadd.s32 s16, v1;
	s16 =	sadd.s32 $0x6, s14;
	v5 =	vld.idx.msk [tilespmem:v6+s13+$0x0], $0xffff  }
0x68f: {  	v19 =	vadd.s32 s16, v1;
	v6 =	vld.idx.msk [tilespmem:v6+s12+$0x0], $0xffff  }
0x690: {  	s16 =	sadd.s32 $0x8, s14;
	v8 =	vld.idx.msk [tilespmem:v10+s12+$0x0], $0xffff  }
0x691: {  	v20 =	vadd.s32 s16, v1;
	s16 =	sadd.s32 $0x9, s14;
	v3 =	vld.idx.msk [tilespmem:v4+s13+$0x0], $0xffff  }
0x692: {  	v21 =	vadd.s32 s16, v1;
	s16 =	sadd.s32 $0xA, s14;
	v10 =	vld.idx.msk [tilespmem:v10+s13+$0x0], $0xffff  }
0x693: {  	v23 =	vadd.s32 s16, v1;
	s16 =	sadd.s32 $0xB, s14;
	v22 =	vld.idx.msk [tilespmem:v18+s13+$0x0], $0xffff  }
0x694: {  	v25 =	vadd.s32 s16, v1;
	s16 =	sadd.s32 $0xC, s14;
	v24 =	vld.idx.msk [tilespmem:v17+s12+$0x0], $0xffff  }
0x695: {  	v26 =	vadd.s32 s16, v1;
	s16 =	sadd.s32 $0xD, s14;
	v12 =	vld.idx.msk [tilespmem:v9+s12+$0x0], $0xffff  }
0x696: {  	v27 =	vadd.s32 s16, v1;
	v28 =	vld.idx.msk [tilespmem:v15+s13+$0x0], $0xffff  }
0x697: {  	v13 =	vld.idx.msk [tilespmem:v7+s12+$0x0], $0xffff  }
0x698: {  	s16 =	sadd.s32 $0xF, s14;
	v29 =	vld.idx.msk [tilespmem:v11+s12+$0x0], $0xffff  }
0x699: {  	v31 =	vadd.s32 s16, v1;
	v30 =	vld.idx.msk [tilespmem:v16+s12+$0x0], $0xffff  }
0x69a: {  	v32 =	vld.idx.msk [tilespmem:v14+s13+$0x0], $0xffff  }
0x69b: {  	v15 =	vld.idx.msk [tilespmem:v15+s12+$0x0], $0xffff  }
0x69c: {  	v4 =	vld.idx.msk [tilespmem:v4+s12+$0x0], $0xffff  }
0x69d: {  	v14 =	vld.idx.msk [tilespmem:v14+s12+$0x0], $0xffff  }
0x69e: {  	v33 =	vld.idx.msk [tilespmem:v19+s13+$0x0], $0xffff  }
0x69f: {  	v19 =	vld.idx.msk [tilespmem:v19+s12+$0x0], $0xffff  }
0x6a0: {  	v34 =	vld.idx.msk [tilespmem:v20+s13+$0x0], $0xffff  }
0x6a1: {  	v35 =	vld.idx.msk [tilespmem:v31+s12+$0x0], $0xffff  }
0x6a2: {  	v20 =	vld.idx.msk [tilespmem:v20+s12+$0x0], $0xffff  }
0x6a3: {  	v36 =	vld.idx.msk [tilespmem:v21+s13+$0x0], $0xffff  }
0x6a4: {  	v37 =	vld.idx.msk [tilespmem:v27+s12+$0x0], $0xffff  }
0x6a5: {  	v21 =	vld.idx.msk [tilespmem:v21+s12+$0x0], $0xffff  }
0x6a6: {  	v31 =	vld.idx.msk [tilespmem:v31+s13+$0x0], $0xffff  }
0x6a7: {  	v38 =	vld.idx.msk [tilespmem:v23+s12+$0x0], $0xffff  }
0x6a8: {  	v39 =	vld.idx.msk [tilespmem:v25+s13+$0x0], $0xffff  }
0x6a9: {  	v40 =	vld.idx.msk [tilespmem:v26+s12+$0x0], $0xffff  }
0x6aa: {  	v23 =	vld.idx.msk [tilespmem:v23+s13+$0x0], $0xffff  }
0x6ab: {  	v27 =	vld.idx.msk [tilespmem:v27+s13+$0x0], $0xffff  }
0x6ac: {  	s16 =	sadd.s32 $0x11, s14;
	v26 =	vld.idx.msk [tilespmem:v26+s13+$0x0], $0xffff  }
0x6ad: {  	v41 =	vadd.s32 s16, v1;
	v25 =	vld.idx.msk [tilespmem:v25+s12+$0x0], $0xffff  }
0x6ae: {  	v18 =	vld.idx.msk [tilespmem:v18+s12+$0x0], $0xffff  }
0x6af: {  	[tilespmem:v33+s4+$0x0] =	vst.idx.add.f32.msk $0xffff, v19  }
0x6b0: {  	v17 =	vld.idx.msk [tilespmem:v17+s13+$0x0], $0xffff  }
0x6b1: {  	s16 =	sadd.s32 $0x10, s14;
	[tilespmem:v32+s4+$0x0] =	vst.idx.add.f32.msk $0xffff, v14  }
0x6b2: {  	v14 =	vadd.s32 s16, v1;
	v19 =	vld.idx.msk [tilespmem:v41+s12+$0x0], $0xffff  }
0x6b3: {  	[tilespmem:v31+s4+$0x0] =	vst.idx.add.f32.msk $0xffff, v35  }
0x6b4: {  	[tilespmem:v22+s4+$0x0] =	vst.idx.add.f32.msk $0xffff, v18  }
0x6b5: {  	s16 =	sadd.s32 $0x13, s14;
	[tilespmem:v39+s4+$0x0] =	vst.idx.add.f32.msk $0xffff, v25  }
0x6b6: {  	v18 =	vadd.s32 s16, v1;
	v16 =	vld.idx.msk [tilespmem:v16+s13+$0x0], $0xffff  }
0x6b7: {  	s16 =	sadd.s32 $0x15, s14;
	v22 =	vld.idx.msk [tilespmem:v14+s13+$0x0], $0xffff  }
0x6b8: {  	[tilespmem:v17+s4+$0x0] =	vst.idx.add.f32.msk $0xffff, v24;
	v17 =	vadd.s32 s16, v1  }
0x6b9: {  	v24 =	vld.idx.msk [tilespmem:v41+s13+$0x0], $0xffff  }
0x6ba: {  	v14 =	vld.idx.msk [tilespmem:v14+s12+$0x0], $0xffff  }
0x6bb: {  	v25 =	vld.idx.msk [tilespmem:v18+s12+$0x0], $0xffff  }
0x6bc: {  	v18 =	vld.idx.msk [tilespmem:v18+s13+$0x0], $0xffff  }
0x6bd: {  	v31 =	vld.idx.msk [tilespmem:v17+s12+$0x0], $0xffff  }
0x6be: {  	v32 =	vadd.s32 s15, v1;
	[tilespmem:v16+s4+$0x0] =	vst.idx.add.f32.msk $0xffff, v30  }
0x6bf: {  	v16 =	vld.idx.msk [tilespmem:v17+s13+$0x0], $0xffff  }
0x6c0: {  	[tilespmem:v22+s4+$0x0] =	vst.idx.add.f32.msk $0xffff, v14  }
0x6c1: {  	[tilespmem:v24+s4+$0x0] =	vst.idx.add.f32.msk $0xffff, v19  }
0x6c2: {  	s14 =	sadd.s32 $0x17, s14;
	[tilespmem:v28+s4+$0x0] =	vst.idx.add.f32.msk $0xffff, v15  }
0x6c3: {  	v15 =	vadd.s32 s14, v1;
	v14 =	vld.idx.msk [tilespmem:v32+s13+$0x0], $0xffff  }
0x6c4: {  	[tilespmem:v18+s4+$0x0] =	vst.idx.add.f32.msk $0xffff, v25  }
0x6c5: {  	v17 =	vld.idx.msk [tilespmem:v32+s12+$0x0], $0xffff  }
0x6c6: {  	v11 =	vld.idx.msk [tilespmem:v11+s13+$0x0], $0xffff  }
0x6c7: {  	[tilespmem:v16+s4+$0x0] =	vst.idx.add.f32.msk $0xffff, v31  }
0x6c8: {  	v16 =	vld.idx.msk [tilespmem:v15+s12+$0x0], $0xffff  }
0x6c9: {  	v15 =	vld.idx.msk [tilespmem:v15+s13+$0x0], $0xffff  }
0x6ca: {  	[tilespmem:v26+s4+$0x0] =	vst.idx.add.f32.msk $0xffff, v40  }
0x6cb: {  	[tilespmem:v14+s4+$0x0] =	vst.idx.add.f32.msk $0xffff, v17  }
0x6cc: {  	v7 =	vld.idx.msk [tilespmem:v7+s13+$0x0], $0xffff  }
0x6cd: {  	v9 =	vld.idx.msk [tilespmem:v9+s13+$0x0], $0xffff  }
0x6ce: {  	[tilespmem:v11+s4+$0x0] =	vst.idx.add.f32.msk $0xffff, v29  }
0x6cf: {  	[tilespmem:v36+s4+$0x0] =	vst.idx.add.f32.msk $0xffff, v21  }
0x6d0: {  	[tilespmem:v27+s4+$0x0] =	vst.idx.add.f32.msk $0xffff, v37  }
0x6d1: {  	[tilespmem:v15+s4+$0x0] =	vst.idx.add.f32.msk $0xffff, v16  }
0x6d2: {  	[tilespmem:v23+s4+$0x0] =	vst.idx.add.f32.msk $0xffff, v38  }
.Ltmp13:
0x6d3: {  	[tilespmem:v10+s4+$0x0] =	vst.idx.add.f32.msk $0xffff, v8;
	(pc) =	sbr.rel @p0 .LBB2_23-.Ltmp13, $4  }
0x6d4: {  	[tilespmem:v7+s4+$0x0] =	vst.idx.add.f32.msk $0xffff, v13  }
0x6d5: {  	[tilespmem:v9+s4+$0x0] =	vst.idx.add.f32.msk $0xffff, v12  }
0x6d6: {  	[tilespmem:v34+s4+$0x0] =	vst.idx.add.f32.msk $0xffff, v20  }
0x6d7: {  	[tilespmem:v5+s4+$0x0] =	vst.idx.add.f32.msk $0xffff, v6  }
0x6d8: {  	_ =	sdelay $0x3  }
0x6d9: {  	s25 =	sld [smem:$0x7FD];
	[tilespmem:v3+s4+$0x0] =	vst.idx.add.f32.msk $0xffff, v4  }
0x6da: {  	s26 =	sld [smem:$0x7FC];
	_ =	sdelay $0x1  }
0x6db: {  	vm0 =	veq.s32 v0, $0x0;
	v5 =	vmov s25  }
0x6dc: {  	v3 =	vsel vm0, s26, v5  }
0x6dd: {  	s24 =	simm.s32 $0x1D800;
	s16 =	simm.s32 $0xD;
	s5 =	rddreg [dreg:$0xd];
	[tilespmem:$0x1D800] =	vst v3  }
0x6de: {  	[hbm4b:s5+s4] =	stream.linear.scatter [tilespmem:s24], [sflag:$0xD], $0x80, $0x38;
	[tilespmem:$0x1D900] =	vst v63  }
0x6df: {  	_ =	swait.ge [sflag:s16], $0x80  }
0x6e0: {  	s14 =	sld [smem:$0x7FB];
	_ =	sdelay $0x1  }
0x6e1: {  	p0 =	sgt.s32 s26, $0x30FF  }
0x6e2: {  	[sflag:s16] =	ssyncset.done $0x0;
	p1 =	sgt.s32 @!p0 s14, $0xFFFFFFFF  }
0x6e3: {  	[sflag:s16] =	ssyncadd.s32 $0xFFFFFF80;
	s16 =	rddreg [dreg:$0xe];
	p0 =	por p1, p0  }
0x6e4: {  	s5 =	simm.s32 @!p0 $0x80;
	s14 =	simm.s32 @!p0 $0x400;
	s15 =	simm.s32 @!p0 $0x0  }
0x6e5: {  	[hbm4b:s16+s5] =	stream.strided.scatter @!p0 [tilespmem:s15], [sflag:$0xD], $0x3100, s14, s5, $0x38;
	[tilespmem:$0x1D900] =	vst v63  }
0x6e6: {  	s5 =	simm.s32 @!p0 $0xD  }
0x6e7: {  	p1 =	sgt.s32 s26, $0x61FF;
	_ =	swait.ge @!p0 [sflag:s5], $0x3100  }
0x6e8: {  	p2 =	slt.s32 @!p1 s25, $0x3100;
	[sflag:s5] =	ssyncset.done @!p0 $0x0  }
0x6e9: {  	s16 =	rddreg [dreg:$0xf];
	[sflag:s5] =	ssyncadd.s32 @!p0 $0xFFFFCF00;
	p0 =	por p2, p1  }
0x6ea: {  	s5 =	simm.s32 @!p0 $0x80;
	s14 =	simm.s32 @!p0 $0x400;
	s15 =	simm.s32 @!p0 $0x3100  }
0x6eb: {  	[hbm4b:s16+s5] =	stream.strided.scatter @!p0 [tilespmem:s15], [sflag:$0xD], $0x3100, s14, s5, $0x38;
	[tilespmem:$0x1D900] =	vst v63  }
0x6ec: {  	s5 =	simm.s32 @!p0 $0xD  }
0x6ed: {  	p1 =	sgt.s32 s26, $0x92FF;
	_ =	swait.ge @!p0 [sflag:s5], $0x3100  }
0x6ee: {  	p2 =	slt.s32 @!p1 s25, $0x6200;
	[sflag:s5] =	ssyncset.done @!p0 $0x0  }
0x6ef: {  	s16 =	rddreg [dreg:$0x10];
	[sflag:s5] =	ssyncadd.s32 @!p0 $0xFFFFCF00;
	p0 =	por p2, p1  }
0x6f0: {  	s5 =	simm.s32 @!p0 $0x80;
	s14 =	simm.s32 @!p0 $0x400;
	s15 =	simm.s32 @!p0 $0x6200  }
0x6f1: {  	[hbm4b:s16+s5] =	stream.strided.scatter @!p0 [tilespmem:s15], [sflag:$0xD], $0x3100, s14, s5, $0x38;
	[tilespmem:$0x1D900] =	vst v63  }
0x6f2: {  	s5 =	simm.s32 @!p0 $0xD  }
0x6f3: {  	p1 =	sgt.s32 s26, $0xC3FF;
	_ =	swait.ge @!p0 [sflag:s5], $0x3100  }
0x6f4: {  	p2 =	slt.s32 @!p1 s25, $0x9300;
	[sflag:s5] =	ssyncset.done @!p0 $0x0  }
0x6f5: {  	s16 =	rddreg [dreg:$0x11];
	[sflag:s5] =	ssyncadd.s32 @!p0 $0xFFFFCF00;
	p0 =	por p2, p1  }
0x6f6: {  	s5 =	simm.s32 @!p0 $0x80;
	s14 =	simm.s32 @!p0 $0x400;
	s15 =	simm.s32 @!p0 $0x9300  }
0x6f7: {  	[hbm4b:s16+s5] =	stream.strided.scatter @!p0 [tilespmem:s15], [sflag:$0xD], $0x3100, s14, s5, $0x38;
	[tilespmem:$0x1D900] =	vst v63  }
0x6f8: {  	s5 =	simm.s32 @!p0 $0xD  }
0x6f9: {  	p1 =	sgt.s32 s26, $0xF4FF;
	_ =	swait.ge @!p0 [sflag:s5], $0x3100  }
0x6fa: {  	p2 =	slt.s32 @!p1 s25, $0xC400;
	[sflag:s5] =	ssyncset.done @!p0 $0x0  }
0x6fb: {  	s16 =	rddreg [dreg:$0x12];
	[sflag:s5] =	ssyncadd.s32 @!p0 $0xFFFFCF00;
	p0 =	por p2, p1  }
0x6fc: {  	s5 =	simm.s32 @!p0 $0x80;
	s14 =	simm.s32 @!p0 $0x400;
	s15 =	simm.s32 @!p0 $0xC400  }
0x6fd: {  	[hbm4b:s16+s5] =	stream.strided.scatter @!p0 [tilespmem:s15], [sflag:$0xD], $0x3100, s14, s5, $0x38;
	[tilespmem:$0x1D900] =	vst v63  }
0x6fe: {  	s5 =	simm.s32 @!p0 $0xD  }
0x6ff: {  	p1 =	sgt.s32 s26, $0x125FF;
	_ =	swait.ge @!p0 [sflag:s5], $0x3100  }
0x700: {  	p2 =	slt.s32 @!p1 s25, $0xF500;
	[sflag:s5] =	ssyncset.done @!p0 $0x0  }
0x701: {  	s16 =	rddreg [dreg:$0x13];
	[sflag:s5] =	ssyncadd.s32 @!p0 $0xFFFFCF00;
	p0 =	por p2, p1  }
0x702: {  	s5 =	simm.s32 @!p0 $0x80;
	s14 =	simm.s32 @!p0 $0x400;
	s15 =	simm.s32 @!p0 $0xF500  }
0x703: {  	[hbm4b:s16+s5] =	stream.strided.scatter @!p0 [tilespmem:s15], [sflag:$0xD], $0x3100, s14, s5, $0x38;
	[tilespmem:$0x1D900] =	vst v63  }
0x704: {  	s5 =	simm.s32 @!p0 $0xD  }
0x705: {  	p1 =	sgt.s32 s26, $0x156FF;
	_ =	swait.ge @!p0 [sflag:s5], $0x3100  }
0x706: {  	p2 =	slt.s32 @!p1 s25, $0x12600;
	[sflag:s5] =	ssyncset.done @!p0 $0x0  }
0x707: {  	s16 =	rddreg [dreg:$0x14];
	[sflag:s5] =	ssyncadd.s32 @!p0 $0xFFFFCF00;
	p0 =	por p2, p1  }
0x708: {  	s5 =	simm.s32 @!p0 $0x80;
	s14 =	simm.s32 @!p0 $0x400;
	s15 =	simm.s32 @!p0 $0x12600  }
0x709: {  	[hbm4b:s16+s5] =	stream.strided.scatter @!p0 [tilespmem:s15], [sflag:$0xD], $0x3100, s14, s5, $0x38;
	[tilespmem:$0x1D900] =	vst v63  }
0x70a: {  	s5 =	simm.s32 @!p0 $0xD  }
0x70b: {  	p1 =	sgt.s32 s26, $0x187FF;
	_ =	swait.ge @!p0 [sflag:s5], $0x3100  }
0x70c: {  	p2 =	slt.s32 @!p1 s25, $0x15700;
	[sflag:s5] =	ssyncset.done @!p0 $0x0  }
0x70d: {  	s16 =	rddreg [dreg:$0x15];
	[sflag:s5] =	ssyncadd.s32 @!p0 $0xFFFFCF00;
	p0 =	por p2, p1  }
0x70e: {  	s5 =	simm.s32 @!p0 $0x80;
	s14 =	simm.s32 @!p0 $0x400;
	s15 =	simm.s32 @!p0 $0x15700  }
0x70f: {  	[hbm4b:s16+s5] =	stream.strided.scatter @!p0 [tilespmem:s15], [sflag:$0xD], $0x3100, s14, s5, $0x38;
	[tilespmem:$0x1D900] =	vst v63  }
0x710: {  	s5 =	simm.s32 @!p0 $0xD  }
0x711: {  	_ =	swait.ge @!p0 [sflag:s5], $0x3100  }
0x712: {  	s28 =	rddreg [dreg:$0x1f]  }
0x713: {  	s29 =	rddreg [dreg:$0x1d];
	s15 =	sadd.s32 $0x1, s28  }
0x714: {  	p1 =	sne.s32 s15, s29  }
.Ltmp14:
0x715: {  	_ = 	snop;
	(pc) =	sbr.rel @p1 .LBB2_1-.Ltmp14, $3  }
0x716: {  	_ =	sdelay $0x1  }
0x717: {  	[sflag:s5] =	ssyncset.done @!p0 $0x0  }
0x718: {  	[sflag:s5] =	ssyncadd.s32 @!p0 $0xFFFFCF00  }
0x719: {  	_ =	sfence.sel $0x180000  }
0x71a: {  	[bflag:$0x0] =	sbarrier.arrive $0xFFFF  }
0x71b: {  	_ =	strace $0x90000047  }
0x71c: {  	s0 =	stileid.u32;
	[bflag:$0x2] =	sbarrier.arrive $0xFFFF  }
0x71d: {  	p0 =	sne.s32 s0, $0x0;
	s0 =	rddreg [dreg:$0x4]  }
0x71e: {  	s0 =	sadd.s32 @!p0 $0x100000, s0  }
0x71f: {  	[sflag:s0] =	ssyncadd.tile.s32 @!p0 $0x1;
	_ =	shalt  }
.Lfunc_end2:
_tile_overlayer_lowered:
.L_overlay_start_2:
0x720: {  	(tag) =	ssettag $0x2  }
0x721: {  	s0 =	rddreg [dreg:$0x0];
	s2 =	stileid.u32  }
0x722: {  	s1 =	rddreg [dreg:$0x1];
	p0 =	sne.s32 s2, $0x0  }
0x723: {  	s3 =	rddreg [dreg:$0x2];
	[bflag:$0x3] =	sbarrier.arrive $0xFFFF;
	s2 =	simm.s32 @!p0 $0x1C0D  }
0x724: {  	[timem:s3], [sflag:s2] =	dma.local @!p0 [hbm:s0], s1  }
0x725: {  	s0 =	simm.s32 @!p0 $0xD  }
0x726: {  	_ =	swait.ge @!p0 [sflag:s0], s1  }
0x727: {  	s1 =	ssub.s32 @!p0 $0x0, s1;
	[sflag:s0] =	ssyncset.done @!p0 $0x0  }
0x728: {  	[sflag:s0] =	ssyncadd.s32 @!p0 s1  }
0x729: {  	[bflag:$0x3] =	sbarrier.arrive $0xFFFF  }
0x72a: {  	_ =	shalt  }

</sc_bundles>
